<compile_context>
chip_gen: v7x
topology: tpu7x:2x2x1
jax: 0.10.2.dev20260603
libtpu: 0.0.44.dev20260713+nightly
codegen_flags: <defaults>
</compile_context>

<pallas_src>
import functools

import jax
import jax.numpy as jnp
from jax import lax
from jax.experimental import pallas as pl
from jax.experimental.pallas import tpu as pltpu
from jax.experimental.pallas import tpu_sc as plsc

B, L, D = 8, 4096, 512
LP = 32
LQ = 128
NT = 6.0
ROWS_PER_SC = 4
QUARTERS = 4
JSEG = L // QUARTERS
DUMP = L + 15
CH = 64
NCH = JSEG // CH


NBL = 4
T = L // NBL
TP = T // LQ


def _tc_body(lens_ref, tokens_ref, wq_ref, wk_ref, skt_ref,
             probs_ref, bmask_ref, aux_ref, kcarry, acc):
    b = pl.program_id(0)
    i = pl.program_id(1)
    len_b = lens_ref[b]

    @pl.when(i * T < len_b)
    def _active():
        x = tokens_ref[0]
        q = lax.dot_general(x, wq_ref[...], (((1,), (1,)), ((), ())),
                            preferred_element_type=jnp.float32)
        k = lax.dot_general(x, wk_ref[...], (((1,), (1,)), ((), ())),
                            preferred_element_type=jnp.float32)
        prev = jnp.where(i == 0, skt_ref[...], kcarry[...])
        ksim = jnp.concatenate([prev, k[:-1, :]], axis=0)
        kcarry[...] = k[-1:, :]
        dot = jnp.sum(q * ksim, axis=1)
        qn = jnp.sqrt(jnp.sum(q * q, axis=1))
        kn = jnp.sqrt(jnp.sum(ksim * ksim, axis=1))
        cos = dot / jnp.maximum(qn * kn, 1e-8)
        probs = ((1.0 - cos) * 0.5).reshape(TP, LQ)

        pos = (i * T + lax.broadcasted_iota(jnp.int32, (TP, LQ), 0) * LQ
               + lax.broadcasted_iota(jnp.int32, (TP, LQ), 1))
        seq = pos < len_b
        bmask = ((probs > 0.5) | (pos == 0)) & seq

        probs_ref[0] = probs
        bmask_ref[0] = bmask.astype(jnp.int32)

        nc_part = jnp.sum(bmask.astype(jnp.float32))
        g_part = jnp.sum(jnp.where(seq, probs, 0.0))
        nc_f = jnp.where(i == 0, nc_part, acc[0] + nc_part)
        g_sum = jnp.where(i == 0, g_part, acc[1] + g_part)
        acc[0] = nc_f
        acc[1] = g_sum

        len_f = len_b.astype(jnp.float32)
        g_row = g_sum / len_f
        f_row = nc_f / len_f
        aux = NT / (NT - 1.0) * ((NT - 1.0) * f_row * g_row
                                 + (1.0 - f_row) * (1.0 - g_row))
        aux_ref[0] = jnp.full((1, LQ), aux, dtype=jnp.float32)

    @pl.when(jnp.logical_not(i * T < len_b))
    def _masked_tail():
        probs_ref[0] = jnp.zeros((TP, LQ), jnp.float32)
        bmask_ref[0] = jnp.zeros((TP, LQ), jnp.int32)


def _tc_probs(tokens, lens, w_q, w_k, skt):
    return pl.pallas_call(
        _tc_body,
        grid=(B, NBL),
        in_specs=[
            pl.BlockSpec(memory_space=pltpu.SMEM),
            pl.BlockSpec((1, T, D), lambda b, i: (b, i, 0)),
            pl.BlockSpec((D, D), lambda b, i: (0, 0)),
            pl.BlockSpec((D, D), lambda b, i: (0, 0)),
            pl.BlockSpec((1, D), lambda b, i: (0, 0)),
        ],
        out_specs=[
            pl.BlockSpec((1, TP, LQ), lambda b, i: (b, i, 0)),
            pl.BlockSpec((1, TP, LQ), lambda b, i: (b, i, 0)),
            pl.BlockSpec((1, 1, LQ), lambda b, i: (b, 0, 0)),
        ],
        out_shape=[
            jax.ShapeDtypeStruct((B, LP, LQ), jnp.float32),
            jax.ShapeDtypeStruct((B, LP, LQ), jnp.int32),
            jax.ShapeDtypeStruct((B, 1, LQ), jnp.float32),
        ],
        scratch_shapes=[
            pltpu.VMEM((1, D), jnp.float32),
            pltpu.SMEM((2,), jnp.float32),
        ],
        compiler_params=pltpu.CompilerParams(
            dimension_semantics=("arbitrary", "arbitrary")),
    )(lens, tokens, w_q, w_k, skt)


def _sc_body(tokens_ref, probs_ref, bmask_ref, lens_ref,
             ds_ref, gates_ref, cl_ref,
             lens_v, bm_v, pr_v, sel_v, bp_v, cl_v, gt_v,
             rows_v, rows2_v, zeros_v, sem, sem2, wsem, wsem2):
    c = lax.axis_index("c")
    s = lax.axis_index("s")
    wid = c * 16 + s
    row = wid // QUARTERS
    quarter = wid % QUARTERS
    jbase = quarter * JSEG
    base = row * L

    pltpu.sync_copy(lens_ref, lens_v)
    pltpu.sync_copy(bmask_ref.at[row], bm_v)
    pltpu.sync_copy(probs_ref.at[row], pr_v)
    len_r = lens_v[pl.ds(row, 16)][0]

    def _init(g, _):
        z16 = jnp.zeros((16,), jnp.int32)
        sel_v[pl.ds(g * 16, 16)] = z16
        bp_v[pl.ds(g * 16, 16)] = z16.astype(jnp.float32)
        return 0
    lax.fori_loop(0, (L + 16) // 16, _init, 0)

    def _compact(g, off):
        bm = bm_v[pl.ds(g * 16, 16)]
        msk = bm > 0
        posv = g * 16 + lax.iota(jnp.int32, 16)
        csum = plsc.cumsum(bm)
        dest = jnp.where(msk, off + csum - bm, DUMP)
        plsc.store_scatter(sel_v, [dest], base + posv)
        plsc.store_scatter(bp_v, [dest], pr_v[pl.ds(g * 16, 16)])
        return off + csum[15]
    nc = lax.fori_loop(0, L // 16, _compact, 0)
    lane0 = lax.iota(jnp.int32, 16) == 0
    plsc.store_scatter(sel_v, [jnp.where(lane0, nc, DUMP)],
                       jnp.full((16,), base + len_r, jnp.int32))

    @pl.when(quarter == 0)
    def _derive_out():
        def _derive(g, _):
            a = sel_v[pl.ds(g * 16, 16)]
            b2 = sel_v[pl.ds(g * 16 + 1, 16)]
            jv = g * 16 + lax.iota(jnp.int32, 16)
            cl_v[pl.ds(g * 16, 16)] = jnp.where(jv < nc, b2 - a, 0)
            gt_v[pl.ds(g * 16, 16)] = 1.0 - bp_v[pl.ds(g * 16, 16)]
            return 0
        lax.fori_loop(0, L // 16, _derive, 0)
        pltpu.sync_copy(cl_v, cl_ref.at[row])
        pltpu.sync_copy(gt_v, gates_ref.at[row])

    def _zinit(j, _):
        for dd in range(D // 16):
            zeros_v[j, pl.ds(dd * 16, 16)] = jnp.zeros((16,), jnp.float32)
        return 0
    lax.fori_loop(0, CH, _zinit, 0)

    def _j0(k):
        return (quarter + QUARTERS * k) * CH

    def _active(k):
        return jnp.logical_and(k < NCH, _j0(k) < nc)

    def _issue(k, buf, gsem):
        @pl.when(_active(k))
        def _():
            pltpu.async_copy(
                tokens_ref.at[sel_v.at[pl.ds(_j0(k), CH)]], buf, gsem)

    def _drain(k, buf, gsem):
        j0 = _j0(k)
        out_slice = ds_ref.at[pl.ds(base + j0, CH)]

        @pl.when(j0 < nc)
        def _():
            pltpu.make_async_copy(
                tokens_ref.at[sel_v.at[pl.ds(j0, CH)]], buf, gsem).wait()

            def _scale(j, _2):
                scl = bp_v[pl.ds(j0 + j, 16)][0]
                for dd in range(D // 16):
                    v = buf[j, pl.ds(dd * 16, 16)]
                    buf[j, pl.ds(dd * 16, 16)] = v * scl
                return 0
            lax.fori_loop(0, CH, _scale, 0)
            pltpu.sync_copy(buf, out_slice)

        @pl.when(jnp.logical_not(j0 < nc))
        def _():
            pltpu.sync_copy(zeros_v, out_slice)

    _issue(0, rows_v, sem)
    _issue(1, rows2_v, sem2)

    def _pair(i, _):
        g0 = 2 * i
        _drain(g0, rows_v, sem)
        _issue(g0 + 2, rows_v, sem)
        _drain(g0 + 1, rows2_v, sem2)
        _issue(g0 + 3, rows2_v, sem2)
        return 0
    lax.fori_loop(0, NCH // 2, _pair, 0)


@functools.partial(
    pl.kernel,
    out_type=[
        jax.ShapeDtypeStruct((B * L, D), jnp.float32),
        jax.ShapeDtypeStruct((B, L), jnp.float32),
        jax.ShapeDtypeStruct((B, L), jnp.int32),
    ],
    mesh=plsc.VectorSubcoreMesh(core_axis_name="c", subcore_axis_name="s"),
    compiler_params=pltpu.CompilerParams(needs_layout_passes=False),
    scratch_types=[
        pltpu.VMEM((32,), jnp.int32),
        pltpu.VMEM((L,), jnp.int32),
        pltpu.VMEM((L,), jnp.float32),
        pltpu.VMEM((L + 16,), jnp.int32),
        pltpu.VMEM((L + 16,), jnp.float32),
        pltpu.VMEM((L,), jnp.int32),
        pltpu.VMEM((L,), jnp.float32),
        pltpu.VMEM((CH, D), jnp.float32),
        pltpu.VMEM((CH, D), jnp.float32),
        pltpu.VMEM((CH, D), jnp.float32),
        pltpu.SemaphoreType.DMA,
        pltpu.SemaphoreType.DMA,
        pltpu.SemaphoreType.DMA,
        pltpu.SemaphoreType.DMA,
    ],
)
def _sc_compact(tokens_ref, probs_ref, bmask_ref, lens_ref,
                ds_ref, gates_ref, cl_ref, *scratch):
    _sc_body(tokens_ref, probs_ref, bmask_ref, lens_ref,
             ds_ref, gates_ref, cl_ref, *scratch)


def kernel(tokens, lens, W_qk, start_key_token):
    w_q = W_qk[:D]
    w_k = W_qk[D:]
    skt = start_key_token.reshape(1, D)
    probs3, bmask3, aux3 = _tc_probs(tokens, lens, w_q, w_k, skt)
    probs = probs3.reshape(B, L)
    bmask_i = bmask3.reshape(B, L)
    lens_pad = jnp.concatenate([lens, jnp.zeros((32 - B,), jnp.int32)])

    ds2, gates, chunk_lens = _sc_compact(
        tokens.reshape(B * L, D), probs, bmask_i, lens_pad)

    downsampled = ds2.reshape(B, L, D)
    boundary_mask = bmask_i.astype(bool)
    upsampler_output_scale = jnp.ones((B, L), jnp.float32)
    weighted_aux_loss = jnp.mean(aux3[:, 0, 0]) * 0.03
    return (downsampled, gates, chunk_lens, boundary_mask,
            upsampler_output_scale, weighted_aux_loss)

# --- scband reference (transcript-rebuilt; emitter-appended) ---
"""Pipeline reference for scband-dynamic-sequence-chunker-30468497998163 (READ-ONLY COPY).

The authoritative reference and input builder live on the scoring server;
editing this copy changes nothing except your own understanding.
"""

import jax, jax.numpy as jnp
import numpy as np


def straight_through(t, value):
    return t + jax.lax.stop_gradient(value - t)


def masked_mean(t, mask):
    num = jnp.sum(t * mask, axis=-1)
    den = jnp.maximum(jnp.sum(mask, axis=-1), 1.0)
    return num / den


def setup_inputs(seed: int = 0):
    B, L, D = 8, 4096, 512
    key = jax.random.key(seed)
    k1, k2, k3, k4 = jax.random.split(key, 4)
    tokens = jax.random.normal(k1, (B, L, D), dtype=jnp.float32)
    lens = jax.random.randint(k2, (B,), L // 2, L + 1).astype(jnp.int32)
    W_qk = (jax.random.normal(k3, (2 * D, D), dtype=jnp.float32) / np.sqrt(D)).astype(jnp.float32)
    start_key_token = jax.random.normal(k4, (D,), dtype=jnp.float32) * 0.01
    return {"tokens": tokens, "lens": lens, "W_qk": W_qk, "start_key_token": start_key_token}


def _forward(tokens, W_qk, start_key_token, lens):
    B, L, D = tokens.shape
    boundary_threshold = 0.5
    target_avg = 6.0
    ratio_loss_weight = 0.03
    # to_queries_keys: Linear(dim, 2*dim_qk, bias=False)
    qk = jnp.einsum('bld,ed->ble', tokens, W_qk)
    queries, keys = jnp.split(qk, 2, axis=-1)
    keys_prepend = jnp.broadcast_to(start_key_token, (B, 1, queries.shape[-1]))
    keys_for_sim = jnp.concatenate([keys_prepend, keys[:, :-1]], axis=1)
    dot = jnp.sum(queries * keys_for_sim, axis=-1)
    qn = jnp.linalg.norm(queries, axis=-1)
    kn = jnp.linalg.norm(keys_for_sim, axis=-1)
    cosine_sim = dot / jnp.maximum(qn * kn, 1e-8)
    probs = (1.0 - cosine_sim) * 0.5
    boundary_mask = probs > boundary_threshold
    boundary_mask = boundary_mask.at[:, 0].set(True)  # first token is always a boundary
    seq_mask = jnp.arange(L)[None, :] < lens[:, None]
    boundary_mask = boundary_mask & seq_mask
    num_chunks = jnp.sum(boundary_mask, axis=-1)
    # boundary mask with sequence-end marker appended (static-shape version of scatter_)
    bme = jnp.concatenate([boundary_mask, jnp.zeros((B, 1), dtype=bool)], axis=1)
    bme = bme.at[jnp.arange(B), lens].set(True)
    pos = jnp.arange(L + 1)
    sentinel = 2 * (L + 1)
    # static-shape equivalent of nonzero + split + pad_sequence(padding_value=-1)
    sel_sorted = jnp.sort(jnp.where(bme, pos[None, :], sentinel), axis=-1)
    valid_sel = pos[None, :] < (num_chunks + 1)[:, None]
    sel = jnp.where(valid_sel, sel_sorted, -1)
    mask = (sel != -1)[:, 1:]
    chunk_lens = jnp.where(mask, sel[:, 1:] - sel[:, :-1], 0)
    # static-shape equivalent of tokens[boundary_mask].split(...) + pad_sequence
    order = jnp.argsort(jnp.where(boundary_mask, jnp.arange(L)[None, :], L + jnp.arange(L)[None, :]), axis=-1)
    valid_chunk = jnp.arange(L)[None, :] < num_chunks[:, None]
    gathered_tokens = jnp.take_along_axis(tokens, order[..., None], axis=1)
    downsampled = jnp.where(valid_chunk[..., None], gathered_tokens, 0.0)
    gathered_probs = jnp.take_along_axis(probs, order, axis=1)
    boundary_probs = jnp.where(valid_chunk, gathered_probs, 0.0)
    gates = 1.0 - boundary_probs
    downsampled = downsampled * boundary_probs[..., None]
    confidence = jnp.where(boundary_mask, probs, 1.0 - probs)
    upsampler_output_scale = straight_through(confidence, 1.0)
    # aux ratio loss
    Nt = target_avg
    F = boundary_mask.astype(jnp.float32)
    sm = seq_mask.astype(jnp.float32)
    G = masked_mean(probs, sm)
    F_soft = jax.nn.sigmoid(probs - boundary_threshold)
    F = straight_through(F_soft, F)
    F = masked_mean(F, sm)
    aux_ratio_loss = Nt / (Nt - 1.0) * ((Nt - 1.0) * F * G + (1.0 - F) * (1.0 - G))
    aux_loss = jnp.mean(aux_ratio_loss)
    weighted_aux_loss = aux_loss * ratio_loss_weight
    return downsampled, gates, chunk_lens, boundary_mask, upsampler_output_scale, weighted_aux_loss


def reference(tokens, lens, W_qk, start_key_token):
    return _forward(tokens, W_qk, start_key_token, lens)

if __name__ == "__main__":
    import jax
    _d = setup_inputs()
    print(jax.jit(kernel)(*tuple(_d.values())))

</pallas_src>

<mosaic_0001>
#map = affine_map<(d0, d1) -> (0, 0)>
#map1 = affine_map<(d0, d1) -> (0)>
module attributes {stable_mosaic.version = 14 : i64} {
  func.func @_sc_compact(%arg0: i32, %arg1: i32, %arg2: memref<32768x512xf32, #tpu.memory_space<hbm>>, %arg3: memref<8x4096xf32, #tpu.memory_space<hbm>>, %arg4: memref<8x4096xi32, #tpu.memory_space<hbm>>, %arg5: memref<32xi32, #tpu.memory_space<hbm>>, %arg6: memref<32768x512xf32, #tpu.memory_space<hbm>>, %arg7: memref<8x4096xf32, #tpu.memory_space<hbm>>, %arg8: memref<8x4096xi32, #tpu.memory_space<hbm>>, %arg9: memref<32xi32, #tpu.memory_space<vmem>>, %arg10: memref<4096xi32, #tpu.memory_space<vmem>>, %arg11: memref<4096xf32, #tpu.memory_space<vmem>>, %arg12: memref<4112xi32, #tpu.memory_space<vmem>>, %arg13: memref<4112xf32, #tpu.memory_space<vmem>>, %arg14: memref<4096xi32, #tpu.memory_space<vmem>>, %arg15: memref<4096xf32, #tpu.memory_space<vmem>>, %arg16: memref<64x512xf32, #tpu.memory_space<vmem>>, %arg17: memref<64x512xf32, #tpu.memory_space<vmem>>, %arg18: memref<64x512xf32, #tpu.memory_space<vmem>>, %arg19: memref<!tpu.dma_semaphore, #tpu.memory_space<semaphore_mem>>, %arg20: memref<!tpu.dma_semaphore, #tpu.memory_space<semaphore_mem>>, %arg21: memref<!tpu.dma_semaphore, #tpu.memory_space<semaphore_mem>>, %arg22: memref<!tpu.dma_semaphore, #tpu.memory_space<semaphore_mem>>) attributes {dimension_semantics = [#tpu.dimension_semantics<core_parallel>, #tpu.dimension_semantics<subcore_parallel>], iteration_bounds = array<i64: 2, 16>, scalar_prefetch = 0 : i64, scratch_operands = 14 : i64, tpu.core_type = #tpu.core_type<sc_vector_subcore>, window_params = [{transform_indices = #map}, {transform_indices = #map}, {transform_indices = #map}, {transform_indices = #map1}, {transform_indices = #map}, {transform_indices = #map}, {transform_indices = #map}]} {
    %mul3A = arith.constant 16 : i32
    %mul3A_0 = arith.muli %arg0, %mul3A : i32
    %add3A = arith.addi %mul3A_0, %arg1 : i32
    %jit3A = arith.constant 4 : i32
    %div3A = arith.divsi %add3A, %jit3A : i32
    %sign3A = arith.constant 0 : i32
    %sign3A_1 = arith.cmpi sgt, %add3A, %sign3A : i32
    %sign3A_2 = arith.extui %sign3A_1 : i1 to i32
    %sign3A_3 = arith.constant 0 : i32
    %sign3A_4 = arith.cmpi slt, %add3A, %sign3A_3 : i32
    %sign3A_5 = arith.extui %sign3A_4 : i1 to i32
    %sign3A_6 = arith.subi %sign3A_2, %sign3A_5 : i32
    %sign3A_7 = arith.constant 0 : i32
    %sign3A_8 = arith.cmpi sgt, %jit3A, %sign3A_7 : i32
    %sign3A_9 = arith.extui %sign3A_8 : i1 to i32
    %sign3A_10 = arith.constant 0 : i32
    %sign3A_11 = arith.cmpi slt, %jit3A, %sign3A_10 : i32
    %sign3A_12 = arith.extui %sign3A_11 : i1 to i32
    %sign3A_13 = arith.subi %sign3A_9, %sign3A_12 : i32
    %ne3A = arith.cmpi ne, %sign3A_6, %sign3A_13 : i32
    %rem3A = arith.remsi %add3A, %jit3A : i32
    %ne3A_14 = arith.constant 0 : i32
    %ne3A_15 = arith.cmpi ne, %rem3A, %ne3A_14 : i32
    %and3A = arith.andi %ne3A, %ne3A_15 : i1
    %sub3A = arith.constant 1 : i32
    %sub3A_16 = arith.subi %div3A, %sub3A : i32
    %select_n3A = arith.select %and3A, %sub3A_16, %div3A : i32
    %jit3A_17 = arith.constant 4 : i32
    %eq3A = arith.constant 0 : i32
    %eq3A_18 = arith.cmpi eq, %jit3A_17, %eq3A : i32
    %jit3A_19 = arith.constant 1 : i32
    %select_n3A_20 = arith.select %eq3A_18, %jit3A_19, %jit3A_17 : i32
    %rem3A_21 = arith.remsi %add3A, %select_n3A_20 : i32
    %ne3A_22 = arith.constant 0 : i32
    %ne3A_23 = arith.cmpi ne, %rem3A_21, %ne3A_22 : i32
    %lt3A = arith.constant 0 : i32
    %lt3A_24 = arith.cmpi slt, %rem3A_21, %lt3A : i32
    %lt3A_25 = arith.constant 0 : i32
    %lt3A_26 = arith.cmpi slt, %select_n3A_20, %lt3A_25 : i32
    %ne3A_27 = arith.xori %lt3A_24, %lt3A_26 : i1
    %and3A_28 = arith.andi %ne3A_27, %ne3A_23 : i1
    %add3A_29 = arith.addi %rem3A_21, %select_n3A_20 : i32
    %select_n3A_30 = arith.select %and3A_28, %add3A_29, %rem3A_21 : i32
    %mul3A_31 = arith.constant 1024 : i32
    %mul3A_32 = arith.muli %select_n3A_30, %mul3A_31 : i32
    %mul3A_33 = arith.constant 4096 : i32
    %mul3A_34 = arith.muli %select_n3A, %mul3A_33 : i32
    "tpu.region"() ({
      %run_scoped3A = tpu.sem_alloc : memref<!tpu.dma_semaphore, #tpu.memory_space<semaphore_mem>>
      tpu.enqueue_dma source(%arg5 : memref<32xi32, #tpu.memory_space<hbm>>) target(%arg9 : memref<32xi32, #tpu.memory_space<vmem>>) target_semaphore(%run_scoped3A : memref<!tpu.dma_semaphore, #tpu.memory_space<semaphore_mem>>)
      tpu.wait_dma2 semaphore(%run_scoped3A : memref<!tpu.dma_semaphore, #tpu.memory_space<semaphore_mem>>) src(%arg5 : memref<32xi32, #tpu.memory_space<hbm>>) dst(%arg9 : memref<32xi32, #tpu.memory_space<vmem>>)
      tpu.yield
    }) : () -> ()
    "tpu.region"() ({
      %run_scoped3A = tpu.sem_alloc : memref<!tpu.dma_semaphore, #tpu.memory_space<semaphore_mem>>
      %dma_start3A = arith.constant 0 : i32
      %dma_start3A_94 = tpu.memref_slice %arg4[%select_n3A, %dma_start3A] : memref<8x4096xi32, #tpu.memory_space<hbm>> -> memref<1x4096xi32, #tpu.memory_space<hbm>>
      %dma_start3A_95 = tpu.memref_squeeze %dma_start3A_94 : memref<1x4096xi32, #tpu.memory_space<hbm>> -> memref<4096xi32, #tpu.memory_space<hbm>>
      %dma_start3A_96 = arith.constant 0 : i32
      %dma_start3A_97 = tpu.memref_slice %arg4[%select_n3A, %dma_start3A_96] : memref<8x4096xi32, #tpu.memory_space<hbm>> -> memref<1x4096xi32, #tpu.memory_space<hbm>>
      %dma_start3A_98 = tpu.memref_squeeze %dma_start3A_97 : memref<1x4096xi32, #tpu.memory_space<hbm>> -> memref<4096xi32, #tpu.memory_space<hbm>>
      tpu.enqueue_dma source(%dma_start3A_98 : memref<4096xi32, #tpu.memory_space<hbm>>) target(%arg10 : memref<4096xi32, #tpu.memory_space<vmem>>) target_semaphore(%run_scoped3A : memref<!tpu.dma_semaphore, #tpu.memory_space<semaphore_mem>>)
      %dma_wait3A = arith.constant 0 : i32
      %dma_wait3A_99 = tpu.memref_slice %arg4[%select_n3A, %dma_wait3A] : memref<8x4096xi32, #tpu.memory_space<hbm>> -> memref<1x4096xi32, #tpu.memory_space<hbm>>
      %dma_wait3A_100 = tpu.memref_squeeze %dma_wait3A_99 : memref<1x4096xi32, #tpu.memory_space<hbm>> -> memref<4096xi32, #tpu.memory_space<hbm>>
      %dma_wait3A_101 = arith.constant 0 : i32
      %dma_wait3A_102 = tpu.memref_slice %arg4[%select_n3A, %dma_wait3A_101] : memref<8x4096xi32, #tpu.memory_space<hbm>> -> memref<1x4096xi32, #tpu.memory_space<hbm>>
      %dma_wait3A_103 = tpu.memref_squeeze %dma_wait3A_102 : memref<1x4096xi32, #tpu.memory_space<hbm>> -> memref<4096xi32, #tpu.memory_space<hbm>>
      tpu.wait_dma2 semaphore(%run_scoped3A : memref<!tpu.dma_semaphore, #tpu.memory_space<semaphore_mem>>) src(%dma_wait3A_103 : memref<4096xi32, #tpu.memory_space<hbm>>) dst(%arg10 : memref<4096xi32, #tpu.memory_space<vmem>>)
      tpu.yield
    }) : () -> ()
    "tpu.region"() ({
      %run_scoped3A = tpu.sem_alloc : memref<!tpu.dma_semaphore, #tpu.memory_space<semaphore_mem>>
      %dma_start3A = arith.constant 0 : i32
      %dma_start3A_94 = tpu.memref_slice %arg3[%select_n3A, %dma_start3A] : memref<8x4096xf32, #tpu.memory_space<hbm>> -> memref<1x4096xf32, #tpu.memory_space<hbm>>
      %dma_start3A_95 = tpu.memref_squeeze %dma_start3A_94 : memref<1x4096xf32, #tpu.memory_space<hbm>> -> memref<4096xf32, #tpu.memory_space<hbm>>
      %dma_start3A_96 = arith.constant 0 : i32
      %dma_start3A_97 = tpu.memref_slice %arg3[%select_n3A, %dma_start3A_96] : memref<8x4096xf32, #tpu.memory_space<hbm>> -> memref<1x4096xf32, #tpu.memory_space<hbm>>
      %dma_start3A_98 = tpu.memref_squeeze %dma_start3A_97 : memref<1x4096xf32, #tpu.memory_space<hbm>> -> memref<4096xf32, #tpu.memory_space<hbm>>
      tpu.enqueue_dma source(%dma_start3A_98 : memref<4096xf32, #tpu.memory_space<hbm>>) target(%arg11 : memref<4096xf32, #tpu.memory_space<vmem>>) target_semaphore(%run_scoped3A : memref<!tpu.dma_semaphore, #tpu.memory_space<semaphore_mem>>)
      %dma_wait3A = arith.constant 0 : i32
      %dma_wait3A_99 = tpu.memref_slice %arg3[%select_n3A, %dma_wait3A] : memref<8x4096xf32, #tpu.memory_space<hbm>> -> memref<1x4096xf32, #tpu.memory_space<hbm>>
      %dma_wait3A_100 = tpu.memref_squeeze %dma_wait3A_99 : memref<1x4096xf32, #tpu.memory_space<hbm>> -> memref<4096xf32, #tpu.memory_space<hbm>>
      %dma_wait3A_101 = arith.constant 0 : i32
      %dma_wait3A_102 = tpu.memref_slice %arg3[%select_n3A, %dma_wait3A_101] : memref<8x4096xf32, #tpu.memory_space<hbm>> -> memref<1x4096xf32, #tpu.memory_space<hbm>>
      %dma_wait3A_103 = tpu.memref_squeeze %dma_wait3A_102 : memref<1x4096xf32, #tpu.memory_space<hbm>> -> memref<4096xf32, #tpu.memory_space<hbm>>
      tpu.wait_dma2 semaphore(%run_scoped3A : memref<!tpu.dma_semaphore, #tpu.memory_space<semaphore_mem>>) src(%dma_wait3A_103 : memref<4096xf32, #tpu.memory_space<hbm>>) dst(%arg11 : memref<4096xf32, #tpu.memory_space<vmem>>)
      tpu.yield
    }) : () -> ()
    %get3A = arith.index_cast %select_n3A : i32 to index
    %get3A_35 = tpu.vector_load %arg9[%get3A] {strides = array<i32>} : memref<32xi32, #tpu.memory_space<vmem>>, vector<16xi32>,
    %slice3A = vector.extract_strided_slice %get3A_35 {offsets = [0], sizes = [1], strides = [1]} : vector<16xi32> to vector<1xi32>
    %squeeze3A = vector.extract %slice3A[0] : i32 from vector<1xi32>
    %scan3A = arith.constant 0 : i32
    %scan3A_36 = arith.constant 0 : i32
    %scan3A_37 = arith.constant 257 : i32
    %scan3A_38 = arith.addi %scan3A_36, %scan3A_37 : i32
    %scan3A_39 = arith.constant 1 : i32
    %scan3A_40 = scf.for %scan3A_94 = %scan3A_36 to %scan3A_38 step %scan3A_39 iter_args(%scan3A_95 = %scan3A) -> (i32)  : i32 {
      %broadcast_in_dim3A_96 = arith.constant 0 : i32
      %broadcast_in_dim3A_97 = vector.broadcast %broadcast_in_dim3A_96 : i32 to vector<16xi32>
      %mul3A_98 = arith.constant 16 : i32
      %mul3A_99 = arith.muli %scan3A_94, %mul3A_98 : i32
      %swap3A = arith.index_cast %mul3A_99 : i32 to index
      %swap3A_100 = tpu.vector_load %arg12[%swap3A] {strides = array<i32>} : memref<4112xi32, #tpu.memory_space<vmem>>, vector<16xi32>,
      tpu.vector_store %arg12[%swap3A], %broadcast_in_dim3A_97 {strides = array<i32>} : memref<4112xi32, #tpu.memory_space<vmem>>, vector<16xi32>,
      %convert_element_type3A_101 = arith.sitofp %broadcast_in_dim3A_97 : vector<16xi32> to vector<16xf32>
      %mul3A_102 = arith.constant 16 : i32
      %mul3A_103 = arith.muli %scan3A_94, %mul3A_102 : i32
      %swap3A_104 = arith.index_cast %mul3A_103 : i32 to index
      %swap3A_105 = tpu.vector_load %arg13[%swap3A_104] {strides = array<i32>} : memref<4112xf32, #tpu.memory_space<vmem>>, vector<16xf32>,
      tpu.vector_store %arg13[%swap3A_104], %convert_element_type3A_101 {strides = array<i32>} : memref<4112xf32, #tpu.memory_space<vmem>>, vector<16xf32>,
      %scan3A_106 = arith.constant 0 : i32
      scf.yield %scan3A_106 : i32
    }
    %scan3A_41 = arith.constant 257 : i32
    %scan3A_42 = arith.constant 0 : i32
    %scan3A_43 = arith.constant 0 : i32
    %scan3A_44 = arith.constant 256 : i32
    %scan3A_45 = arith.addi %scan3A_43, %scan3A_44 : i32
    %scan3A_46 = arith.constant 1 : i32
    %scan3A_47 = scf.for %scan3A_94 = %scan3A_43 to %scan3A_45 step %scan3A_46 iter_args(%scan3A_95 = %scan3A_42) -> (i32)  : i32 {
      %mul3A_96 = arith.constant 16 : i32
      %mul3A_97 = arith.muli %scan3A_94, %mul3A_96 : i32
      %get3A_98 = arith.index_cast %mul3A_97 : i32 to index
      %get3A_99 = tpu.vector_load %arg10[%get3A_98] {strides = array<i32>} : memref<4096xi32, #tpu.memory_space<vmem>>, vector<16xi32>,
      %gt3A = arith.constant 0 : i32
      %gt3A_100 = vector.broadcast %gt3A : i32 to vector<16xi32>
      %gt3A_101 = arith.cmpi sgt, %get3A_99, %gt3A_100 : vector<16xi32>
      %mul3A_102 = arith.constant 16 : i32
      %mul3A_103 = arith.muli %scan3A_94, %mul3A_102 : i32
      %iota3A_104 = tpu.iota {dimensions = array<i32: 0>} : vector<16xi32>
      %add3A_105 = vector.broadcast %mul3A_103 : i32 to vector<16xi32>
      %add3A_106 = arith.addi %add3A_105, %iota3A_104 : vector<16xi32>
      %broadcast_in_dim3A_107 = arith.constant true
      %broadcast_in_dim3A_108 = vector.broadcast %broadcast_in_dim3A_107 : i1 to vector<16xi1>
      %masked_cumsum3A = tpu.scan <sum>, %get3A_99 masked %broadcast_in_dim3A_108 : vector<16xi32>, vector<16xi1> -> vector<16xi32>
      %add3A_109 = vector.broadcast %scan3A_95 : i32 to vector<16xi32>
      %add3A_110 = arith.addi %add3A_109, %masked_cumsum3A : vector<16xi32>
      %sub3A_111 = arith.subi %add3A_110, %get3A_99 : vector<16xi32>
      %jit3A_112 = arith.constant 4111 : i32
      %broadcast_in_dim3A_113 = vector.broadcast %jit3A_112 : i32 to vector<16xi32>
      %select_n3A_114 = arith.select %gt3A_101, %sub3A_111, %broadcast_in_dim3A_113 : vector<16xi1>, vector<16xi32>
      %add3A_115 = vector.broadcast %mul3A_34 : i32 to vector<16xi32>
      %add3A_116 = arith.addi %add3A_115, %add3A_106 : vector<16xi32>
      tpu.vector_store_idx %arg12[%select_n3A_114], %add3A_116 : memref<4112xi32, #tpu.memory_space<vmem>>[vector<16xi32>], vector<16xi32>,
      %mul3A_117 = arith.constant 16 : i32
      %mul3A_118 = arith.muli %scan3A_94, %mul3A_117 : i32
      %get3A_119 = arith.index_cast %mul3A_118 : i32 to index
      %get3A_120 = tpu.vector_load %arg11[%get3A_119] {strides = array<i32>} : memref<4096xf32, #tpu.memory_space<vmem>>, vector<16xf32>,
      tpu.vector_store_idx %arg13[%select_n3A_114], %get3A_120 : memref<4112xf32, #tpu.memory_space<vmem>>[vector<16xi32>], vector<16xf32>,
      %slice3A_121 = vector.extract_strided_slice %masked_cumsum3A {offsets = [15], sizes = [1], strides = [1]} : vector<16xi32> to vector<1xi32>
      %squeeze3A_122 = vector.extract %slice3A_121[0] : i32 from vector<1xi32>
      %add3A_123 = arith.addi %scan3A_95, %squeeze3A_122 : i32
      scf.yield %add3A_123 : i32
    }
    %scan3A_48 = arith.constant 256 : i32
    %iota3A = tpu.iota {dimensions = array<i32: 0>} : vector<16xi32>
    %eq3A_49 = arith.constant 0 : i32
    %eq3A_50 = vector.broadcast %eq3A_49 : i32 to vector<16xi32>
    %eq3A_51 = arith.cmpi eq, %iota3A, %eq3A_50 : vector<16xi32>
    %jit3A_52 = arith.constant 4111 : i32
    %broadcast_in_dim3A = vector.broadcast %scan3A_47 : i32 to vector<16xi32>
    %broadcast_in_dim3A_53 = vector.broadcast %jit3A_52 : i32 to vector<16xi32>
    %select_n3A_54 = arith.select %eq3A_51, %broadcast_in_dim3A, %broadcast_in_dim3A_53 : vector<16xi1>, vector<16xi32>
    %add3A_55 = arith.addi %mul3A_34, %squeeze3A : i32
    %broadcast_in_dim3A_56 = vector.broadcast %add3A_55 : i32 to vector<16xi32>
    tpu.vector_store_idx %arg12[%select_n3A_54], %broadcast_in_dim3A_56 : memref<4112xi32, #tpu.memory_space<vmem>>[vector<16xi32>], vector<16xi32>,
    %eq3A_57 = arith.constant 0 : i32
    %eq3A_58 = arith.cmpi eq, %select_n3A_30, %eq3A_57 : i32
    %convert_element_type3A = arith.extui %eq3A_58 : i1 to i32
    %cond3A = arith.constant 0 : i32
    %cond3A_59 = arith.cmpi ne, %convert_element_type3A, %cond3A : i32
    scf.if %cond3A_59 {
      %scan3A_94 = arith.constant 0 : i32
      %scan3A_95 = arith.constant 0 : i32
      %scan3A_96 = arith.constant 256 : i32
      %scan3A_97 = arith.addi %scan3A_95, %scan3A_96 : i32
      %scan3A_98 = arith.constant 1 : i32
      %scan3A_99 = scf.for %scan3A_101 = %scan3A_95 to %scan3A_97 step %scan3A_98 iter_args(%scan3A_102 = %scan3A_94) -> (i32)  : i32 {
        %mul3A_103 = arith.constant 16 : i32
        %mul3A_104 = arith.muli %scan3A_101, %mul3A_103 : i32
        %get3A_105 = arith.index_cast %mul3A_104 : i32 to index
        %get3A_106 = tpu.vector_load %arg12[%get3A_105] {strides = array<i32>} : memref<4112xi32, #tpu.memory_space<vmem>>, vector<16xi32>,
        %mul3A_107 = arith.constant 16 : i32
        %mul3A_108 = arith.muli %scan3A_101, %mul3A_107 : i32
        %add3A_109 = arith.constant 1 : i32
        %add3A_110 = arith.addi %mul3A_108, %add3A_109 : i32
        %get3A_111 = arith.index_cast %add3A_110 : i32 to index
        %get3A_112 = tpu.vector_load %arg12[%get3A_111] {strides = array<i32>} : memref<4112xi32, #tpu.memory_space<vmem>>, vector<16xi32>,
        %mul3A_113 = arith.constant 16 : i32
        %mul3A_114 = arith.muli %scan3A_101, %mul3A_113 : i32
        %iota3A_115 = tpu.iota {dimensions = array<i32: 0>} : vector<16xi32>
        %add3A_116 = vector.broadcast %mul3A_114 : i32 to vector<16xi32>
        %add3A_117 = arith.addi %add3A_116, %iota3A_115 : vector<16xi32>
        %lt3A_118 = vector.broadcast %scan3A_47 : i32 to vector<16xi32>
        %lt3A_119 = arith.cmpi slt, %add3A_117, %lt3A_118 : vector<16xi32>
        %sub3A_120 = arith.subi %get3A_112, %get3A_106 : vector<16xi32>
        %jit3A_121 = arith.constant 0 : i32
        %broadcast_in_dim3A_122 = vector.broadcast %jit3A_121 : i32 to vector<16xi32>
        %select_n3A_123 = arith.select %lt3A_119, %sub3A_120, %broadcast_in_dim3A_122 : vector<16xi1>, vector<16xi32>
        %mul3A_124 = arith.constant 16 : i32
        %mul3A_125 = arith.muli %scan3A_101, %mul3A_124 : i32
        %swap3A = arith.index_cast %mul3A_125 : i32 to index
        %swap3A_126 = tpu.vector_load %arg14[%swap3A] {strides = array<i32>} : memref<4096xi32, #tpu.memory_space<vmem>>, vector<16xi32>,
        tpu.vector_store %arg14[%swap3A], %select_n3A_123 {strides = array<i32>} : memref<4096xi32, #tpu.memory_space<vmem>>, vector<16xi32>,
        %mul3A_127 = arith.constant 16 : i32
        %mul3A_128 = arith.muli %scan3A_101, %mul3A_127 : i32
        %get3A_129 = arith.index_cast %mul3A_128 : i32 to index
        %get3A_130 = tpu.vector_load %arg13[%get3A_129] {strides = array<i32>} : memref<4112xf32, #tpu.memory_space<vmem>>, vector<16xf32>,
        %sub3A_131 = arith.constant 1.000000e+00 : f32
        %sub3A_132 = vector.broadcast %sub3A_131 : f32 to vector<16xf32>
        %sub3A_133 = arith.subf %sub3A_132, %get3A_130 : vector<16xf32>
        %mul3A_134 = arith.constant 16 : i32
        %mul3A_135 = arith.muli %scan3A_101, %mul3A_134 : i32
        %swap3A_136 = arith.index_cast %mul3A_135 : i32 to index
        %swap3A_137 = tpu.vector_load %arg15[%swap3A_136] {strides = array<i32>} : memref<4096xf32, #tpu.memory_space<vmem>>, vector<16xf32>,
        tpu.vector_store %arg15[%swap3A_136], %sub3A_133 {strides = array<i32>} : memref<4096xf32, #tpu.memory_space<vmem>>, vector<16xf32>,
        %scan3A_138 = arith.constant 0 : i32
        scf.yield %scan3A_138 : i32
      }
      %scan3A_100 = arith.constant 256 : i32
      "tpu.region"() ({
        %run_scoped3A = tpu.sem_alloc : memref<!tpu.dma_semaphore, #tpu.memory_space<semaphore_mem>>
        %dma_start3A = arith.constant 0 : i32
        %dma_start3A_101 = tpu.memref_slice %arg8[%select_n3A, %dma_start3A] : memref<8x4096xi32, #tpu.memory_space<hbm>> -> memref<1x4096xi32, #tpu.memory_space<hbm>>
        %dma_start3A_102 = tpu.memref_squeeze %dma_start3A_101 : memref<1x4096xi32, #tpu.memory_space<hbm>> -> memref<4096xi32, #tpu.memory_space<hbm>>
        %dma_start3A_103 = arith.constant 0 : i32
        %dma_start3A_104 = tpu.memref_slice %arg8[%select_n3A, %dma_start3A_103] : memref<8x4096xi32, #tpu.memory_space<hbm>> -> memref<1x4096xi32, #tpu.memory_space<hbm>>
        %dma_start3A_105 = tpu.memref_squeeze %dma_start3A_104 : memref<1x4096xi32, #tpu.memory_space<hbm>> -> memref<4096xi32, #tpu.memory_space<hbm>>
        tpu.enqueue_dma source(%arg14 : memref<4096xi32, #tpu.memory_space<vmem>>) target(%dma_start3A_105 : memref<4096xi32, #tpu.memory_space<hbm>>) target_semaphore(%run_scoped3A : memref<!tpu.dma_semaphore, #tpu.memory_space<semaphore_mem>>)
        %dma_wait3A = arith.constant 0 : i32
        %dma_wait3A_106 = tpu.memref_slice %arg8[%select_n3A, %dma_wait3A] : memref<8x4096xi32, #tpu.memory_space<hbm>> -> memref<1x4096xi32, #tpu.memory_space<hbm>>
        %dma_wait3A_107 = tpu.memref_squeeze %dma_wait3A_106 : memref<1x4096xi32, #tpu.memory_space<hbm>> -> memref<4096xi32, #tpu.memory_space<hbm>>
        %dma_wait3A_108 = arith.constant 0 : i32
        %dma_wait3A_109 = tpu.memref_slice %arg8[%select_n3A, %dma_wait3A_108] : memref<8x4096xi32, #tpu.memory_space<hbm>> -> memref<1x4096xi32, #tpu.memory_space<hbm>>
        %dma_wait3A_110 = tpu.memref_squeeze %dma_wait3A_109 : memref<1x4096xi32, #tpu.memory_space<hbm>> -> memref<4096xi32, #tpu.memory_space<hbm>>
        tpu.wait_dma2 semaphore(%run_scoped3A : memref<!tpu.dma_semaphore, #tpu.memory_space<semaphore_mem>>) src(%arg14 : memref<4096xi32, #tpu.memory_space<vmem>>) dst(%dma_wait3A_110 : memref<4096xi32, #tpu.memory_space<hbm>>)
        tpu.yield
      }) : () -> ()
      "tpu.region"() ({
        %run_scoped3A = tpu.sem_alloc : memref<!tpu.dma_semaphore, #tpu.memory_space<semaphore_mem>>
        %dma_start3A = arith.constant 0 : i32
        %dma_start3A_101 = tpu.memref_slice %arg7[%select_n3A, %dma_start3A] : memref<8x4096xf32, #tpu.memory_space<hbm>> -> memref<1x4096xf32, #tpu.memory_space<hbm>>
        %dma_start3A_102 = tpu.memref_squeeze %dma_start3A_101 : memref<1x4096xf32, #tpu.memory_space<hbm>> -> memref<4096xf32, #tpu.memory_space<hbm>>
        %dma_start3A_103 = arith.constant 0 : i32
        %dma_start3A_104 = tpu.memref_slice %arg7[%select_n3A, %dma_start3A_103] : memref<8x4096xf32, #tpu.memory_space<hbm>> -> memref<1x4096xf32, #tpu.memory_space<hbm>>
        %dma_start3A_105 = tpu.memref_squeeze %dma_start3A_104 : memref<1x4096xf32, #tpu.memory_space<hbm>> -> memref<4096xf32, #tpu.memory_space<hbm>>
        tpu.enqueue_dma source(%arg15 : memref<4096xf32, #tpu.memory_space<vmem>>) target(%dma_start3A_105 : memref<4096xf32, #tpu.memory_space<hbm>>) target_semaphore(%run_scoped3A : memref<!tpu.dma_semaphore, #tpu.memory_space<semaphore_mem>>)
        %dma_wait3A = arith.constant 0 : i32
        %dma_wait3A_106 = tpu.memref_slice %arg7[%select_n3A, %dma_wait3A] : memref<8x4096xf32, #tpu.memory_space<hbm>> -> memref<1x4096xf32, #tpu.memory_space<hbm>>
        %dma_wait3A_107 = tpu.memref_squeeze %dma_wait3A_106 : memref<1x4096xf32, #tpu.memory_space<hbm>> -> memref<4096xf32, #tpu.memory_space<hbm>>
        %dma_wait3A_108 = arith.constant 0 : i32
        %dma_wait3A_109 = tpu.memref_slice %arg7[%select_n3A, %dma_wait3A_108] : memref<8x4096xf32, #tpu.memory_space<hbm>> -> memref<1x4096xf32, #tpu.memory_space<hbm>>
        %dma_wait3A_110 = tpu.memref_squeeze %dma_wait3A_109 : memref<1x4096xf32, #tpu.memory_space<hbm>> -> memref<4096xf32, #tpu.memory_space<hbm>>
        tpu.wait_dma2 semaphore(%run_scoped3A : memref<!tpu.dma_semaphore, #tpu.memory_space<semaphore_mem>>) src(%arg15 : memref<4096xf32, #tpu.memory_space<vmem>>) dst(%dma_wait3A_110 : memref<4096xf32, #tpu.memory_space<hbm>>)
        tpu.yield
      }) : () -> ()
    } else {
    }
    %scan3A_60 = arith.constant 0 : i32
    %scan3A_61 = arith.constant 0 : i32
    %scan3A_62 = arith.constant 64 : i32
    %scan3A_63 = arith.addi %scan3A_61, %scan3A_62 : i32
    %scan3A_64 = arith.constant 1 : i32
    %scan3A_65 = scf.for %scan3A_94 = %scan3A_61 to %scan3A_63 step %scan3A_64 iter_args(%scan3A_95 = %scan3A_60) -> (i32)  : i32 {
      %broadcast_in_dim3A_96 = arith.constant 0.000000e+00 : f32
      %broadcast_in_dim3A_97 = vector.broadcast %broadcast_in_dim3A_96 : f32 to vector<16xf32>
      %swap3A = arith.index_cast %scan3A_94 : i32 to index
      %swap3A_98 = arith.constant 0 : index
      %swap3A_99 = tpu.vector_load %arg18[%swap3A, %swap3A_98] {strides = array<i32>} : memref<64x512xf32, #tpu.memory_space<vmem>>, vector<16xf32>,
      tpu.vector_store %arg18[%swap3A, %swap3A_98], %broadcast_in_dim3A_97 {strides = array<i32>} : memref<64x512xf32, #tpu.memory_space<vmem>>, vector<16xf32>,
      %broadcast_in_dim3A_100 = arith.constant 0.000000e+00 : f32
      %broadcast_in_dim3A_101 = vector.broadcast %broadcast_in_dim3A_100 : f32 to vector<16xf32>
      %swap3A_102 = arith.index_cast %scan3A_94 : i32 to index
      %swap3A_103 = arith.constant 16 : index
      %swap3A_104 = tpu.vector_load %arg18[%swap3A_102, %swap3A_103] {strides = array<i32>} : memref<64x512xf32, #tpu.memory_space<vmem>>, vector<16xf32>,
      tpu.vector_store %arg18[%swap3A_102, %swap3A_103], %broadcast_in_dim3A_101 {strides = array<i32>} : memref<64x512xf32, #tpu.memory_space<vmem>>, vector<16xf32>,
      %broadcast_in_dim3A_105 = arith.constant 0.000000e+00 : f32
      %broadcast_in_dim3A_106 = vector.broadcast %broadcast_in_dim3A_105 : f32 to vector<16xf32>
      %swap3A_107 = arith.index_cast %scan3A_94 : i32 to index
      %swap3A_108 = arith.constant 32 : index
      %swap3A_109 = tpu.vector_load %arg18[%swap3A_107, %swap3A_108] {strides = array<i32>} : memref<64x512xf32, #tpu.memory_space<vmem>>, vector<16xf32>,
      tpu.vector_store %arg18[%swap3A_107, %swap3A_108], %broadcast_in_dim3A_106 {strides = array<i32>} : memref<64x512xf32, #tpu.memory_space<vmem>>, vector<16xf32>,
      %broadcast_in_dim3A_110 = arith.constant 0.000000e+00 : f32
      %broadcast_in_dim3A_111 = vector.broadcast %broadcast_in_dim3A_110 : f32 to vector<16xf32>
      %swap3A_112 = arith.index_cast %scan3A_94 : i32 to index
      %swap3A_113 = arith.constant 48 : index
      %swap3A_114 = tpu.vector_load %arg18[%swap3A_112, %swap3A_113] {strides = array<i32>} : memref<64x512xf32, #tpu.memory_space<vmem>>, vector<16xf32>,
      tpu.vector_store %arg18[%swap3A_112, %swap3A_113], %broadcast_in_dim3A_111 {strides = array<i32>} : memref<64x512xf32, #tpu.memory_space<vmem>>, vector<16xf32>,
      %broadcast_in_dim3A_115 = arith.constant 0.000000e+00 : f32
      %broadcast_in_dim3A_116 = vector.broadcast %broadcast_in_dim3A_115 : f32 to vector<16xf32>
      %swap3A_117 = arith.index_cast %scan3A_94 : i32 to index
      %swap3A_118 = arith.constant 64 : index
      %swap3A_119 = tpu.vector_load %arg18[%swap3A_117, %swap3A_118] {strides = array<i32>} : memref<64x512xf32, #tpu.memory_space<vmem>>, vector<16xf32>,
      tpu.vector_store %arg18[%swap3A_117, %swap3A_118], %broadcast_in_dim3A_116 {strides = array<i32>} : memref<64x512xf32, #tpu.memory_space<vmem>>, vector<16xf32>,
      %broadcast_in_dim3A_120 = arith.constant 0.000000e+00 : f32
      %broadcast_in_dim3A_121 = vector.broadcast %broadcast_in_dim3A_120 : f32 to vector<16xf32>
      %swap3A_122 = arith.index_cast %scan3A_94 : i32 to index
      %swap3A_123 = arith.constant 80 : index
      %swap3A_124 = tpu.vector_load %arg18[%swap3A_122, %swap3A_123] {strides = array<i32>} : memref<64x512xf32, #tpu.memory_space<vmem>>, vector<16xf32>,
      tpu.vector_store %arg18[%swap3A_122, %swap3A_123], %broadcast_in_dim3A_121 {strides = array<i32>} : memref<64x512xf32, #tpu.memory_space<vmem>>, vector<16xf32>,
      %broadcast_in_dim3A_125 = arith.constant 0.000000e+00 : f32
      %broadcast_in_dim3A_126 = vector.broadcast %broadcast_in_dim3A_125 : f32 to vector<16xf32>
      %swap3A_127 = arith.index_cast %scan3A_94 : i32 to index
      %swap3A_128 = arith.constant 96 : index
      %swap3A_129 = tpu.vector_load %arg18[%swap3A_127, %swap3A_128] {strides = array<i32>} : memref<64x512xf32, #tpu.memory_space<vmem>>, vector<16xf32>,
      tpu.vector_store %arg18[%swap3A_127, %swap3A_128], %broadcast_in_dim3A_126 {strides = array<i32>} : memref<64x512xf32, #tpu.memory_space<vmem>>, vector<16xf32>,
      %broadcast_in_dim3A_130 = arith.constant 0.000000e+00 : f32
      %broadcast_in_dim3A_131 = vector.broadcast %broadcast_in_dim3A_130 : f32 to vector<16xf32>
      %swap3A_132 = arith.index_cast %scan3A_94 : i32 to index
      %swap3A_133 = arith.constant 112 : index
      %swap3A_134 = tpu.vector_load %arg18[%swap3A_132, %swap3A_133] {strides = array<i32>} : memref<64x512xf32, #tpu.memory_space<vmem>>, vector<16xf32>,
      tpu.vector_store %arg18[%swap3A_132, %swap3A_133], %broadcast_in_dim3A_131 {strides = array<i32>} : memref<64x512xf32, #tpu.memory_space<vmem>>, vector<16xf32>,
      %broadcast_in_dim3A_135 = arith.constant 0.000000e+00 : f32
      %broadcast_in_dim3A_136 = vector.broadcast %broadcast_in_dim3A_135 : f32 to vector<16xf32>
      %swap3A_137 = arith.index_cast %scan3A_94 : i32 to index
      %swap3A_138 = arith.constant 128 : index
      %swap3A_139 = tpu.vector_load %arg18[%swap3A_137, %swap3A_138] {strides = array<i32>} : memref<64x512xf32, #tpu.memory_space<vmem>>, vector<16xf32>,
      tpu.vector_store %arg18[%swap3A_137, %swap3A_138], %broadcast_in_dim3A_136 {strides = array<i32>} : memref<64x512xf32, #tpu.memory_space<vmem>>, vector<16xf32>,
      %broadcast_in_dim3A_140 = arith.constant 0.000000e+00 : f32
      %broadcast_in_dim3A_141 = vector.broadcast %broadcast_in_dim3A_140 : f32 to vector<16xf32>
      %swap3A_142 = arith.index_cast %scan3A_94 : i32 to index
      %swap3A_143 = arith.constant 144 : index
      %swap3A_144 = tpu.vector_load %arg18[%swap3A_142, %swap3A_143] {strides = array<i32>} : memref<64x512xf32, #tpu.memory_space<vmem>>, vector<16xf32>,
      tpu.vector_store %arg18[%swap3A_142, %swap3A_143], %broadcast_in_dim3A_141 {strides = array<i32>} : memref<64x512xf32, #tpu.memory_space<vmem>>, vector<16xf32>,
      %broadcast_in_dim3A_145 = arith.constant 0.000000e+00 : f32
      %broadcast_in_dim3A_146 = vector.broadcast %broadcast_in_dim3A_145 : f32 to vector<16xf32>
      %swap3A_147 = arith.index_cast %scan3A_94 : i32 to index
      %swap3A_148 = arith.constant 160 : index
      %swap3A_149 = tpu.vector_load %arg18[%swap3A_147, %swap3A_148] {strides = array<i32>} : memref<64x512xf32, #tpu.memory_space<vmem>>, vector<16xf32>,
      tpu.vector_store %arg18[%swap3A_147, %swap3A_148], %broadcast_in_dim3A_146 {strides = array<i32>} : memref<64x512xf32, #tpu.memory_space<vmem>>, vector<16xf32>,
      %broadcast_in_dim3A_150 = arith.constant 0.000000e+00 : f32
      %broadcast_in_dim3A_151 = vector.broadcast %broadcast_in_dim3A_150 : f32 to vector<16xf32>
      %swap3A_152 = arith.index_cast %scan3A_94 : i32 to index
      %swap3A_153 = arith.constant 176 : index
      %swap3A_154 = tpu.vector_load %arg18[%swap3A_152, %swap3A_153] {strides = array<i32>} : memref<64x512xf32, #tpu.memory_space<vmem>>, vector<16xf32>,
      tpu.vector_store %arg18[%swap3A_152, %swap3A_153], %broadcast_in_dim3A_151 {strides = array<i32>} : memref<64x512xf32, #tpu.memory_space<vmem>>, vector<16xf32>,
      %broadcast_in_dim3A_155 = arith.constant 0.000000e+00 : f32
      %broadcast_in_dim3A_156 = vector.broadcast %broadcast_in_dim3A_155 : f32 to vector<16xf32>
      %swap3A_157 = arith.index_cast %scan3A_94 : i32 to index
      %swap3A_158 = arith.constant 192 : index
      %swap3A_159 = tpu.vector_load %arg18[%swap3A_157, %swap3A_158] {strides = array<i32>} : memref<64x512xf32, #tpu.memory_space<vmem>>, vector<16xf32>,
      tpu.vector_store %arg18[%swap3A_157, %swap3A_158], %broadcast_in_dim3A_156 {strides = array<i32>} : memref<64x512xf32, #tpu.memory_space<vmem>>, vector<16xf32>,
      %broadcast_in_dim3A_160 = arith.constant 0.000000e+00 : f32
      %broadcast_in_dim3A_161 = vector.broadcast %broadcast_in_dim3A_160 : f32 to vector<16xf32>
      %swap3A_162 = arith.index_cast %scan3A_94 : i32 to index
      %swap3A_163 = arith.constant 208 : index
      %swap3A_164 = tpu.vector_load %arg18[%swap3A_162, %swap3A_163] {strides = array<i32>} : memref<64x512xf32, #tpu.memory_space<vmem>>, vector<16xf32>,
      tpu.vector_store %arg18[%swap3A_162, %swap3A_163], %broadcast_in_dim3A_161 {strides = array<i32>} : memref<64x512xf32, #tpu.memory_space<vmem>>, vector<16xf32>,
      %broadcast_in_dim3A_165 = arith.constant 0.000000e+00 : f32
      %broadcast_in_dim3A_166 = vector.broadcast %broadcast_in_dim3A_165 : f32 to vector<16xf32>
      %swap3A_167 = arith.index_cast %scan3A_94 : i32 to index
      %swap3A_168 = arith.constant 224 : index
      %swap3A_169 = tpu.vector_load %arg18[%swap3A_167, %swap3A_168] {strides = array<i32>} : memref<64x512xf32, #tpu.memory_space<vmem>>, vector<16xf32>,
      tpu.vector_store %arg18[%swap3A_167, %swap3A_168], %broadcast_in_dim3A_166 {strides = array<i32>} : memref<64x512xf32, #tpu.memory_space<vmem>>, vector<16xf32>,
      %broadcast_in_dim3A_170 = arith.constant 0.000000e+00 : f32
      %broadcast_in_dim3A_171 = vector.broadcast %broadcast_in_dim3A_170 : f32 to vector<16xf32>
      %swap3A_172 = arith.index_cast %scan3A_94 : i32 to index
      %swap3A_173 = arith.constant 240 : index
      %swap3A_174 = tpu.vector_load %arg18[%swap3A_172, %swap3A_173] {strides = array<i32>} : memref<64x512xf32, #tpu.memory_space<vmem>>, vector<16xf32>,
      tpu.vector_store %arg18[%swap3A_172, %swap3A_173], %broadcast_in_dim3A_171 {strides = array<i32>} : memref<64x512xf32, #tpu.memory_space<vmem>>, vector<16xf32>,
      %broadcast_in_dim3A_175 = arith.constant 0.000000e+00 : f32
      %broadcast_in_dim3A_176 = vector.broadcast %broadcast_in_dim3A_175 : f32 to vector<16xf32>
      %swap3A_177 = arith.index_cast %scan3A_94 : i32 to index
      %swap3A_178 = arith.constant 256 : index
      %swap3A_179 = tpu.vector_load %arg18[%swap3A_177, %swap3A_178] {strides = array<i32>} : memref<64x512xf32, #tpu.memory_space<vmem>>, vector<16xf32>,
      tpu.vector_store %arg18[%swap3A_177, %swap3A_178], %broadcast_in_dim3A_176 {strides = array<i32>} : memref<64x512xf32, #tpu.memory_space<vmem>>, vector<16xf32>,
      %broadcast_in_dim3A_180 = arith.constant 0.000000e+00 : f32
      %broadcast_in_dim3A_181 = vector.broadcast %broadcast_in_dim3A_180 : f32 to vector<16xf32>
      %swap3A_182 = arith.index_cast %scan3A_94 : i32 to index
      %swap3A_183 = arith.constant 272 : index
      %swap3A_184 = tpu.vector_load %arg18[%swap3A_182, %swap3A_183] {strides = array<i32>} : memref<64x512xf32, #tpu.memory_space<vmem>>, vector<16xf32>,
      tpu.vector_store %arg18[%swap3A_182, %swap3A_183], %broadcast_in_dim3A_181 {strides = array<i32>} : memref<64x512xf32, #tpu.memory_space<vmem>>, vector<16xf32>,
      %broadcast_in_dim3A_185 = arith.constant 0.000000e+00 : f32
      %broadcast_in_dim3A_186 = vector.broadcast %broadcast_in_dim3A_185 : f32 to vector<16xf32>
      %swap3A_187 = arith.index_cast %scan3A_94 : i32 to index
      %swap3A_188 = arith.constant 288 : index
      %swap3A_189 = tpu.vector_load %arg18[%swap3A_187, %swap3A_188] {strides = array<i32>} : memref<64x512xf32, #tpu.memory_space<vmem>>, vector<16xf32>,
      tpu.vector_store %arg18[%swap3A_187, %swap3A_188], %broadcast_in_dim3A_186 {strides = array<i32>} : memref<64x512xf32, #tpu.memory_space<vmem>>, vector<16xf32>,
      %broadcast_in_dim3A_190 = arith.constant 0.000000e+00 : f32
      %broadcast_in_dim3A_191 = vector.broadcast %broadcast_in_dim3A_190 : f32 to vector<16xf32>
      %swap3A_192 = arith.index_cast %scan3A_94 : i32 to index
      %swap3A_193 = arith.constant 304 : index
      %swap3A_194 = tpu.vector_load %arg18[%swap3A_192, %swap3A_193] {strides = array<i32>} : memref<64x512xf32, #tpu.memory_space<vmem>>, vector<16xf32>,
      tpu.vector_store %arg18[%swap3A_192, %swap3A_193], %broadcast_in_dim3A_191 {strides = array<i32>} : memref<64x512xf32, #tpu.memory_space<vmem>>, vector<16xf32>,
      %broadcast_in_dim3A_195 = arith.constant 0.000000e+00 : f32
      %broadcast_in_dim3A_196 = vector.broadcast %broadcast_in_dim3A_195 : f32 to vector<16xf32>
      %swap3A_197 = arith.index_cast %scan3A_94 : i32 to index
      %swap3A_198 = arith.constant 320 : index
      %swap3A_199 = tpu.vector_load %arg18[%swap3A_197, %swap3A_198] {strides = array<i32>} : memref<64x512xf32, #tpu.memory_space<vmem>>, vector<16xf32>,
      tpu.vector_store %arg18[%swap3A_197, %swap3A_198], %broadcast_in_dim3A_196 {strides = array<i32>} : memref<64x512xf32, #tpu.memory_space<vmem>>, vector<16xf32>,
      %broadcast_in_dim3A_200 = arith.constant 0.000000e+00 : f32
      %broadcast_in_dim3A_201 = vector.broadcast %broadcast_in_dim3A_200 : f32 to vector<16xf32>
      %swap3A_202 = arith.index_cast %scan3A_94 : i32 to index
      %swap3A_203 = arith.constant 336 : index
      %swap3A_204 = tpu.vector_load %arg18[%swap3A_202, %swap3A_203] {strides = array<i32>} : memref<64x512xf32, #tpu.memory_space<vmem>>, vector<16xf32>,
      tpu.vector_store %arg18[%swap3A_202, %swap3A_203], %broadcast_in_dim3A_201 {strides = array<i32>} : memref<64x512xf32, #tpu.memory_space<vmem>>, vector<16xf32>,
      %broadcast_in_dim3A_205 = arith.constant 0.000000e+00 : f32
      %broadcast_in_dim3A_206 = vector.broadcast %broadcast_in_dim3A_205 : f32 to vector<16xf32>
      %swap3A_207 = arith.index_cast %scan3A_94 : i32 to index
      %swap3A_208 = arith.constant 352 : index
      %swap3A_209 = tpu.vector_load %arg18[%swap3A_207, %swap3A_208] {strides = array<i32>} : memref<64x512xf32, #tpu.memory_space<vmem>>, vector<16xf32>,
      tpu.vector_store %arg18[%swap3A_207, %swap3A_208], %broadcast_in_dim3A_206 {strides = array<i32>} : memref<64x512xf32, #tpu.memory_space<vmem>>, vector<16xf32>,
      %broadcast_in_dim3A_210 = arith.constant 0.000000e+00 : f32
      %broadcast_in_dim3A_211 = vector.broadcast %broadcast_in_dim3A_210 : f32 to vector<16xf32>
      %swap3A_212 = arith.index_cast %scan3A_94 : i32 to index
      %swap3A_213 = arith.constant 368 : index
      %swap3A_214 = tpu.vector_load %arg18[%swap3A_212, %swap3A_213] {strides = array<i32>} : memref<64x512xf32, #tpu.memory_space<vmem>>, vector<16xf32>,
      tpu.vector_store %arg18[%swap3A_212, %swap3A_213], %broadcast_in_dim3A_211 {strides = array<i32>} : memref<64x512xf32, #tpu.memory_space<vmem>>, vector<16xf32>,
      %broadcast_in_dim3A_215 = arith.constant 0.000000e+00 : f32
      %broadcast_in_dim3A_216 = vector.broadcast %broadcast_in_dim3A_215 : f32 to vector<16xf32>
      %swap3A_217 = arith.index_cast %scan3A_94 : i32 to index
      %swap3A_218 = arith.constant 384 : index
      %swap3A_219 = tpu.vector_load %arg18[%swap3A_217, %swap3A_218] {strides = array<i32>} : memref<64x512xf32, #tpu.memory_space<vmem>>, vector<16xf32>,
      tpu.vector_store %arg18[%swap3A_217, %swap3A_218], %broadcast_in_dim3A_216 {strides = array<i32>} : memref<64x512xf32, #tpu.memory_space<vmem>>, vector<16xf32>,
      %broadcast_in_dim3A_220 = arith.constant 0.000000e+00 : f32
      %broadcast_in_dim3A_221 = vector.broadcast %broadcast_in_dim3A_220 : f32 to vector<16xf32>
      %swap3A_222 = arith.index_cast %scan3A_94 : i32 to index
      %swap3A_223 = arith.constant 400 : index
      %swap3A_224 = tpu.vector_load %arg18[%swap3A_222, %swap3A_223] {strides = array<i32>} : memref<64x512xf32, #tpu.memory_space<vmem>>, vector<16xf32>,
      tpu.vector_store %arg18[%swap3A_222, %swap3A_223], %broadcast_in_dim3A_221 {strides = array<i32>} : memref<64x512xf32, #tpu.memory_space<vmem>>, vector<16xf32>,
      %broadcast_in_dim3A_225 = arith.constant 0.000000e+00 : f32
      %broadcast_in_dim3A_226 = vector.broadcast %broadcast_in_dim3A_225 : f32 to vector<16xf32>
      %swap3A_227 = arith.index_cast %scan3A_94 : i32 to index
      %swap3A_228 = arith.constant 416 : index
      %swap3A_229 = tpu.vector_load %arg18[%swap3A_227, %swap3A_228] {strides = array<i32>} : memref<64x512xf32, #tpu.memory_space<vmem>>, vector<16xf32>,
      tpu.vector_store %arg18[%swap3A_227, %swap3A_228], %broadcast_in_dim3A_226 {strides = array<i32>} : memref<64x512xf32, #tpu.memory_space<vmem>>, vector<16xf32>,
      %broadcast_in_dim3A_230 = arith.constant 0.000000e+00 : f32
      %broadcast_in_dim3A_231 = vector.broadcast %broadcast_in_dim3A_230 : f32 to vector<16xf32>
      %swap3A_232 = arith.index_cast %scan3A_94 : i32 to index
      %swap3A_233 = arith.constant 432 : index
      %swap3A_234 = tpu.vector_load %arg18[%swap3A_232, %swap3A_233] {strides = array<i32>} : memref<64x512xf32, #tpu.memory_space<vmem>>, vector<16xf32>,
      tpu.vector_store %arg18[%swap3A_232, %swap3A_233], %broadcast_in_dim3A_231 {strides = array<i32>} : memref<64x512xf32, #tpu.memory_space<vmem>>, vector<16xf32>,
      %broadcast_in_dim3A_235 = arith.constant 0.000000e+00 : f32
      %broadcast_in_dim3A_236 = vector.broadcast %broadcast_in_dim3A_235 : f32 to vector<16xf32>
      %swap3A_237 = arith.index_cast %scan3A_94 : i32 to index
      %swap3A_238 = arith.constant 448 : index
      %swap3A_239 = tpu.vector_load %arg18[%swap3A_237, %swap3A_238] {strides = array<i32>} : memref<64x512xf32, #tpu.memory_space<vmem>>, vector<16xf32>,
      tpu.vector_store %arg18[%swap3A_237, %swap3A_238], %broadcast_in_dim3A_236 {strides = array<i32>} : memref<64x512xf32, #tpu.memory_space<vmem>>, vector<16xf32>,
      %broadcast_in_dim3A_240 = arith.constant 0.000000e+00 : f32
      %broadcast_in_dim3A_241 = vector.broadcast %broadcast_in_dim3A_240 : f32 to vector<16xf32>
      %swap3A_242 = arith.index_cast %scan3A_94 : i32 to index
      %swap3A_243 = arith.constant 464 : index
      %swap3A_244 = tpu.vector_load %arg18[%swap3A_242, %swap3A_243] {strides = array<i32>} : memref<64x512xf32, #tpu.memory_space<vmem>>, vector<16xf32>,
      tpu.vector_store %arg18[%swap3A_242, %swap3A_243], %broadcast_in_dim3A_241 {strides = array<i32>} : memref<64x512xf32, #tpu.memory_space<vmem>>, vector<16xf32>,
      %broadcast_in_dim3A_245 = arith.constant 0.000000e+00 : f32
      %broadcast_in_dim3A_246 = vector.broadcast %broadcast_in_dim3A_245 : f32 to vector<16xf32>
      %swap3A_247 = arith.index_cast %scan3A_94 : i32 to index
      %swap3A_248 = arith.constant 480 : index
      %swap3A_249 = tpu.vector_load %arg18[%swap3A_247, %swap3A_248] {strides = array<i32>} : memref<64x512xf32, #tpu.memory_space<vmem>>, vector<16xf32>,
      tpu.vector_store %arg18[%swap3A_247, %swap3A_248], %broadcast_in_dim3A_246 {strides = array<i32>} : memref<64x512xf32, #tpu.memory_space<vmem>>, vector<16xf32>,
      %broadcast_in_dim3A_250 = arith.constant 0.000000e+00 : f32
      %broadcast_in_dim3A_251 = vector.broadcast %broadcast_in_dim3A_250 : f32 to vector<16xf32>
      %swap3A_252 = arith.index_cast %scan3A_94 : i32 to index
      %swap3A_253 = arith.constant 496 : index
      %swap3A_254 = tpu.vector_load %arg18[%swap3A_252, %swap3A_253] {strides = array<i32>} : memref<64x512xf32, #tpu.memory_space<vmem>>, vector<16xf32>,
      tpu.vector_store %arg18[%swap3A_252, %swap3A_253], %broadcast_in_dim3A_251 {strides = array<i32>} : memref<64x512xf32, #tpu.memory_space<vmem>>, vector<16xf32>,
      %scan3A_255 = arith.constant 0 : i32
      scf.yield %scan3A_255 : i32
    }
    %scan3A_66 = arith.constant 64 : i32
    %add3A_67 = arith.constant 0 : i32
    %add3A_68 = arith.addi %select_n3A_30, %add3A_67 : i32
    %mul3A_69 = arith.constant 64 : i32
    %mul3A_70 = arith.muli %add3A_68, %mul3A_69 : i32
    %lt3A_71 = arith.cmpi slt, %mul3A_70, %scan3A_47 : i32
    %and3A_72 = arith.constant true
    %and3A_73 = arith.andi %and3A_72, %lt3A_71 : i1
    %convert_element_type3A_74 = arith.extui %and3A_73 : i1 to i32
    %cond3A_75 = arith.constant 0 : i32
    %cond3A_76 = arith.cmpi ne, %convert_element_type3A_74, %cond3A_75 : i32
    scf.if %cond3A_76 {
      %add3A_94 = arith.constant 0 : i32
      %add3A_95 = arith.addi %select_n3A_30, %add3A_94 : i32
      %mul3A_96 = arith.constant 64 : i32
      %mul3A_97 = arith.muli %add3A_95, %mul3A_96 : i32
      %dma_start3A = tpu.memref_slice %arg12[%mul3A_97] : memref<4112xi32, #tpu.memory_space<vmem>> -> memref<64xi32, #tpu.memory_space<vmem>>
      %dma_start3A_98 = arith.constant 0 : i32
      %dma_start3A_99 = arith.constant 0 : i32
      %dma_start3A_100 = tpu.memref_slice %arg2[%dma_start3A_98, %dma_start3A_99] : memref<32768x512xf32, #tpu.memory_space<hbm>> -> memref<32768x512xf32, #tpu.memory_space<hbm>>
      tpu.enqueue_indirect_dma source(%dma_start3A_100 : memref<32768x512xf32, #tpu.memory_space<hbm>>) target(%arg16 : memref<64x512xf32, #tpu.memory_space<vmem>>) offsets(%dma_start3A : memref<64xi32, #tpu.memory_space<vmem>>) semaphore(%arg19 : memref<!tpu.dma_semaphore, #tpu.memory_space<semaphore_mem>>)
    } else {
    }
    %add3A_77 = arith.constant 4 : i32
    %add3A_78 = arith.addi %select_n3A_30, %add3A_77 : i32
    %mul3A_79 = arith.constant 64 : i32
    %mul3A_80 = arith.muli %add3A_78, %mul3A_79 : i32
    %lt3A_81 = arith.cmpi slt, %mul3A_80, %scan3A_47 : i32
    %and3A_82 = arith.constant true
    %and3A_83 = arith.andi %and3A_82, %lt3A_81 : i1
    %convert_element_type3A_84 = arith.extui %and3A_83 : i1 to i32
    %cond3A_85 = arith.constant 0 : i32
    %cond3A_86 = arith.cmpi ne, %convert_element_type3A_84, %cond3A_85 : i32
    scf.if %cond3A_86 {
      %add3A_94 = arith.constant 4 : i32
      %add3A_95 = arith.addi %select_n3A_30, %add3A_94 : i32
      %mul3A_96 = arith.constant 64 : i32
      %mul3A_97 = arith.muli %add3A_95, %mul3A_96 : i32
      %dma_start3A = tpu.memref_slice %arg12[%mul3A_97] : memref<4112xi32, #tpu.memory_space<vmem>> -> memref<64xi32, #tpu.memory_space<vmem>>
      %dma_start3A_98 = arith.constant 0 : i32
      %dma_start3A_99 = arith.constant 0 : i32
      %dma_start3A_100 = tpu.memref_slice %arg2[%dma_start3A_98, %dma_start3A_99] : memref<32768x512xf32, #tpu.memory_space<hbm>> -> memref<32768x512xf32, #tpu.memory_space<hbm>>
      tpu.enqueue_indirect_dma source(%dma_start3A_100 : memref<32768x512xf32, #tpu.memory_space<hbm>>) target(%arg17 : memref<64x512xf32, #tpu.memory_space<vmem>>) offsets(%dma_start3A : memref<64xi32, #tpu.memory_space<vmem>>) semaphore(%arg20 : memref<!tpu.dma_semaphore, #tpu.memory_space<semaphore_mem>>)
    } else {
    }
    %scan3A_87 = arith.constant 0 : i32
    %scan3A_88 = arith.constant 0 : i32
    %scan3A_89 = arith.constant 8 : i32
    %scan3A_90 = arith.addi %scan3A_88, %scan3A_89 : i32
    %scan3A_91 = arith.constant 1 : i32
    %scan3A_92 = scf.for %scan3A_94 = %scan3A_88 to %scan3A_90 step %scan3A_91 iter_args(%scan3A_95 = %scan3A_87) -> (i32)  : i32 {
      %mul3A_96 = arith.constant 2 : i32
      %mul3A_97 = arith.muli %mul3A_96, %scan3A_94 : i32
      %mul3A_98 = arith.constant 4 : i32
      %mul3A_99 = arith.muli %mul3A_98, %mul3A_97 : i32
      %add3A_100 = arith.addi %select_n3A_30, %mul3A_99 : i32
      %mul3A_101 = arith.constant 64 : i32
      %mul3A_102 = arith.muli %add3A_100, %mul3A_101 : i32
      %add3A_103 = arith.addi %mul3A_34, %mul3A_102 : i32
      %lt3A_104 = arith.cmpi slt, %mul3A_102, %scan3A_47 : i32
      %convert_element_type3A_105 = arith.extui %lt3A_104 : i1 to i32
      %cond3A_106 = arith.constant 0 : i32
      %cond3A_107 = arith.cmpi ne, %convert_element_type3A_105, %cond3A_106 : i32
      scf.if %cond3A_107 {
        %dma_wait3A = tpu.memref_slice %arg12[%mul3A_102] : memref<4112xi32, #tpu.memory_space<vmem>> -> memref<64xi32, #tpu.memory_space<vmem>>
        %dma_wait3A_160 = arith.constant 0 : i32
        %dma_wait3A_161 = arith.constant 0 : i32
        %dma_wait3A_162 = tpu.memref_slice %arg2[%dma_wait3A_160, %dma_wait3A_161] : memref<32768x512xf32, #tpu.memory_space<hbm>> -> memref<32768x512xf32, #tpu.memory_space<hbm>>
        tpu.wait_indirect_dma semaphore(%arg19 : memref<!tpu.dma_semaphore, #tpu.memory_space<semaphore_mem>>) src(%dma_wait3A_162 : memref<32768x512xf32, #tpu.memory_space<hbm>>) dst(%arg16 : memref<64x512xf32, #tpu.memory_space<vmem>>)
        %scan3A_163 = arith.constant 0 : i32
        %scan3A_164 = arith.constant 0 : i32
        %scan3A_165 = arith.constant 64 : i32
        %scan3A_166 = arith.addi %scan3A_164, %scan3A_165 : i32
        %scan3A_167 = arith.constant 1 : i32
        %scan3A_168 = scf.for %scan3A_170 = %scan3A_164 to %scan3A_166 step %scan3A_167 iter_args(%scan3A_171 = %scan3A_163) -> (i32)  : i32 {
          %add3A_172 = arith.addi %mul3A_102, %scan3A_170 : i32
          %get3A_173 = arith.index_cast %add3A_172 : i32 to index
          %get3A_174 = tpu.vector_load %arg13[%get3A_173] {strides = array<i32>} : memref<4112xf32, #tpu.memory_space<vmem>>, vector<16xf32>,
          %slice3A_175 = vector.extract_strided_slice %get3A_174 {offsets = [0], sizes = [1], strides = [1]} : vector<16xf32> to vector<1xf32>
          %squeeze3A_176 = vector.extract %slice3A_175[0] : f32 from vector<1xf32>
          %get3A_177 = arith.index_cast %scan3A_170 : i32 to index
          %get3A_178 = arith.constant 0 : index
          %get3A_179 = tpu.vector_load %arg16[%get3A_177, %get3A_178] {strides = array<i32>} : memref<64x512xf32, #tpu.memory_space<vmem>>, vector<16xf32>,
          %mul3A_180 = vector.broadcast %squeeze3A_176 : f32 to vector<16xf32>
          %mul3A_181 = arith.mulf %get3A_179, %mul3A_180 : vector<16xf32>
          %swap3A = arith.index_cast %scan3A_170 : i32 to index
          %swap3A_182 = arith.constant 0 : index
          %swap3A_183 = tpu.vector_load %arg16[%swap3A, %swap3A_182] {strides = array<i32>} : memref<64x512xf32, #tpu.memory_space<vmem>>, vector<16xf32>,
          tpu.vector_store %arg16[%swap3A, %swap3A_182], %mul3A_181 {strides = array<i32>} : memref<64x512xf32, #tpu.memory_space<vmem>>, vector<16xf32>,
          %get3A_184 = arith.index_cast %scan3A_170 : i32 to index
          %get3A_185 = arith.constant 16 : index
          %get3A_186 = tpu.vector_load %arg16[%get3A_184, %get3A_185] {strides = array<i32>} : memref<64x512xf32, #tpu.memory_space<vmem>>, vector<16xf32>,
          %mul3A_187 = vector.broadcast %squeeze3A_176 : f32 to vector<16xf32>
          %mul3A_188 = arith.mulf %get3A_186, %mul3A_187 : vector<16xf32>
          %swap3A_189 = arith.index_cast %scan3A_170 : i32 to index
          %swap3A_190 = arith.constant 16 : index
          %swap3A_191 = tpu.vector_load %arg16[%swap3A_189, %swap3A_190] {strides = array<i32>} : memref<64x512xf32, #tpu.memory_space<vmem>>, vector<16xf32>,
          tpu.vector_store %arg16[%swap3A_189, %swap3A_190], %mul3A_188 {strides = array<i32>} : memref<64x512xf32, #tpu.memory_space<vmem>>, vector<16xf32>,
          %get3A_192 = arith.index_cast %scan3A_170 : i32 to index
          %get3A_193 = arith.constant 32 : index
          %get3A_194 = tpu.vector_load %arg16[%get3A_192, %get3A_193] {strides = array<i32>} : memref<64x512xf32, #tpu.memory_space<vmem>>, vector<16xf32>,
          %mul3A_195 = vector.broadcast %squeeze3A_176 : f32 to vector<16xf32>
          %mul3A_196 = arith.mulf %get3A_194, %mul3A_195 : vector<16xf32>
          %swap3A_197 = arith.index_cast %scan3A_170 : i32 to index
          %swap3A_198 = arith.constant 32 : index
          %swap3A_199 = tpu.vector_load %arg16[%swap3A_197, %swap3A_198] {strides = array<i32>} : memref<64x512xf32, #tpu.memory_space<vmem>>, vector<16xf32>,
          tpu.vector_store %arg16[%swap3A_197, %swap3A_198], %mul3A_196 {strides = array<i32>} : memref<64x512xf32, #tpu.memory_space<vmem>>, vector<16xf32>,
          %get3A_200 = arith.index_cast %scan3A_170 : i32 to index
          %get3A_201 = arith.constant 48 : index
          %get3A_202 = tpu.vector_load %arg16[%get3A_200, %get3A_201] {strides = array<i32>} : memref<64x512xf32, #tpu.memory_space<vmem>>, vector<16xf32>,
          %mul3A_203 = vector.broadcast %squeeze3A_176 : f32 to vector<16xf32>
          %mul3A_204 = arith.mulf %get3A_202, %mul3A_203 : vector<16xf32>
          %swap3A_205 = arith.index_cast %scan3A_170 : i32 to index
          %swap3A_206 = arith.constant 48 : index
          %swap3A_207 = tpu.vector_load %arg16[%swap3A_205, %swap3A_206] {strides = array<i32>} : memref<64x512xf32, #tpu.memory_space<vmem>>, vector<16xf32>,
          tpu.vector_store %arg16[%swap3A_205, %swap3A_206], %mul3A_204 {strides = array<i32>} : memref<64x512xf32, #tpu.memory_space<vmem>>, vector<16xf32>,
          %get3A_208 = arith.index_cast %scan3A_170 : i32 to index
          %get3A_209 = arith.constant 64 : index
          %get3A_210 = tpu.vector_load %arg16[%get3A_208, %get3A_209] {strides = array<i32>} : memref<64x512xf32, #tpu.memory_space<vmem>>, vector<16xf32>,
          %mul3A_211 = vector.broadcast %squeeze3A_176 : f32 to vector<16xf32>
          %mul3A_212 = arith.mulf %get3A_210, %mul3A_211 : vector<16xf32>
          %swap3A_213 = arith.index_cast %scan3A_170 : i32 to index
          %swap3A_214 = arith.constant 64 : index
          %swap3A_215 = tpu.vector_load %arg16[%swap3A_213, %swap3A_214] {strides = array<i32>} : memref<64x512xf32, #tpu.memory_space<vmem>>, vector<16xf32>,
          tpu.vector_store %arg16[%swap3A_213, %swap3A_214], %mul3A_212 {strides = array<i32>} : memref<64x512xf32, #tpu.memory_space<vmem>>, vector<16xf32>,
          %get3A_216 = arith.index_cast %scan3A_170 : i32 to index
          %get3A_217 = arith.constant 80 : index
          %get3A_218 = tpu.vector_load %arg16[%get3A_216, %get3A_217] {strides = array<i32>} : memref<64x512xf32, #tpu.memory_space<vmem>>, vector<16xf32>,
          %mul3A_219 = vector.broadcast %squeeze3A_176 : f32 to vector<16xf32>
          %mul3A_220 = arith.mulf %get3A_218, %mul3A_219 : vector<16xf32>
          %swap3A_221 = arith.index_cast %scan3A_170 : i32 to index
          %swap3A_222 = arith.constant 80 : index
          %swap3A_223 = tpu.vector_load %arg16[%swap3A_221, %swap3A_222] {strides = array<i32>} : memref<64x512xf32, #tpu.memory_space<vmem>>, vector<16xf32>,
          tpu.vector_store %arg16[%swap3A_221, %swap3A_222], %mul3A_220 {strides = array<i32>} : memref<64x512xf32, #tpu.memory_space<vmem>>, vector<16xf32>,
          %get3A_224 = arith.index_cast %scan3A_170 : i32 to index
          %get3A_225 = arith.constant 96 : index
          %get3A_226 = tpu.vector_load %arg16[%get3A_224, %get3A_225] {strides = array<i32>} : memref<64x512xf32, #tpu.memory_space<vmem>>, vector<16xf32>,
          %mul3A_227 = vector.broadcast %squeeze3A_176 : f32 to vector<16xf32>
          %mul3A_228 = arith.mulf %get3A_226, %mul3A_227 : vector<16xf32>
          %swap3A_229 = arith.index_cast %scan3A_170 : i32 to index
          %swap3A_230 = arith.constant 96 : index
          %swap3A_231 = tpu.vector_load %arg16[%swap3A_229, %swap3A_230] {strides = array<i32>} : memref<64x512xf32, #tpu.memory_space<vmem>>, vector<16xf32>,
          tpu.vector_store %arg16[%swap3A_229, %swap3A_230], %mul3A_228 {strides = array<i32>} : memref<64x512xf32, #tpu.memory_space<vmem>>, vector<16xf32>,
          %get3A_232 = arith.index_cast %scan3A_170 : i32 to index
          %get3A_233 = arith.constant 112 : index
          %get3A_234 = tpu.vector_load %arg16[%get3A_232, %get3A_233] {strides = array<i32>} : memref<64x512xf32, #tpu.memory_space<vmem>>, vector<16xf32>,
          %mul3A_235 = vector.broadcast %squeeze3A_176 : f32 to vector<16xf32>
          %mul3A_236 = arith.mulf %get3A_234, %mul3A_235 : vector<16xf32>
          %swap3A_237 = arith.index_cast %scan3A_170 : i32 to index
          %swap3A_238 = arith.constant 112 : index
          %swap3A_239 = tpu.vector_load %arg16[%swap3A_237, %swap3A_238] {strides = array<i32>} : memref<64x512xf32, #tpu.memory_space<vmem>>, vector<16xf32>,
          tpu.vector_store %arg16[%swap3A_237, %swap3A_238], %mul3A_236 {strides = array<i32>} : memref<64x512xf32, #tpu.memory_space<vmem>>, vector<16xf32>,
          %get3A_240 = arith.index_cast %scan3A_170 : i32 to index
          %get3A_241 = arith.constant 128 : index
          %get3A_242 = tpu.vector_load %arg16[%get3A_240, %get3A_241] {strides = array<i32>} : memref<64x512xf32, #tpu.memory_space<vmem>>, vector<16xf32>,
          %mul3A_243 = vector.broadcast %squeeze3A_176 : f32 to vector<16xf32>
          %mul3A_244 = arith.mulf %get3A_242, %mul3A_243 : vector<16xf32>
          %swap3A_245 = arith.index_cast %scan3A_170 : i32 to index
          %swap3A_246 = arith.constant 128 : index
          %swap3A_247 = tpu.vector_load %arg16[%swap3A_245, %swap3A_246] {strides = array<i32>} : memref<64x512xf32, #tpu.memory_space<vmem>>, vector<16xf32>,
          tpu.vector_store %arg16[%swap3A_245, %swap3A_246], %mul3A_244 {strides = array<i32>} : memref<64x512xf32, #tpu.memory_space<vmem>>, vector<16xf32>,
          %get3A_248 = arith.index_cast %scan3A_170 : i32 to index
          %get3A_249 = arith.constant 144 : index
          %get3A_250 = tpu.vector_load %arg16[%get3A_248, %get3A_249] {strides = array<i32>} : memref<64x512xf32, #tpu.memory_space<vmem>>, vector<16xf32>,
          %mul3A_251 = vector.broadcast %squeeze3A_176 : f32 to vector<16xf32>
          %mul3A_252 = arith.mulf %get3A_250, %mul3A_251 : vector<16xf32>
          %swap3A_253 = arith.index_cast %scan3A_170 : i32 to index
          %swap3A_254 = arith.constant 144 : index
          %swap3A_255 = tpu.vector_load %arg16[%swap3A_253, %swap3A_254] {strides = array<i32>} : memref<64x512xf32, #tpu.memory_space<vmem>>, vector<16xf32>,
          tpu.vector_store %arg16[%swap3A_253, %swap3A_254], %mul3A_252 {strides = array<i32>} : memref<64x512xf32, #tpu.memory_space<vmem>>, vector<16xf32>,
          %get3A_256 = arith.index_cast %scan3A_170 : i32 to index
          %get3A_257 = arith.constant 160 : index
          %get3A_258 = tpu.vector_load %arg16[%get3A_256, %get3A_257] {strides = array<i32>} : memref<64x512xf32, #tpu.memory_space<vmem>>, vector<16xf32>,
          %mul3A_259 = vector.broadcast %squeeze3A_176 : f32 to vector<16xf32>
          %mul3A_260 = arith.mulf %get3A_258, %mul3A_259 : vector<16xf32>
          %swap3A_261 = arith.index_cast %scan3A_170 : i32 to index
          %swap3A_262 = arith.constant 160 : index
          %swap3A_263 = tpu.vector_load %arg16[%swap3A_261, %swap3A_262] {strides = array<i32>} : memref<64x512xf32, #tpu.memory_space<vmem>>, vector<16xf32>,
          tpu.vector_store %arg16[%swap3A_261, %swap3A_262], %mul3A_260 {strides = array<i32>} : memref<64x512xf32, #tpu.memory_space<vmem>>, vector<16xf32>,
          %get3A_264 = arith.index_cast %scan3A_170 : i32 to index
          %get3A_265 = arith.constant 176 : index
          %get3A_266 = tpu.vector_load %arg16[%get3A_264, %get3A_265] {strides = array<i32>} : memref<64x512xf32, #tpu.memory_space<vmem>>, vector<16xf32>,
          %mul3A_267 = vector.broadcast %squeeze3A_176 : f32 to vector<16xf32>
          %mul3A_268 = arith.mulf %get3A_266, %mul3A_267 : vector<16xf32>
          %swap3A_269 = arith.index_cast %scan3A_170 : i32 to index
          %swap3A_270 = arith.constant 176 : index
          %swap3A_271 = tpu.vector_load %arg16[%swap3A_269, %swap3A_270] {strides = array<i32>} : memref<64x512xf32, #tpu.memory_space<vmem>>, vector<16xf32>,
          tpu.vector_store %arg16[%swap3A_269, %swap3A_270], %mul3A_268 {strides = array<i32>} : memref<64x512xf32, #tpu.memory_space<vmem>>, vector<16xf32>,
          %get3A_272 = arith.index_cast %scan3A_170 : i32 to index
          %get3A_273 = arith.constant 192 : index
          %get3A_274 = tpu.vector_load %arg16[%get3A_272, %get3A_273] {strides = array<i32>} : memref<64x512xf32, #tpu.memory_space<vmem>>, vector<16xf32>,
          %mul3A_275 = vector.broadcast %squeeze3A_176 : f32 to vector<16xf32>
          %mul3A_276 = arith.mulf %get3A_274, %mul3A_275 : vector<16xf32>
          %swap3A_277 = arith.index_cast %scan3A_170 : i32 to index
          %swap3A_278 = arith.constant 192 : index
          %swap3A_279 = tpu.vector_load %arg16[%swap3A_277, %swap3A_278] {strides = array<i32>} : memref<64x512xf32, #tpu.memory_space<vmem>>, vector<16xf32>,
          tpu.vector_store %arg16[%swap3A_277, %swap3A_278], %mul3A_276 {strides = array<i32>} : memref<64x512xf32, #tpu.memory_space<vmem>>, vector<16xf32>,
          %get3A_280 = arith.index_cast %scan3A_170 : i32 to index
          %get3A_281 = arith.constant 208 : index
          %get3A_282 = tpu.vector_load %arg16[%get3A_280, %get3A_281] {strides = array<i32>} : memref<64x512xf32, #tpu.memory_space<vmem>>, vector<16xf32>,
          %mul3A_283 = vector.broadcast %squeeze3A_176 : f32 to vector<16xf32>
          %mul3A_284 = arith.mulf %get3A_282, %mul3A_283 : vector<16xf32>
          %swap3A_285 = arith.index_cast %scan3A_170 : i32 to index
          %swap3A_286 = arith.constant 208 : index
          %swap3A_287 = tpu.vector_load %arg16[%swap3A_285, %swap3A_286] {strides = array<i32>} : memref<64x512xf32, #tpu.memory_space<vmem>>, vector<16xf32>,
          tpu.vector_store %arg16[%swap3A_285, %swap3A_286], %mul3A_284 {strides = array<i32>} : memref<64x512xf32, #tpu.memory_space<vmem>>, vector<16xf32>,
          %get3A_288 = arith.index_cast %scan3A_170 : i32 to index
          %get3A_289 = arith.constant 224 : index
          %get3A_290 = tpu.vector_load %arg16[%get3A_288, %get3A_289] {strides = array<i32>} : memref<64x512xf32, #tpu.memory_space<vmem>>, vector<16xf32>,
          %mul3A_291 = vector.broadcast %squeeze3A_176 : f32 to vector<16xf32>
          %mul3A_292 = arith.mulf %get3A_290, %mul3A_291 : vector<16xf32>
          %swap3A_293 = arith.index_cast %scan3A_170 : i32 to index
          %swap3A_294 = arith.constant 224 : index
          %swap3A_295 = tpu.vector_load %arg16[%swap3A_293, %swap3A_294] {strides = array<i32>} : memref<64x512xf32, #tpu.memory_space<vmem>>, vector<16xf32>,
          tpu.vector_store %arg16[%swap3A_293, %swap3A_294], %mul3A_292 {strides = array<i32>} : memref<64x512xf32, #tpu.memory_space<vmem>>, vector<16xf32>,
          %get3A_296 = arith.index_cast %scan3A_170 : i32 to index
          %get3A_297 = arith.constant 240 : index
          %get3A_298 = tpu.vector_load %arg16[%get3A_296, %get3A_297] {strides = array<i32>} : memref<64x512xf32, #tpu.memory_space<vmem>>, vector<16xf32>,
          %mul3A_299 = vector.broadcast %squeeze3A_176 : f32 to vector<16xf32>
          %mul3A_300 = arith.mulf %get3A_298, %mul3A_299 : vector<16xf32>
          %swap3A_301 = arith.index_cast %scan3A_170 : i32 to index
          %swap3A_302 = arith.constant 240 : index
          %swap3A_303 = tpu.vector_load %arg16[%swap3A_301, %swap3A_302] {strides = array<i32>} : memref<64x512xf32, #tpu.memory_space<vmem>>, vector<16xf32>,
          tpu.vector_store %arg16[%swap3A_301, %swap3A_302], %mul3A_300 {strides = array<i32>} : memref<64x512xf32, #tpu.memory_space<vmem>>, vector<16xf32>,
          %get3A_304 = arith.index_cast %scan3A_170 : i32 to index
          %get3A_305 = arith.constant 256 : index
          %get3A_306 = tpu.vector_load %arg16[%get3A_304, %get3A_305] {strides = array<i32>} : memref<64x512xf32, #tpu.memory_space<vmem>>, vector<16xf32>,
          %mul3A_307 = vector.broadcast %squeeze3A_176 : f32 to vector<16xf32>
          %mul3A_308 = arith.mulf %get3A_306, %mul3A_307 : vector<16xf32>
          %swap3A_309 = arith.index_cast %scan3A_170 : i32 to index
          %swap3A_310 = arith.constant 256 : index
          %swap3A_311 = tpu.vector_load %arg16[%swap3A_309, %swap3A_310] {strides = array<i32>} : memref<64x512xf32, #tpu.memory_space<vmem>>, vector<16xf32>,
          tpu.vector_store %arg16[%swap3A_309, %swap3A_310], %mul3A_308 {strides = array<i32>} : memref<64x512xf32, #tpu.memory_space<vmem>>, vector<16xf32>,
          %get3A_312 = arith.index_cast %scan3A_170 : i32 to index
          %get3A_313 = arith.constant 272 : index
          %get3A_314 = tpu.vector_load %arg16[%get3A_312, %get3A_313] {strides = array<i32>} : memref<64x512xf32, #tpu.memory_space<vmem>>, vector<16xf32>,
          %mul3A_315 = vector.broadcast %squeeze3A_176 : f32 to vector<16xf32>
          %mul3A_316 = arith.mulf %get3A_314, %mul3A_315 : vector<16xf32>
          %swap3A_317 = arith.index_cast %scan3A_170 : i32 to index
          %swap3A_318 = arith.constant 272 : index
          %swap3A_319 = tpu.vector_load %arg16[%swap3A_317, %swap3A_318] {strides = array<i32>} : memref<64x512xf32, #tpu.memory_space<vmem>>, vector<16xf32>,
          tpu.vector_store %arg16[%swap3A_317, %swap3A_318], %mul3A_316 {strides = array<i32>} : memref<64x512xf32, #tpu.memory_space<vmem>>, vector<16xf32>,
          %get3A_320 = arith.index_cast %scan3A_170 : i32 to index
          %get3A_321 = arith.constant 288 : index
          %get3A_322 = tpu.vector_load %arg16[%get3A_320, %get3A_321] {strides = array<i32>} : memref<64x512xf32, #tpu.memory_space<vmem>>, vector<16xf32>,
          %mul3A_323 = vector.broadcast %squeeze3A_176 : f32 to vector<16xf32>
          %mul3A_324 = arith.mulf %get3A_322, %mul3A_323 : vector<16xf32>
          %swap3A_325 = arith.index_cast %scan3A_170 : i32 to index
          %swap3A_326 = arith.constant 288 : index
          %swap3A_327 = tpu.vector_load %arg16[%swap3A_325, %swap3A_326] {strides = array<i32>} : memref<64x512xf32, #tpu.memory_space<vmem>>, vector<16xf32>,
          tpu.vector_store %arg16[%swap3A_325, %swap3A_326], %mul3A_324 {strides = array<i32>} : memref<64x512xf32, #tpu.memory_space<vmem>>, vector<16xf32>,
          %get3A_328 = arith.index_cast %scan3A_170 : i32 to index
          %get3A_329 = arith.constant 304 : index
          %get3A_330 = tpu.vector_load %arg16[%get3A_328, %get3A_329] {strides = array<i32>} : memref<64x512xf32, #tpu.memory_space<vmem>>, vector<16xf32>,
          %mul3A_331 = vector.broadcast %squeeze3A_176 : f32 to vector<16xf32>
          %mul3A_332 = arith.mulf %get3A_330, %mul3A_331 : vector<16xf32>
          %swap3A_333 = arith.index_cast %scan3A_170 : i32 to index
          %swap3A_334 = arith.constant 304 : index
          %swap3A_335 = tpu.vector_load %arg16[%swap3A_333, %swap3A_334] {strides = array<i32>} : memref<64x512xf32, #tpu.memory_space<vmem>>, vector<16xf32>,
          tpu.vector_store %arg16[%swap3A_333, %swap3A_334], %mul3A_332 {strides = array<i32>} : memref<64x512xf32, #tpu.memory_space<vmem>>, vector<16xf32>,
          %get3A_336 = arith.index_cast %scan3A_170 : i32 to index
          %get3A_337 = arith.constant 320 : index
          %get3A_338 = tpu.vector_load %arg16[%get3A_336, %get3A_337] {strides = array<i32>} : memref<64x512xf32, #tpu.memory_space<vmem>>, vector<16xf32>,
          %mul3A_339 = vector.broadcast %squeeze3A_176 : f32 to vector<16xf32>
          %mul3A_340 = arith.mulf %get3A_338, %mul3A_339 : vector<16xf32>
          %swap3A_341 = arith.index_cast %scan3A_170 : i32 to index
          %swap3A_342 = arith.constant 320 : index
          %swap3A_343 = tpu.vector_load %arg16[%swap3A_341, %swap3A_342] {strides = array<i32>} : memref<64x512xf32, #tpu.memory_space<vmem>>, vector<16xf32>,
          tpu.vector_store %arg16[%swap3A_341, %swap3A_342], %mul3A_340 {strides = array<i32>} : memref<64x512xf32, #tpu.memory_space<vmem>>, vector<16xf32>,
          %get3A_344 = arith.index_cast %scan3A_170 : i32 to index
          %get3A_345 = arith.constant 336 : index
          %get3A_346 = tpu.vector_load %arg16[%get3A_344, %get3A_345] {strides = array<i32>} : memref<64x512xf32, #tpu.memory_space<vmem>>, vector<16xf32>,
          %mul3A_347 = vector.broadcast %squeeze3A_176 : f32 to vector<16xf32>
          %mul3A_348 = arith.mulf %get3A_346, %mul3A_347 : vector<16xf32>
          %swap3A_349 = arith.index_cast %scan3A_170 : i32 to index
          %swap3A_350 = arith.constant 336 : index
          %swap3A_351 = tpu.vector_load %arg16[%swap3A_349, %swap3A_350] {strides = array<i32>} : memref<64x512xf32, #tpu.memory_space<vmem>>, vector<16xf32>,
          tpu.vector_store %arg16[%swap3A_349, %swap3A_350], %mul3A_348 {strides = array<i32>} : memref<64x512xf32, #tpu.memory_space<vmem>>, vector<16xf32>,
          %get3A_352 = arith.index_cast %scan3A_170 : i32 to index
          %get3A_353 = arith.constant 352 : index
          %get3A_354 = tpu.vector_load %arg16[%get3A_352, %get3A_353] {strides = array<i32>} : memref<64x512xf32, #tpu.memory_space<vmem>>, vector<16xf32>,
          %mul3A_355 = vector.broadcast %squeeze3A_176 : f32 to vector<16xf32>
          %mul3A_356 = arith.mulf %get3A_354, %mul3A_355 : vector<16xf32>
          %swap3A_357 = arith.index_cast %scan3A_170 : i32 to index
          %swap3A_358 = arith.constant 352 : index
          %swap3A_359 = tpu.vector_load %arg16[%swap3A_357, %swap3A_358] {strides = array<i32>} : memref<64x512xf32, #tpu.memory_space<vmem>>, vector<16xf32>,
          tpu.vector_store %arg16[%swap3A_357, %swap3A_358], %mul3A_356 {strides = array<i32>} : memref<64x512xf32, #tpu.memory_space<vmem>>, vector<16xf32>,
          %get3A_360 = arith.index_cast %scan3A_170 : i32 to index
          %get3A_361 = arith.constant 368 : index
          %get3A_362 = tpu.vector_load %arg16[%get3A_360, %get3A_361] {strides = array<i32>} : memref<64x512xf32, #tpu.memory_space<vmem>>, vector<16xf32>,
          %mul3A_363 = vector.broadcast %squeeze3A_176 : f32 to vector<16xf32>
          %mul3A_364 = arith.mulf %get3A_362, %mul3A_363 : vector<16xf32>
          %swap3A_365 = arith.index_cast %scan3A_170 : i32 to index
          %swap3A_366 = arith.constant 368 : index
          %swap3A_367 = tpu.vector_load %arg16[%swap3A_365, %swap3A_366] {strides = array<i32>} : memref<64x512xf32, #tpu.memory_space<vmem>>, vector<16xf32>,
          tpu.vector_store %arg16[%swap3A_365, %swap3A_366], %mul3A_364 {strides = array<i32>} : memref<64x512xf32, #tpu.memory_space<vmem>>, vector<16xf32>,
          %get3A_368 = arith.index_cast %scan3A_170 : i32 to index
          %get3A_369 = arith.constant 384 : index
          %get3A_370 = tpu.vector_load %arg16[%get3A_368, %get3A_369] {strides = array<i32>} : memref<64x512xf32, #tpu.memory_space<vmem>>, vector<16xf32>,
          %mul3A_371 = vector.broadcast %squeeze3A_176 : f32 to vector<16xf32>
          %mul3A_372 = arith.mulf %get3A_370, %mul3A_371 : vector<16xf32>
          %swap3A_373 = arith.index_cast %scan3A_170 : i32 to index
          %swap3A_374 = arith.constant 384 : index
          %swap3A_375 = tpu.vector_load %arg16[%swap3A_373, %swap3A_374] {strides = array<i32>} : memref<64x512xf32, #tpu.memory_space<vmem>>, vector<16xf32>,
          tpu.vector_store %arg16[%swap3A_373, %swap3A_374], %mul3A_372 {strides = array<i32>} : memref<64x512xf32, #tpu.memory_space<vmem>>, vector<16xf32>,
          %get3A_376 = arith.index_cast %scan3A_170 : i32 to index
          %get3A_377 = arith.constant 400 : index
          %get3A_378 = tpu.vector_load %arg16[%get3A_376, %get3A_377] {strides = array<i32>} : memref<64x512xf32, #tpu.memory_space<vmem>>, vector<16xf32>,
          %mul3A_379 = vector.broadcast %squeeze3A_176 : f32 to vector<16xf32>
          %mul3A_380 = arith.mulf %get3A_378, %mul3A_379 : vector<16xf32>
          %swap3A_381 = arith.index_cast %scan3A_170 : i32 to index
          %swap3A_382 = arith.constant 400 : index
          %swap3A_383 = tpu.vector_load %arg16[%swap3A_381, %swap3A_382] {strides = array<i32>} : memref<64x512xf32, #tpu.memory_space<vmem>>, vector<16xf32>,
          tpu.vector_store %arg16[%swap3A_381, %swap3A_382], %mul3A_380 {strides = array<i32>} : memref<64x512xf32, #tpu.memory_space<vmem>>, vector<16xf32>,
          %get3A_384 = arith.index_cast %scan3A_170 : i32 to index
          %get3A_385 = arith.constant 416 : index
          %get3A_386 = tpu.vector_load %arg16[%get3A_384, %get3A_385] {strides = array<i32>} : memref<64x512xf32, #tpu.memory_space<vmem>>, vector<16xf32>,
          %mul3A_387 = vector.broadcast %squeeze3A_176 : f32 to vector<16xf32>
          %mul3A_388 = arith.mulf %get3A_386, %mul3A_387 : vector<16xf32>
          %swap3A_389 = arith.index_cast %scan3A_170 : i32 to index
          %swap3A_390 = arith.constant 416 : index
          %swap3A_391 = tpu.vector_load %arg16[%swap3A_389, %swap3A_390] {strides = array<i32>} : memref<64x512xf32, #tpu.memory_space<vmem>>, vector<16xf32>,
          tpu.vector_store %arg16[%swap3A_389, %swap3A_390], %mul3A_388 {strides = array<i32>} : memref<64x512xf32, #tpu.memory_space<vmem>>, vector<16xf32>,
          %get3A_392 = arith.index_cast %scan3A_170 : i32 to index
          %get3A_393 = arith.constant 432 : index
          %get3A_394 = tpu.vector_load %arg16[%get3A_392, %get3A_393] {strides = array<i32>} : memref<64x512xf32, #tpu.memory_space<vmem>>, vector<16xf32>,
          %mul3A_395 = vector.broadcast %squeeze3A_176 : f32 to vector<16xf32>
          %mul3A_396 = arith.mulf %get3A_394, %mul3A_395 : vector<16xf32>
          %swap3A_397 = arith.index_cast %scan3A_170 : i32 to index
          %swap3A_398 = arith.constant 432 : index
          %swap3A_399 = tpu.vector_load %arg16[%swap3A_397, %swap3A_398] {strides = array<i32>} : memref<64x512xf32, #tpu.memory_space<vmem>>, vector<16xf32>,
          tpu.vector_store %arg16[%swap3A_397, %swap3A_398], %mul3A_396 {strides = array<i32>} : memref<64x512xf32, #tpu.memory_space<vmem>>, vector<16xf32>,
          %get3A_400 = arith.index_cast %scan3A_170 : i32 to index
          %get3A_401 = arith.constant 448 : index
          %get3A_402 = tpu.vector_load %arg16[%get3A_400, %get3A_401] {strides = array<i32>} : memref<64x512xf32, #tpu.memory_space<vmem>>, vector<16xf32>,
          %mul3A_403 = vector.broadcast %squeeze3A_176 : f32 to vector<16xf32>
          %mul3A_404 = arith.mulf %get3A_402, %mul3A_403 : vector<16xf32>
          %swap3A_405 = arith.index_cast %scan3A_170 : i32 to index
          %swap3A_406 = arith.constant 448 : index
          %swap3A_407 = tpu.vector_load %arg16[%swap3A_405, %swap3A_406] {strides = array<i32>} : memref<64x512xf32, #tpu.memory_space<vmem>>, vector<16xf32>,
          tpu.vector_store %arg16[%swap3A_405, %swap3A_406], %mul3A_404 {strides = array<i32>} : memref<64x512xf32, #tpu.memory_space<vmem>>, vector<16xf32>,
          %get3A_408 = arith.index_cast %scan3A_170 : i32 to index
          %get3A_409 = arith.constant 464 : index
          %get3A_410 = tpu.vector_load %arg16[%get3A_408, %get3A_409] {strides = array<i32>} : memref<64x512xf32, #tpu.memory_space<vmem>>, vector<16xf32>,
          %mul3A_411 = vector.broadcast %squeeze3A_176 : f32 to vector<16xf32>
          %mul3A_412 = arith.mulf %get3A_410, %mul3A_411 : vector<16xf32>
          %swap3A_413 = arith.index_cast %scan3A_170 : i32 to index
          %swap3A_414 = arith.constant 464 : index
          %swap3A_415 = tpu.vector_load %arg16[%swap3A_413, %swap3A_414] {strides = array<i32>} : memref<64x512xf32, #tpu.memory_space<vmem>>, vector<16xf32>,
          tpu.vector_store %arg16[%swap3A_413, %swap3A_414], %mul3A_412 {strides = array<i32>} : memref<64x512xf32, #tpu.memory_space<vmem>>, vector<16xf32>,
          %get3A_416 = arith.index_cast %scan3A_170 : i32 to index
          %get3A_417 = arith.constant 480 : index
          %get3A_418 = tpu.vector_load %arg16[%get3A_416, %get3A_417] {strides = array<i32>} : memref<64x512xf32, #tpu.memory_space<vmem>>, vector<16xf32>,
          %mul3A_419 = vector.broadcast %squeeze3A_176 : f32 to vector<16xf32>
          %mul3A_420 = arith.mulf %get3A_418, %mul3A_419 : vector<16xf32>
          %swap3A_421 = arith.index_cast %scan3A_170 : i32 to index
          %swap3A_422 = arith.constant 480 : index
          %swap3A_423 = tpu.vector_load %arg16[%swap3A_421, %swap3A_422] {strides = array<i32>} : memref<64x512xf32, #tpu.memory_space<vmem>>, vector<16xf32>,
          tpu.vector_store %arg16[%swap3A_421, %swap3A_422], %mul3A_420 {strides = array<i32>} : memref<64x512xf32, #tpu.memory_space<vmem>>, vector<16xf32>,
          %get3A_424 = arith.index_cast %scan3A_170 : i32 to index
          %get3A_425 = arith.constant 496 : index
          %get3A_426 = tpu.vector_load %arg16[%get3A_424, %get3A_425] {strides = array<i32>} : memref<64x512xf32, #tpu.memory_space<vmem>>, vector<16xf32>,
          %mul3A_427 = vector.broadcast %squeeze3A_176 : f32 to vector<16xf32>
          %mul3A_428 = arith.mulf %get3A_426, %mul3A_427 : vector<16xf32>
          %swap3A_429 = arith.index_cast %scan3A_170 : i32 to index
          %swap3A_430 = arith.constant 496 : index
          %swap3A_431 = tpu.vector_load %arg16[%swap3A_429, %swap3A_430] {strides = array<i32>} : memref<64x512xf32, #tpu.memory_space<vmem>>, vector<16xf32>,
          tpu.vector_store %arg16[%swap3A_429, %swap3A_430], %mul3A_428 {strides = array<i32>} : memref<64x512xf32, #tpu.memory_space<vmem>>, vector<16xf32>,
          %scan3A_432 = arith.constant 0 : i32
          scf.yield %scan3A_432 : i32
        }
        %scan3A_169 = arith.constant 64 : i32
        "tpu.region"() ({
          %run_scoped3A = tpu.sem_alloc : memref<!tpu.dma_semaphore, #tpu.memory_space<semaphore_mem>>
          %dma_start3A = arith.constant 0 : i32
          %dma_start3A_170 = tpu.memref_slice %arg6[%add3A_103, %dma_start3A] : memref<32768x512xf32, #tpu.memory_space<hbm>> -> memref<64x512xf32, #tpu.memory_space<hbm>>
          %dma_start3A_171 = arith.constant 0 : i32
          %dma_start3A_172 = tpu.memref_slice %arg6[%add3A_103, %dma_start3A_171] : memref<32768x512xf32, #tpu.memory_space<hbm>> -> memref<64x512xf32, #tpu.memory_space<hbm>>
          tpu.enqueue_dma source(%arg16 : memref<64x512xf32, #tpu.memory_space<vmem>>) target(%dma_start3A_172 : memref<64x512xf32, #tpu.memory_space<hbm>>) target_semaphore(%run_scoped3A : memref<!tpu.dma_semaphore, #tpu.memory_space<semaphore_mem>>)
          %dma_wait3A_173 = arith.constant 0 : i32
          %dma_wait3A_174 = tpu.memref_slice %arg6[%add3A_103, %dma_wait3A_173] : memref<32768x512xf32, #tpu.memory_space<hbm>> -> memref<64x512xf32, #tpu.memory_space<hbm>>
          %dma_wait3A_175 = arith.constant 0 : i32
          %dma_wait3A_176 = tpu.memref_slice %arg6[%add3A_103, %dma_wait3A_175] : memref<32768x512xf32, #tpu.memory_space<hbm>> -> memref<64x512xf32, #tpu.memory_space<hbm>>
          tpu.wait_dma2 semaphore(%run_scoped3A : memref<!tpu.dma_semaphore, #tpu.memory_space<semaphore_mem>>) src(%arg16 : memref<64x512xf32, #tpu.memory_space<vmem>>) dst(%dma_wait3A_176 : memref<64x512xf32, #tpu.memory_space<hbm>>)
          tpu.yield
        }) : () -> ()
      } else {
      }
      %lt3A_108 = arith.cmpi slt, %mul3A_102, %scan3A_47 : i32
      %not3A = arith.constant true
      %not3A_109 = arith.xori %lt3A_108, %not3A : i1
      %convert_element_type3A_110 = arith.extui %not3A_109 : i1 to i32
      %cond3A_111 = arith.constant 0 : i32
      %cond3A_112 = arith.cmpi ne, %convert_element_type3A_110, %cond3A_111 : i32
      scf.if %cond3A_112 {
        "tpu.region"() ({
          %run_scoped3A = tpu.sem_alloc : memref<!tpu.dma_semaphore, #tpu.memory_space<semaphore_mem>>
          %dma_start3A = arith.constant 0 : i32
          %dma_start3A_160 = tpu.memref_slice %arg6[%add3A_103, %dma_start3A] : memref<32768x512xf32, #tpu.memory_space<hbm>> -> memref<64x512xf32, #tpu.memory_space<hbm>>
          %dma_start3A_161 = arith.constant 0 : i32
          %dma_start3A_162 = tpu.memref_slice %arg6[%add3A_103, %dma_start3A_161] : memref<32768x512xf32, #tpu.memory_space<hbm>> -> memref<64x512xf32, #tpu.memory_space<hbm>>
          tpu.enqueue_dma source(%arg18 : memref<64x512xf32, #tpu.memory_space<vmem>>) target(%dma_start3A_162 : memref<64x512xf32, #tpu.memory_space<hbm>>) target_semaphore(%run_scoped3A : memref<!tpu.dma_semaphore, #tpu.memory_space<semaphore_mem>>)
          %dma_wait3A = arith.constant 0 : i32
          %dma_wait3A_163 = tpu.memref_slice %arg6[%add3A_103, %dma_wait3A] : memref<32768x512xf32, #tpu.memory_space<hbm>> -> memref<64x512xf32, #tpu.memory_space<hbm>>
          %dma_wait3A_164 = arith.constant 0 : i32
          %dma_wait3A_165 = tpu.memref_slice %arg6[%add3A_103, %dma_wait3A_164] : memref<32768x512xf32, #tpu.memory_space<hbm>> -> memref<64x512xf32, #tpu.memory_space<hbm>>
          tpu.wait_dma2 semaphore(%run_scoped3A : memref<!tpu.dma_semaphore, #tpu.memory_space<semaphore_mem>>) src(%arg18 : memref<64x512xf32, #tpu.memory_space<vmem>>) dst(%dma_wait3A_165 : memref<64x512xf32, #tpu.memory_space<hbm>>)
          tpu.yield
        }) : () -> ()
      } else {
      }
      %add3A_113 = arith.constant 2 : i32
      %add3A_114 = arith.addi %mul3A_97, %add3A_113 : i32
      %lt3A_115 = arith.constant 16 : i32
      %lt3A_116 = arith.cmpi slt, %add3A_114, %lt3A_115 : i32
      %mul3A_117 = arith.constant 4 : i32
      %mul3A_118 = arith.muli %mul3A_117, %add3A_114 : i32
      %add3A_119 = arith.addi %select_n3A_30, %mul3A_118 : i32
      %mul3A_120 = arith.constant 64 : i32
      %mul3A_121 = arith.muli %add3A_119, %mul3A_120 : i32
      %lt3A_122 = arith.cmpi slt, %mul3A_121, %scan3A_47 : i32
      %and3A_123 = arith.andi %lt3A_116, %lt3A_122 : i1
      %convert_element_type3A_124 = arith.extui %and3A_123 : i1 to i32
      %cond3A_125 = arith.constant 0 : i32
      %cond3A_126 = arith.cmpi ne, %convert_element_type3A_124, %cond3A_125 : i32
      scf.if %cond3A_126 {
        %mul3A_160 = arith.constant 4 : i32
        %mul3A_161 = arith.muli %mul3A_160, %add3A_114 : i32
        %add3A_162 = arith.addi %select_n3A_30, %mul3A_161 : i32
        %mul3A_163 = arith.constant 64 : i32
        %mul3A_164 = arith.muli %add3A_162, %mul3A_163 : i32
        %dma_start3A = tpu.memref_slice %arg12[%mul3A_164] : memref<4112xi32, #tpu.memory_space<vmem>> -> memref<64xi32, #tpu.memory_space<vmem>>
        %dma_start3A_165 = arith.constant 0 : i32
        %dma_start3A_166 = arith.constant 0 : i32
        %dma_start3A_167 = tpu.memref_slice %arg2[%dma_start3A_165, %dma_start3A_166] : memref<32768x512xf32, #tpu.memory_space<hbm>> -> memref<32768x512xf32, #tpu.memory_space<hbm>>
        tpu.enqueue_indirect_dma source(%dma_start3A_167 : memref<32768x512xf32, #tpu.memory_space<hbm>>) target(%arg16 : memref<64x512xf32, #tpu.memory_space<vmem>>) offsets(%dma_start3A : memref<64xi32, #tpu.memory_space<vmem>>) semaphore(%arg19 : memref<!tpu.dma_semaphore, #tpu.memory_space<semaphore_mem>>)
      } else {
      }
      %add3A_127 = arith.constant 1 : i32
      %add3A_128 = arith.addi %mul3A_97, %add3A_127 : i32
      %mul3A_129 = arith.constant 4 : i32
      %mul3A_130 = arith.muli %mul3A_129, %add3A_128 : i32
      %add3A_131 = arith.addi %select_n3A_30, %mul3A_130 : i32
      %mul3A_132 = arith.constant 64 : i32
      %mul3A_133 = arith.muli %add3A_131, %mul3A_132 : i32
      %add3A_134 = arith.addi %mul3A_34, %mul3A_133 : i32
      %lt3A_135 = arith.cmpi slt, %mul3A_133, %scan3A_47 : i32
      %convert_element_type3A_136 = arith.extui %lt3A_135 : i1 to i32
      %cond3A_137 = arith.constant 0 : i32
      %cond3A_138 = arith.cmpi ne, %convert_element_type3A_136, %cond3A_137 : i32
      scf.if %cond3A_138 {
        %dma_wait3A = tpu.memref_slice %arg12[%mul3A_133] : memref<4112xi32, #tpu.memory_space<vmem>> -> memref<64xi32, #tpu.memory_space<vmem>>
        %dma_wait3A_160 = arith.constant 0 : i32
        %dma_wait3A_161 = arith.constant 0 : i32
        %dma_wait3A_162 = tpu.memref_slice %arg2[%dma_wait3A_160, %dma_wait3A_161] : memref<32768x512xf32, #tpu.memory_space<hbm>> -> memref<32768x512xf32, #tpu.memory_space<hbm>>
        tpu.wait_indirect_dma semaphore(%arg20 : memref<!tpu.dma_semaphore, #tpu.memory_space<semaphore_mem>>) src(%dma_wait3A_162 : memref<32768x512xf32, #tpu.memory_space<hbm>>) dst(%arg17 : memref<64x512xf32, #tpu.memory_space<vmem>>)
        %scan3A_163 = arith.constant 0 : i32
        %scan3A_164 = arith.constant 0 : i32
        %scan3A_165 = arith.constant 64 : i32
        %scan3A_166 = arith.addi %scan3A_164, %scan3A_165 : i32
        %scan3A_167 = arith.constant 1 : i32
        %scan3A_168 = scf.for %scan3A_170 = %scan3A_164 to %scan3A_166 step %scan3A_167 iter_args(%scan3A_171 = %scan3A_163) -> (i32)  : i32 {
          %add3A_172 = arith.addi %mul3A_133, %scan3A_170 : i32
          %get3A_173 = arith.index_cast %add3A_172 : i32 to index
          %get3A_174 = tpu.vector_load %arg13[%get3A_173] {strides = array<i32>} : memref<4112xf32, #tpu.memory_space<vmem>>, vector<16xf32>,
          %slice3A_175 = vector.extract_strided_slice %get3A_174 {offsets = [0], sizes = [1], strides = [1]} : vector<16xf32> to vector<1xf32>
          %squeeze3A_176 = vector.extract %slice3A_175[0] : f32 from vector<1xf32>
          %get3A_177 = arith.index_cast %scan3A_170 : i32 to index
          %get3A_178 = arith.constant 0 : index
          %get3A_179 = tpu.vector_load %arg17[%get3A_177, %get3A_178] {strides = array<i32>} : memref<64x512xf32, #tpu.memory_space<vmem>>, vector<16xf32>,
          %mul3A_180 = vector.broadcast %squeeze3A_176 : f32 to vector<16xf32>
          %mul3A_181 = arith.mulf %get3A_179, %mul3A_180 : vector<16xf32>
          %swap3A = arith.index_cast %scan3A_170 : i32 to index
          %swap3A_182 = arith.constant 0 : index
          %swap3A_183 = tpu.vector_load %arg17[%swap3A, %swap3A_182] {strides = array<i32>} : memref<64x512xf32, #tpu.memory_space<vmem>>, vector<16xf32>,
          tpu.vector_store %arg17[%swap3A, %swap3A_182], %mul3A_181 {strides = array<i32>} : memref<64x512xf32, #tpu.memory_space<vmem>>, vector<16xf32>,
          %get3A_184 = arith.index_cast %scan3A_170 : i32 to index
          %get3A_185 = arith.constant 16 : index
          %get3A_186 = tpu.vector_load %arg17[%get3A_184, %get3A_185] {strides = array<i32>} : memref<64x512xf32, #tpu.memory_space<vmem>>, vector<16xf32>,
          %mul3A_187 = vector.broadcast %squeeze3A_176 : f32 to vector<16xf32>
          %mul3A_188 = arith.mulf %get3A_186, %mul3A_187 : vector<16xf32>
          %swap3A_189 = arith.index_cast %scan3A_170 : i32 to index
          %swap3A_190 = arith.constant 16 : index
          %swap3A_191 = tpu.vector_load %arg17[%swap3A_189, %swap3A_190] {strides = array<i32>} : memref<64x512xf32, #tpu.memory_space<vmem>>, vector<16xf32>,
          tpu.vector_store %arg17[%swap3A_189, %swap3A_190], %mul3A_188 {strides = array<i32>} : memref<64x512xf32, #tpu.memory_space<vmem>>, vector<16xf32>,
          %get3A_192 = arith.index_cast %scan3A_170 : i32 to index
          %get3A_193 = arith.constant 32 : index
          %get3A_194 = tpu.vector_load %arg17[%get3A_192, %get3A_193] {strides = array<i32>} : memref<64x512xf32, #tpu.memory_space<vmem>>, vector<16xf32>,
          %mul3A_195 = vector.broadcast %squeeze3A_176 : f32 to vector<16xf32>
          %mul3A_196 = arith.mulf %get3A_194, %mul3A_195 : vector<16xf32>
          %swap3A_197 = arith.index_cast %scan3A_170 : i32 to index
          %swap3A_198 = arith.constant 32 : index
          %swap3A_199 = tpu.vector_load %arg17[%swap3A_197, %swap3A_198] {strides = array<i32>} : memref<64x512xf32, #tpu.memory_space<vmem>>, vector<16xf32>,
          tpu.vector_store %arg17[%swap3A_197, %swap3A_198], %mul3A_196 {strides = array<i32>} : memref<64x512xf32, #tpu.memory_space<vmem>>, vector<16xf32>,
          %get3A_200 = arith.index_cast %scan3A_170 : i32 to index
          %get3A_201 = arith.constant 48 : index
          %get3A_202 = tpu.vector_load %arg17[%get3A_200, %get3A_201] {strides = array<i32>} : memref<64x512xf32, #tpu.memory_space<vmem>>, vector<16xf32>,
          %mul3A_203 = vector.broadcast %squeeze3A_176 : f32 to vector<16xf32>
          %mul3A_204 = arith.mulf %get3A_202, %mul3A_203 : vector<16xf32>
          %swap3A_205 = arith.index_cast %scan3A_170 : i32 to index
          %swap3A_206 = arith.constant 48 : index
          %swap3A_207 = tpu.vector_load %arg17[%swap3A_205, %swap3A_206] {strides = array<i32>} : memref<64x512xf32, #tpu.memory_space<vmem>>, vector<16xf32>,
          tpu.vector_store %arg17[%swap3A_205, %swap3A_206], %mul3A_204 {strides = array<i32>} : memref<64x512xf32, #tpu.memory_space<vmem>>, vector<16xf32>,
          %get3A_208 = arith.index_cast %scan3A_170 : i32 to index
          %get3A_209 = arith.constant 64 : index
          %get3A_210 = tpu.vector_load %arg17[%get3A_208, %get3A_209] {strides = array<i32>} : memref<64x512xf32, #tpu.memory_space<vmem>>, vector<16xf32>,
          %mul3A_211 = vector.broadcast %squeeze3A_176 : f32 to vector<16xf32>
          %mul3A_212 = arith.mulf %get3A_210, %mul3A_211 : vector<16xf32>
          %swap3A_213 = arith.index_cast %scan3A_170 : i32 to index
          %swap3A_214 = arith.constant 64 : index
          %swap3A_215 = tpu.vector_load %arg17[%swap3A_213, %swap3A_214] {strides = array<i32>} : memref<64x512xf32, #tpu.memory_space<vmem>>, vector<16xf32>,
          tpu.vector_store %arg17[%swap3A_213, %swap3A_214], %mul3A_212 {strides = array<i32>} : memref<64x512xf32, #tpu.memory_space<vmem>>, vector<16xf32>,
          %get3A_216 = arith.index_cast %scan3A_170 : i32 to index
          %get3A_217 = arith.constant 80 : index
          %get3A_218 = tpu.vector_load %arg17[%get3A_216, %get3A_217] {strides = array<i32>} : memref<64x512xf32, #tpu.memory_space<vmem>>, vector<16xf32>,
          %mul3A_219 = vector.broadcast %squeeze3A_176 : f32 to vector<16xf32>
          %mul3A_220 = arith.mulf %get3A_218, %mul3A_219 : vector<16xf32>
          %swap3A_221 = arith.index_cast %scan3A_170 : i32 to index
          %swap3A_222 = arith.constant 80 : index
          %swap3A_223 = tpu.vector_load %arg17[%swap3A_221, %swap3A_222] {strides = array<i32>} : memref<64x512xf32, #tpu.memory_space<vmem>>, vector<16xf32>,
          tpu.vector_store %arg17[%swap3A_221, %swap3A_222], %mul3A_220 {strides = array<i32>} : memref<64x512xf32, #tpu.memory_space<vmem>>, vector<16xf32>,
          %get3A_224 = arith.index_cast %scan3A_170 : i32 to index
          %get3A_225 = arith.constant 96 : index
          %get3A_226 = tpu.vector_load %arg17[%get3A_224, %get3A_225] {strides = array<i32>} : memref<64x512xf32, #tpu.memory_space<vmem>>, vector<16xf32>,
          %mul3A_227 = vector.broadcast %squeeze3A_176 : f32 to vector<16xf32>
          %mul3A_228 = arith.mulf %get3A_226, %mul3A_227 : vector<16xf32>
          %swap3A_229 = arith.index_cast %scan3A_170 : i32 to index
          %swap3A_230 = arith.constant 96 : index
          %swap3A_231 = tpu.vector_load %arg17[%swap3A_229, %swap3A_230] {strides = array<i32>} : memref<64x512xf32, #tpu.memory_space<vmem>>, vector<16xf32>,
          tpu.vector_store %arg17[%swap3A_229, %swap3A_230], %mul3A_228 {strides = array<i32>} : memref<64x512xf32, #tpu.memory_space<vmem>>, vector<16xf32>,
          %get3A_232 = arith.index_cast %scan3A_170 : i32 to index
          %get3A_233 = arith.constant 112 : index
          %get3A_234 = tpu.vector_load %arg17[%get3A_232, %get3A_233] {strides = array<i32>} : memref<64x512xf32, #tpu.memory_space<vmem>>, vector<16xf32>,
          %mul3A_235 = vector.broadcast %squeeze3A_176 : f32 to vector<16xf32>
          %mul3A_236 = arith.mulf %get3A_234, %mul3A_235 : vector<16xf32>
          %swap3A_237 = arith.index_cast %scan3A_170 : i32 to index
          %swap3A_238 = arith.constant 112 : index
          %swap3A_239 = tpu.vector_load %arg17[%swap3A_237, %swap3A_238] {strides = array<i32>} : memref<64x512xf32, #tpu.memory_space<vmem>>, vector<16xf32>,
          tpu.vector_store %arg17[%swap3A_237, %swap3A_238], %mul3A_236 {strides = array<i32>} : memref<64x512xf32, #tpu.memory_space<vmem>>, vector<16xf32>,
          %get3A_240 = arith.index_cast %scan3A_170 : i32 to index
          %get3A_241 = arith.constant 128 : index
          %get3A_242 = tpu.vector_load %arg17[%get3A_240, %get3A_241] {strides = array<i32>} : memref<64x512xf32, #tpu.memory_space<vmem>>, vector<16xf32>,
          %mul3A_243 = vector.broadcast %squeeze3A_176 : f32 to vector<16xf32>
          %mul3A_244 = arith.mulf %get3A_242, %mul3A_243 : vector<16xf32>
          %swap3A_245 = arith.index_cast %scan3A_170 : i32 to index
          %swap3A_246 = arith.constant 128 : index
          %swap3A_247 = tpu.vector_load %arg17[%swap3A_245, %swap3A_246] {strides = array<i32>} : memref<64x512xf32, #tpu.memory_space<vmem>>, vector<16xf32>,
          tpu.vector_store %arg17[%swap3A_245, %swap3A_246], %mul3A_244 {strides = array<i32>} : memref<64x512xf32, #tpu.memory_space<vmem>>, vector<16xf32>,
          %get3A_248 = arith.index_cast %scan3A_170 : i32 to index
          %get3A_249 = arith.constant 144 : index
          %get3A_250 = tpu.vector_load %arg17[%get3A_248, %get3A_249] {strides = array<i32>} : memref<64x512xf32, #tpu.memory_space<vmem>>, vector<16xf32>,
          %mul3A_251 = vector.broadcast %squeeze3A_176 : f32 to vector<16xf32>
          %mul3A_252 = arith.mulf %get3A_250, %mul3A_251 : vector<16xf32>
          %swap3A_253 = arith.index_cast %scan3A_170 : i32 to index
          %swap3A_254 = arith.constant 144 : index
          %swap3A_255 = tpu.vector_load %arg17[%swap3A_253, %swap3A_254] {strides = array<i32>} : memref<64x512xf32, #tpu.memory_space<vmem>>, vector<16xf32>,
          tpu.vector_store %arg17[%swap3A_253, %swap3A_254], %mul3A_252 {strides = array<i32>} : memref<64x512xf32, #tpu.memory_space<vmem>>, vector<16xf32>,
          %get3A_256 = arith.index_cast %scan3A_170 : i32 to index
          %get3A_257 = arith.constant 160 : index
          %get3A_258 = tpu.vector_load %arg17[%get3A_256, %get3A_257] {strides = array<i32>} : memref<64x512xf32, #tpu.memory_space<vmem>>, vector<16xf32>,
          %mul3A_259 = vector.broadcast %squeeze3A_176 : f32 to vector<16xf32>
          %mul3A_260 = arith.mulf %get3A_258, %mul3A_259 : vector<16xf32>
          %swap3A_261 = arith.index_cast %scan3A_170 : i32 to index
          %swap3A_262 = arith.constant 160 : index
          %swap3A_263 = tpu.vector_load %arg17[%swap3A_261, %swap3A_262] {strides = array<i32>} : memref<64x512xf32, #tpu.memory_space<vmem>>, vector<16xf32>,
          tpu.vector_store %arg17[%swap3A_261, %swap3A_262], %mul3A_260 {strides = array<i32>} : memref<64x512xf32, #tpu.memory_space<vmem>>, vector<16xf32>,
          %get3A_264 = arith.index_cast %scan3A_170 : i32 to index
          %get3A_265 = arith.constant 176 : index
          %get3A_266 = tpu.vector_load %arg17[%get3A_264, %get3A_265] {strides = array<i32>} : memref<64x512xf32, #tpu.memory_space<vmem>>, vector<16xf32>,
          %mul3A_267 = vector.broadcast %squeeze3A_176 : f32 to vector<16xf32>
          %mul3A_268 = arith.mulf %get3A_266, %mul3A_267 : vector<16xf32>
          %swap3A_269 = arith.index_cast %scan3A_170 : i32 to index
          %swap3A_270 = arith.constant 176 : index
          %swap3A_271 = tpu.vector_load %arg17[%swap3A_269, %swap3A_270] {strides = array<i32>} : memref<64x512xf32, #tpu.memory_space<vmem>>, vector<16xf32>,
          tpu.vector_store %arg17[%swap3A_269, %swap3A_270], %mul3A_268 {strides = array<i32>} : memref<64x512xf32, #tpu.memory_space<vmem>>, vector<16xf32>,
          %get3A_272 = arith.index_cast %scan3A_170 : i32 to index
          %get3A_273 = arith.constant 192 : index
          %get3A_274 = tpu.vector_load %arg17[%get3A_272, %get3A_273] {strides = array<i32>} : memref<64x512xf32, #tpu.memory_space<vmem>>, vector<16xf32>,
          %mul3A_275 = vector.broadcast %squeeze3A_176 : f32 to vector<16xf32>
          %mul3A_276 = arith.mulf %get3A_274, %mul3A_275 : vector<16xf32>
          %swap3A_277 = arith.index_cast %scan3A_170 : i32 to index
          %swap3A_278 = arith.constant 192 : index
          %swap3A_279 = tpu.vector_load %arg17[%swap3A_277, %swap3A_278] {strides = array<i32>} : memref<64x512xf32, #tpu.memory_space<vmem>>, vector<16xf32>,
          tpu.vector_store %arg17[%swap3A_277, %swap3A_278], %mul3A_276 {strides = array<i32>} : memref<64x512xf32, #tpu.memory_space<vmem>>, vector<16xf32>,
          %get3A_280 = arith.index_cast %scan3A_170 : i32 to index
          %get3A_281 = arith.constant 208 : index
          %get3A_282 = tpu.vector_load %arg17[%get3A_280, %get3A_281] {strides = array<i32>} : memref<64x512xf32, #tpu.memory_space<vmem>>, vector<16xf32>,
          %mul3A_283 = vector.broadcast %squeeze3A_176 : f32 to vector<16xf32>
          %mul3A_284 = arith.mulf %get3A_282, %mul3A_283 : vector<16xf32>
          %swap3A_285 = arith.index_cast %scan3A_170 : i32 to index
          %swap3A_286 = arith.constant 208 : index
          %swap3A_287 = tpu.vector_load %arg17[%swap3A_285, %swap3A_286] {strides = array<i32>} : memref<64x512xf32, #tpu.memory_space<vmem>>, vector<16xf32>,
          tpu.vector_store %arg17[%swap3A_285, %swap3A_286], %mul3A_284 {strides = array<i32>} : memref<64x512xf32, #tpu.memory_space<vmem>>, vector<16xf32>,
          %get3A_288 = arith.index_cast %scan3A_170 : i32 to index
          %get3A_289 = arith.constant 224 : index
          %get3A_290 = tpu.vector_load %arg17[%get3A_288, %get3A_289] {strides = array<i32>} : memref<64x512xf32, #tpu.memory_space<vmem>>, vector<16xf32>,
          %mul3A_291 = vector.broadcast %squeeze3A_176 : f32 to vector<16xf32>
          %mul3A_292 = arith.mulf %get3A_290, %mul3A_291 : vector<16xf32>
          %swap3A_293 = arith.index_cast %scan3A_170 : i32 to index
          %swap3A_294 = arith.constant 224 : index
          %swap3A_295 = tpu.vector_load %arg17[%swap3A_293, %swap3A_294] {strides = array<i32>} : memref<64x512xf32, #tpu.memory_space<vmem>>, vector<16xf32>,
          tpu.vector_store %arg17[%swap3A_293, %swap3A_294], %mul3A_292 {strides = array<i32>} : memref<64x512xf32, #tpu.memory_space<vmem>>, vector<16xf32>,
          %get3A_296 = arith.index_cast %scan3A_170 : i32 to index
          %get3A_297 = arith.constant 240 : index
          %get3A_298 = tpu.vector_load %arg17[%get3A_296, %get3A_297] {strides = array<i32>} : memref<64x512xf32, #tpu.memory_space<vmem>>, vector<16xf32>,
          %mul3A_299 = vector.broadcast %squeeze3A_176 : f32 to vector<16xf32>
          %mul3A_300 = arith.mulf %get3A_298, %mul3A_299 : vector<16xf32>
          %swap3A_301 = arith.index_cast %scan3A_170 : i32 to index
          %swap3A_302 = arith.constant 240 : index
          %swap3A_303 = tpu.vector_load %arg17[%swap3A_301, %swap3A_302] {strides = array<i32>} : memref<64x512xf32, #tpu.memory_space<vmem>>, vector<16xf32>,
          tpu.vector_store %arg17[%swap3A_301, %swap3A_302], %mul3A_300 {strides = array<i32>} : memref<64x512xf32, #tpu.memory_space<vmem>>, vector<16xf32>,
          %get3A_304 = arith.index_cast %scan3A_170 : i32 to index
          %get3A_305 = arith.constant 256 : index
          %get3A_306 = tpu.vector_load %arg17[%get3A_304, %get3A_305] {strides = array<i32>} : memref<64x512xf32, #tpu.memory_space<vmem>>, vector<16xf32>,
          %mul3A_307 = vector.broadcast %squeeze3A_176 : f32 to vector<16xf32>
          %mul3A_308 = arith.mulf %get3A_306, %mul3A_307 : vector<16xf32>
          %swap3A_309 = arith.index_cast %scan3A_170 : i32 to index
          %swap3A_310 = arith.constant 256 : index
          %swap3A_311 = tpu.vector_load %arg17[%swap3A_309, %swap3A_310] {strides = array<i32>} : memref<64x512xf32, #tpu.memory_space<vmem>>, vector<16xf32>,
          tpu.vector_store %arg17[%swap3A_309, %swap3A_310], %mul3A_308 {strides = array<i32>} : memref<64x512xf32, #tpu.memory_space<vmem>>, vector<16xf32>,
          %get3A_312 = arith.index_cast %scan3A_170 : i32 to index
          %get3A_313 = arith.constant 272 : index
          %get3A_314 = tpu.vector_load %arg17[%get3A_312, %get3A_313] {strides = array<i32>} : memref<64x512xf32, #tpu.memory_space<vmem>>, vector<16xf32>,
          %mul3A_315 = vector.broadcast %squeeze3A_176 : f32 to vector<16xf32>
          %mul3A_316 = arith.mulf %get3A_314, %mul3A_315 : vector<16xf32>
          %swap3A_317 = arith.index_cast %scan3A_170 : i32 to index
          %swap3A_318 = arith.constant 272 : index
          %swap3A_319 = tpu.vector_load %arg17[%swap3A_317, %swap3A_318] {strides = array<i32>} : memref<64x512xf32, #tpu.memory_space<vmem>>, vector<16xf32>,
          tpu.vector_store %arg17[%swap3A_317, %swap3A_318], %mul3A_316 {strides = array<i32>} : memref<64x512xf32, #tpu.memory_space<vmem>>, vector<16xf32>,
          %get3A_320 = arith.index_cast %scan3A_170 : i32 to index
          %get3A_321 = arith.constant 288 : index
          %get3A_322 = tpu.vector_load %arg17[%get3A_320, %get3A_321] {strides = array<i32>} : memref<64x512xf32, #tpu.memory_space<vmem>>, vector<16xf32>,
          %mul3A_323 = vector.broadcast %squeeze3A_176 : f32 to vector<16xf32>
          %mul3A_324 = arith.mulf %get3A_322, %mul3A_323 : vector<16xf32>
          %swap3A_325 = arith.index_cast %scan3A_170 : i32 to index
          %swap3A_326 = arith.constant 288 : index
          %swap3A_327 = tpu.vector_load %arg17[%swap3A_325, %swap3A_326] {strides = array<i32>} : memref<64x512xf32, #tpu.memory_space<vmem>>, vector<16xf32>,
          tpu.vector_store %arg17[%swap3A_325, %swap3A_326], %mul3A_324 {strides = array<i32>} : memref<64x512xf32, #tpu.memory_space<vmem>>, vector<16xf32>,
          %get3A_328 = arith.index_cast %scan3A_170 : i32 to index
          %get3A_329 = arith.constant 304 : index
          %get3A_330 = tpu.vector_load %arg17[%get3A_328, %get3A_329] {strides = array<i32>} : memref<64x512xf32, #tpu.memory_space<vmem>>, vector<16xf32>,
          %mul3A_331 = vector.broadcast %squeeze3A_176 : f32 to vector<16xf32>
          %mul3A_332 = arith.mulf %get3A_330, %mul3A_331 : vector<16xf32>
          %swap3A_333 = arith.index_cast %scan3A_170 : i32 to index
          %swap3A_334 = arith.constant 304 : index
          %swap3A_335 = tpu.vector_load %arg17[%swap3A_333, %swap3A_334] {strides = array<i32>} : memref<64x512xf32, #tpu.memory_space<vmem>>, vector<16xf32>,
          tpu.vector_store %arg17[%swap3A_333, %swap3A_334], %mul3A_332 {strides = array<i32>} : memref<64x512xf32, #tpu.memory_space<vmem>>, vector<16xf32>,
          %get3A_336 = arith.index_cast %scan3A_170 : i32 to index
          %get3A_337 = arith.constant 320 : index
          %get3A_338 = tpu.vector_load %arg17[%get3A_336, %get3A_337] {strides = array<i32>} : memref<64x512xf32, #tpu.memory_space<vmem>>, vector<16xf32>,
          %mul3A_339 = vector.broadcast %squeeze3A_176 : f32 to vector<16xf32>
          %mul3A_340 = arith.mulf %get3A_338, %mul3A_339 : vector<16xf32>
          %swap3A_341 = arith.index_cast %scan3A_170 : i32 to index
          %swap3A_342 = arith.constant 320 : index
          %swap3A_343 = tpu.vector_load %arg17[%swap3A_341, %swap3A_342] {strides = array<i32>} : memref<64x512xf32, #tpu.memory_space<vmem>>, vector<16xf32>,
          tpu.vector_store %arg17[%swap3A_341, %swap3A_342], %mul3A_340 {strides = array<i32>} : memref<64x512xf32, #tpu.memory_space<vmem>>, vector<16xf32>,
          %get3A_344 = arith.index_cast %scan3A_170 : i32 to index
          %get3A_345 = arith.constant 336 : index
          %get3A_346 = tpu.vector_load %arg17[%get3A_344, %get3A_345] {strides = array<i32>} : memref<64x512xf32, #tpu.memory_space<vmem>>, vector<16xf32>,
          %mul3A_347 = vector.broadcast %squeeze3A_176 : f32 to vector<16xf32>
          %mul3A_348 = arith.mulf %get3A_346, %mul3A_347 : vector<16xf32>
          %swap3A_349 = arith.index_cast %scan3A_170 : i32 to index
          %swap3A_350 = arith.constant 336 : index
          %swap3A_351 = tpu.vector_load %arg17[%swap3A_349, %swap3A_350] {strides = array<i32>} : memref<64x512xf32, #tpu.memory_space<vmem>>, vector<16xf32>,
          tpu.vector_store %arg17[%swap3A_349, %swap3A_350], %mul3A_348 {strides = array<i32>} : memref<64x512xf32, #tpu.memory_space<vmem>>, vector<16xf32>,
          %get3A_352 = arith.index_cast %scan3A_170 : i32 to index
          %get3A_353 = arith.constant 352 : index
          %get3A_354 = tpu.vector_load %arg17[%get3A_352, %get3A_353] {strides = array<i32>} : memref<64x512xf32, #tpu.memory_space<vmem>>, vector<16xf32>,
          %mul3A_355 = vector.broadcast %squeeze3A_176 : f32 to vector<16xf32>
          %mul3A_356 = arith.mulf %get3A_354, %mul3A_355 : vector<16xf32>
          %swap3A_357 = arith.index_cast %scan3A_170 : i32 to index
          %swap3A_358 = arith.constant 352 : index
          %swap3A_359 = tpu.vector_load %arg17[%swap3A_357, %swap3A_358] {strides = array<i32>} : memref<64x512xf32, #tpu.memory_space<vmem>>, vector<16xf32>,
          tpu.vector_store %arg17[%swap3A_357, %swap3A_358], %mul3A_356 {strides = array<i32>} : memref<64x512xf32, #tpu.memory_space<vmem>>, vector<16xf32>,
          %get3A_360 = arith.index_cast %scan3A_170 : i32 to index
          %get3A_361 = arith.constant 368 : index
          %get3A_362 = tpu.vector_load %arg17[%get3A_360, %get3A_361] {strides = array<i32>} : memref<64x512xf32, #tpu.memory_space<vmem>>, vector<16xf32>,
          %mul3A_363 = vector.broadcast %squeeze3A_176 : f32 to vector<16xf32>
          %mul3A_364 = arith.mulf %get3A_362, %mul3A_363 : vector<16xf32>
          %swap3A_365 = arith.index_cast %scan3A_170 : i32 to index
          %swap3A_366 = arith.constant 368 : index
          %swap3A_367 = tpu.vector_load %arg17[%swap3A_365, %swap3A_366] {strides = array<i32>} : memref<64x512xf32, #tpu.memory_space<vmem>>, vector<16xf32>,
          tpu.vector_store %arg17[%swap3A_365, %swap3A_366], %mul3A_364 {strides = array<i32>} : memref<64x512xf32, #tpu.memory_space<vmem>>, vector<16xf32>,
          %get3A_368 = arith.index_cast %scan3A_170 : i32 to index
          %get3A_369 = arith.constant 384 : index
          %get3A_370 = tpu.vector_load %arg17[%get3A_368, %get3A_369] {strides = array<i32>} : memref<64x512xf32, #tpu.memory_space<vmem>>, vector<16xf32>,
          %mul3A_371 = vector.broadcast %squeeze3A_176 : f32 to vector<16xf32>
          %mul3A_372 = arith.mulf %get3A_370, %mul3A_371 : vector<16xf32>
          %swap3A_373 = arith.index_cast %scan3A_170 : i32 to index
          %swap3A_374 = arith.constant 384 : index
          %swap3A_375 = tpu.vector_load %arg17[%swap3A_373, %swap3A_374] {strides = array<i32>} : memref<64x512xf32, #tpu.memory_space<vmem>>, vector<16xf32>,
          tpu.vector_store %arg17[%swap3A_373, %swap3A_374], %mul3A_372 {strides = array<i32>} : memref<64x512xf32, #tpu.memory_space<vmem>>, vector<16xf32>,
          %get3A_376 = arith.index_cast %scan3A_170 : i32 to index
          %get3A_377 = arith.constant 400 : index
          %get3A_378 = tpu.vector_load %arg17[%get3A_376, %get3A_377] {strides = array<i32>} : memref<64x512xf32, #tpu.memory_space<vmem>>, vector<16xf32>,
          %mul3A_379 = vector.broadcast %squeeze3A_176 : f32 to vector<16xf32>
          %mul3A_380 = arith.mulf %get3A_378, %mul3A_379 : vector<16xf32>
          %swap3A_381 = arith.index_cast %scan3A_170 : i32 to index
          %swap3A_382 = arith.constant 400 : index
          %swap3A_383 = tpu.vector_load %arg17[%swap3A_381, %swap3A_382] {strides = array<i32>} : memref<64x512xf32, #tpu.memory_space<vmem>>, vector<16xf32>,
          tpu.vector_store %arg17[%swap3A_381, %swap3A_382], %mul3A_380 {strides = array<i32>} : memref<64x512xf32, #tpu.memory_space<vmem>>, vector<16xf32>,
          %get3A_384 = arith.index_cast %scan3A_170 : i32 to index
          %get3A_385 = arith.constant 416 : index
          %get3A_386 = tpu.vector_load %arg17[%get3A_384, %get3A_385] {strides = array<i32>} : memref<64x512xf32, #tpu.memory_space<vmem>>, vector<16xf32>,
          %mul3A_387 = vector.broadcast %squeeze3A_176 : f32 to vector<16xf32>
          %mul3A_388 = arith.mulf %get3A_386, %mul3A_387 : vector<16xf32>
          %swap3A_389 = arith.index_cast %scan3A_170 : i32 to index
          %swap3A_390 = arith.constant 416 : index
          %swap3A_391 = tpu.vector_load %arg17[%swap3A_389, %swap3A_390] {strides = array<i32>} : memref<64x512xf32, #tpu.memory_space<vmem>>, vector<16xf32>,
          tpu.vector_store %arg17[%swap3A_389, %swap3A_390], %mul3A_388 {strides = array<i32>} : memref<64x512xf32, #tpu.memory_space<vmem>>, vector<16xf32>,
          %get3A_392 = arith.index_cast %scan3A_170 : i32 to index
          %get3A_393 = arith.constant 432 : index
          %get3A_394 = tpu.vector_load %arg17[%get3A_392, %get3A_393] {strides = array<i32>} : memref<64x512xf32, #tpu.memory_space<vmem>>, vector<16xf32>,
          %mul3A_395 = vector.broadcast %squeeze3A_176 : f32 to vector<16xf32>
          %mul3A_396 = arith.mulf %get3A_394, %mul3A_395 : vector<16xf32>
          %swap3A_397 = arith.index_cast %scan3A_170 : i32 to index
          %swap3A_398 = arith.constant 432 : index
          %swap3A_399 = tpu.vector_load %arg17[%swap3A_397, %swap3A_398] {strides = array<i32>} : memref<64x512xf32, #tpu.memory_space<vmem>>, vector<16xf32>,
          tpu.vector_store %arg17[%swap3A_397, %swap3A_398], %mul3A_396 {strides = array<i32>} : memref<64x512xf32, #tpu.memory_space<vmem>>, vector<16xf32>,
          %get3A_400 = arith.index_cast %scan3A_170 : i32 to index
          %get3A_401 = arith.constant 448 : index
          %get3A_402 = tpu.vector_load %arg17[%get3A_400, %get3A_401] {strides = array<i32>} : memref<64x512xf32, #tpu.memory_space<vmem>>, vector<16xf32>,
          %mul3A_403 = vector.broadcast %squeeze3A_176 : f32 to vector<16xf32>
          %mul3A_404 = arith.mulf %get3A_402, %mul3A_403 : vector<16xf32>
          %swap3A_405 = arith.index_cast %scan3A_170 : i32 to index
          %swap3A_406 = arith.constant 448 : index
          %swap3A_407 = tpu.vector_load %arg17[%swap3A_405, %swap3A_406] {strides = array<i32>} : memref<64x512xf32, #tpu.memory_space<vmem>>, vector<16xf32>,
          tpu.vector_store %arg17[%swap3A_405, %swap3A_406], %mul3A_404 {strides = array<i32>} : memref<64x512xf32, #tpu.memory_space<vmem>>, vector<16xf32>,
          %get3A_408 = arith.index_cast %scan3A_170 : i32 to index
          %get3A_409 = arith.constant 464 : index
          %get3A_410 = tpu.vector_load %arg17[%get3A_408, %get3A_409] {strides = array<i32>} : memref<64x512xf32, #tpu.memory_space<vmem>>, vector<16xf32>,
          %mul3A_411 = vector.broadcast %squeeze3A_176 : f32 to vector<16xf32>
          %mul3A_412 = arith.mulf %get3A_410, %mul3A_411 : vector<16xf32>
          %swap3A_413 = arith.index_cast %scan3A_170 : i32 to index
          %swap3A_414 = arith.constant 464 : index
          %swap3A_415 = tpu.vector_load %arg17[%swap3A_413, %swap3A_414] {strides = array<i32>} : memref<64x512xf32, #tpu.memory_space<vmem>>, vector<16xf32>,
          tpu.vector_store %arg17[%swap3A_413, %swap3A_414], %mul3A_412 {strides = array<i32>} : memref<64x512xf32, #tpu.memory_space<vmem>>, vector<16xf32>,
          %get3A_416 = arith.index_cast %scan3A_170 : i32 to index
          %get3A_417 = arith.constant 480 : index
          %get3A_418 = tpu.vector_load %arg17[%get3A_416, %get3A_417] {strides = array<i32>} : memref<64x512xf32, #tpu.memory_space<vmem>>, vector<16xf32>,
          %mul3A_419 = vector.broadcast %squeeze3A_176 : f32 to vector<16xf32>
          %mul3A_420 = arith.mulf %get3A_418, %mul3A_419 : vector<16xf32>
          %swap3A_421 = arith.index_cast %scan3A_170 : i32 to index
          %swap3A_422 = arith.constant 480 : index
          %swap3A_423 = tpu.vector_load %arg17[%swap3A_421, %swap3A_422] {strides = array<i32>} : memref<64x512xf32, #tpu.memory_space<vmem>>, vector<16xf32>,
          tpu.vector_store %arg17[%swap3A_421, %swap3A_422], %mul3A_420 {strides = array<i32>} : memref<64x512xf32, #tpu.memory_space<vmem>>, vector<16xf32>,
          %get3A_424 = arith.index_cast %scan3A_170 : i32 to index
          %get3A_425 = arith.constant 496 : index
          %get3A_426 = tpu.vector_load %arg17[%get3A_424, %get3A_425] {strides = array<i32>} : memref<64x512xf32, #tpu.memory_space<vmem>>, vector<16xf32>,
          %mul3A_427 = vector.broadcast %squeeze3A_176 : f32 to vector<16xf32>
          %mul3A_428 = arith.mulf %get3A_426, %mul3A_427 : vector<16xf32>
          %swap3A_429 = arith.index_cast %scan3A_170 : i32 to index
          %swap3A_430 = arith.constant 496 : index
          %swap3A_431 = tpu.vector_load %arg17[%swap3A_429, %swap3A_430] {strides = array<i32>} : memref<64x512xf32, #tpu.memory_space<vmem>>, vector<16xf32>,
          tpu.vector_store %arg17[%swap3A_429, %swap3A_430], %mul3A_428 {strides = array<i32>} : memref<64x512xf32, #tpu.memory_space<vmem>>, vector<16xf32>,
          %scan3A_432 = arith.constant 0 : i32
          scf.yield %scan3A_432 : i32
        }
        %scan3A_169 = arith.constant 64 : i32
        "tpu.region"() ({
          %run_scoped3A = tpu.sem_alloc : memref<!tpu.dma_semaphore, #tpu.memory_space<semaphore_mem>>
          %dma_start3A = arith.constant 0 : i32
          %dma_start3A_170 = tpu.memref_slice %arg6[%add3A_134, %dma_start3A] : memref<32768x512xf32, #tpu.memory_space<hbm>> -> memref<64x512xf32, #tpu.memory_space<hbm>>
          %dma_start3A_171 = arith.constant 0 : i32
          %dma_start3A_172 = tpu.memref_slice %arg6[%add3A_134, %dma_start3A_171] : memref<32768x512xf32, #tpu.memory_space<hbm>> -> memref<64x512xf32, #tpu.memory_space<hbm>>
          tpu.enqueue_dma source(%arg17 : memref<64x512xf32, #tpu.memory_space<vmem>>) target(%dma_start3A_172 : memref<64x512xf32, #tpu.memory_space<hbm>>) target_semaphore(%run_scoped3A : memref<!tpu.dma_semaphore, #tpu.memory_space<semaphore_mem>>)
          %dma_wait3A_173 = arith.constant 0 : i32
          %dma_wait3A_174 = tpu.memref_slice %arg6[%add3A_134, %dma_wait3A_173] : memref<32768x512xf32, #tpu.memory_space<hbm>> -> memref<64x512xf32, #tpu.memory_space<hbm>>
          %dma_wait3A_175 = arith.constant 0 : i32
          %dma_wait3A_176 = tpu.memref_slice %arg6[%add3A_134, %dma_wait3A_175] : memref<32768x512xf32, #tpu.memory_space<hbm>> -> memref<64x512xf32, #tpu.memory_space<hbm>>
          tpu.wait_dma2 semaphore(%run_scoped3A : memref<!tpu.dma_semaphore, #tpu.memory_space<semaphore_mem>>) src(%arg17 : memref<64x512xf32, #tpu.memory_space<vmem>>) dst(%dma_wait3A_176 : memref<64x512xf32, #tpu.memory_space<hbm>>)
          tpu.yield
        }) : () -> ()
      } else {
      }
      %lt3A_139 = arith.cmpi slt, %mul3A_133, %scan3A_47 : i32
      %not3A_140 = arith.constant true
      %not3A_141 = arith.xori %lt3A_139, %not3A_140 : i1
      %convert_element_type3A_142 = arith.extui %not3A_141 : i1 to i32
      %cond3A_143 = arith.constant 0 : i32
      %cond3A_144 = arith.cmpi ne, %convert_element_type3A_142, %cond3A_143 : i32
      scf.if %cond3A_144 {
        "tpu.region"() ({
          %run_scoped3A = tpu.sem_alloc : memref<!tpu.dma_semaphore, #tpu.memory_space<semaphore_mem>>
          %dma_start3A = arith.constant 0 : i32
          %dma_start3A_160 = tpu.memref_slice %arg6[%add3A_134, %dma_start3A] : memref<32768x512xf32, #tpu.memory_space<hbm>> -> memref<64x512xf32, #tpu.memory_space<hbm>>
          %dma_start3A_161 = arith.constant 0 : i32
          %dma_start3A_162 = tpu.memref_slice %arg6[%add3A_134, %dma_start3A_161] : memref<32768x512xf32, #tpu.memory_space<hbm>> -> memref<64x512xf32, #tpu.memory_space<hbm>>
          tpu.enqueue_dma source(%arg18 : memref<64x512xf32, #tpu.memory_space<vmem>>) target(%dma_start3A_162 : memref<64x512xf32, #tpu.memory_space<hbm>>) target_semaphore(%run_scoped3A : memref<!tpu.dma_semaphore, #tpu.memory_space<semaphore_mem>>)
          %dma_wait3A = arith.constant 0 : i32
          %dma_wait3A_163 = tpu.memref_slice %arg6[%add3A_134, %dma_wait3A] : memref<32768x512xf32, #tpu.memory_space<hbm>> -> memref<64x512xf32, #tpu.memory_space<hbm>>
          %dma_wait3A_164 = arith.constant 0 : i32
          %dma_wait3A_165 = tpu.memref_slice %arg6[%add3A_134, %dma_wait3A_164] : memref<32768x512xf32, #tpu.memory_space<hbm>> -> memref<64x512xf32, #tpu.memory_space<hbm>>
          tpu.wait_dma2 semaphore(%run_scoped3A : memref<!tpu.dma_semaphore, #tpu.memory_space<semaphore_mem>>) src(%arg18 : memref<64x512xf32, #tpu.memory_space<vmem>>) dst(%dma_wait3A_165 : memref<64x512xf32, #tpu.memory_space<hbm>>)
          tpu.yield
        }) : () -> ()
      } else {
      }
      %add3A_145 = arith.constant 3 : i32
      %add3A_146 = arith.addi %mul3A_97, %add3A_145 : i32
      %lt3A_147 = arith.constant 16 : i32
      %lt3A_148 = arith.cmpi slt, %add3A_146, %lt3A_147 : i32
      %mul3A_149 = arith.constant 4 : i32
      %mul3A_150 = arith.muli %mul3A_149, %add3A_146 : i32
      %add3A_151 = arith.addi %select_n3A_30, %mul3A_150 : i32
      %mul3A_152 = arith.constant 64 : i32
      %mul3A_153 = arith.muli %add3A_151, %mul3A_152 : i32
      %lt3A_154 = arith.cmpi slt, %mul3A_153, %scan3A_47 : i32
      %and3A_155 = arith.andi %lt3A_148, %lt3A_154 : i1
      %convert_element_type3A_156 = arith.extui %and3A_155 : i1 to i32
      %cond3A_157 = arith.constant 0 : i32
      %cond3A_158 = arith.cmpi ne, %convert_element_type3A_156, %cond3A_157 : i32
      scf.if %cond3A_158 {
        %mul3A_160 = arith.constant 4 : i32
        %mul3A_161 = arith.muli %mul3A_160, %add3A_146 : i32
        %add3A_162 = arith.addi %select_n3A_30, %mul3A_161 : i32
        %mul3A_163 = arith.constant 64 : i32
        %mul3A_164 = arith.muli %add3A_162, %mul3A_163 : i32
        %dma_start3A = tpu.memref_slice %arg12[%mul3A_164] : memref<4112xi32, #tpu.memory_space<vmem>> -> memref<64xi32, #tpu.memory_space<vmem>>
        %dma_start3A_165 = arith.constant 0 : i32
        %dma_start3A_166 = arith.constant 0 : i32
        %dma_start3A_167 = tpu.memref_slice %arg2[%dma_start3A_165, %dma_start3A_166] : memref<32768x512xf32, #tpu.memory_space<hbm>> -> memref<32768x512xf32, #tpu.memory_space<hbm>>
        tpu.enqueue_indirect_dma source(%dma_start3A_167 : memref<32768x512xf32, #tpu.memory_space<hbm>>) target(%arg17 : memref<64x512xf32, #tpu.memory_space<vmem>>) offsets(%dma_start3A : memref<64xi32, #tpu.memory_space<vmem>>) semaphore(%arg20 : memref<!tpu.dma_semaphore, #tpu.memory_space<semaphore_mem>>)
      } else {
      }
      %scan3A_159 = arith.constant 0 : i32
      scf.yield %scan3A_159 : i32
    }
    %scan3A_93 = arith.constant 8 : i32
    return
  }
}

module attributes {stable_mosaic.version = 14 : i64} {
  func.func @_tc_body(%arg0: i32, %arg1: i32, %arg2: memref<8xi32, #tpu.memory_space<smem>>, %arg3: memref<1x1024x512xf32, #tpu.memory_space<vmem>>, %arg4: memref<512x512xf32, #tpu.memory_space<vmem>>, %arg5: memref<512x512xf32, #tpu.memory_space<vmem>>, %arg6: memref<1x512xf32, #tpu.memory_space<vmem>>, %arg7: memref<1x8x128xf32, #tpu.memory_space<vmem>>, %arg8: memref<1x8x128xi32, #tpu.memory_space<vmem>>, %arg9: memref<1x1x128xf32, #tpu.memory_space<vmem>>, %arg10: memref<1x512xf32, #tpu.memory_space<vmem>>, %arg11: memref<2xf32, #tpu.memory_space<smem>>) attributes {dimension_semantics = [#tpu.dimension_semantics<arbitrary>, #tpu.dimension_semantics<arbitrary>], iteration_bounds = array<i64: 8, 4>, scalar_prefetch = 0 : i64, scratch_operands = 2 : i64, tpu.core_type = #tpu.core_type<tc>, window_params = [{transform_indices = @transform_0, window_bounds = array<i64: 8>}, {transform_indices = @transform_1, window_bounds = array<i64: 1, 1024, 512>}, {pipeline_mode = #tpu.pipeline_mode<synchronous>, transform_indices = @transform_2, window_bounds = array<i64: 512, 512>}, {pipeline_mode = #tpu.pipeline_mode<synchronous>, transform_indices = @transform_3, window_bounds = array<i64: 512, 512>}, {pipeline_mode = #tpu.pipeline_mode<synchronous>, transform_indices = @transform_4, window_bounds = array<i64: 1, 512>}, {transform_indices = @transform_5, window_bounds = array<i64: 1, 8, 128>}, {transform_indices = @transform_6, window_bounds = array<i64: 1, 8, 128>}, {transform_indices = @transform_7, window_bounds = array<i64: 1, 1, 128>}]} {
    %get3A = arith.index_cast %arg0 : i32 to index
    %get3A_0 = memref.load %arg2[%get3A] : memref<8xi32, #tpu.memory_space<smem>>
    %mul3A = arith.constant 1024 : i32
    %mul3A_1 = arith.muli %arg1, %mul3A : i32
    %lt3A = arith.cmpi slt, %mul3A_1, %get3A_0 : i32
    %convert_element_type3A = arith.extui %lt3A : i1 to i32
    %cond3A = arith.constant 0 : i32
    %cond3A_2 = arith.cmpi ne, %convert_element_type3A, %cond3A : i32
    scf.if %cond3A_2 {
      %get3A_10 = arith.constant 0 : index
      %get3A_11 = arith.constant 0 : index
      %get3A_12 = arith.constant 0 : index
      %get3A_13 = vector.load %arg3[%get3A_10, %get3A_11, %get3A_12] : memref<1x1024x512xf32, #tpu.memory_space<vmem>>, vector<1x1024x512xf32>
      %get3A_14 = vector.shape_cast %get3A_13 : vector<1x1024x512xf32> to vector<1024x512xf32>
      %get3A_15 = arith.constant 0 : index
      %get3A_16 = arith.constant 0 : index
      %get3A_17 = vector.load %arg4[%get3A_15, %get3A_16] : memref<512x512xf32, #tpu.memory_space<vmem>>, vector<512x512xf32>
      %dot_general3A = arith.constant dense<0.000000e+00> : vector<1024x512xf32>
      %dot_general3A_18 = tpu.matmul %get3A_14, %get3A_17, %dot_general3A {dimension_numbers = #tpu.dot_dimension_numbers<[1], [1], [0], [0], [0, 0, 1, 0], [], []>, transpose_lhs_hint = false} : vector<1024x512xf32>, vector<512x512xf32>, vector<1024x512xf32> -> vector<1024x512xf32>
      %get3A_19 = arith.constant 0 : index
      %get3A_20 = arith.constant 0 : index
      %get3A_21 = vector.load %arg5[%get3A_19, %get3A_20] : memref<512x512xf32, #tpu.memory_space<vmem>>, vector<512x512xf32>
      %dot_general3A_22 = arith.constant dense<0.000000e+00> : vector<1024x512xf32>
      %dot_general3A_23 = tpu.matmul %get3A_14, %get3A_21, %dot_general3A_22 {dimension_numbers = #tpu.dot_dimension_numbers<[1], [1], [0], [0], [0, 0, 1, 0], [], []>, transpose_lhs_hint = false} : vector<1024x512xf32>, vector<512x512xf32>, vector<1024x512xf32> -> vector<1024x512xf32>
      %eq3A = arith.constant 0 : i32
      %eq3A_24 = arith.cmpi eq, %arg1, %eq3A : i32
      %get3A_25 = arith.constant 0 : index
      %get3A_26 = arith.constant 0 : index
      %get3A_27 = vector.load %arg6[%get3A_25, %get3A_26] : memref<1x512xf32, #tpu.memory_space<vmem>>, vector<1x512xf32>
      %get3A_28 = arith.constant 0 : index
      %get3A_29 = arith.constant 0 : index
      %get3A_30 = vector.load %arg10[%get3A_28, %get3A_29] : memref<1x512xf32, #tpu.memory_space<vmem>>, vector<1x512xf32>
      %select_n3A = arith.select %eq3A_24, %get3A_27, %get3A_30 : vector<1x512xf32>
      %slice3A = vector.extract_strided_slice %dot_general3A_23 {offsets = [0, 0], sizes = [1023, 512], strides = [1, 1]} : vector<1024x512xf32> to vector<1023x512xf32>
      %concatenate3A = tpu.concatenate %select_n3A, %slice3A in 0 : vector<1x512xf32>, vector<1023x512xf32> -> vector<1024x512xf32>
      %slice3A_31 = vector.extract_strided_slice %dot_general3A_23 {offsets = [1023, 0], sizes = [1, 512], strides = [1, 1]} : vector<1024x512xf32> to vector<1x512xf32>
      %swap3A = arith.constant 0 : index
      %swap3A_32 = arith.constant 0 : index
      %swap3A_33 = vector.load %arg10[%swap3A, %swap3A_32] : memref<1x512xf32, #tpu.memory_space<vmem>>, vector<1x512xf32>
      tpu.vector_store %arg10[%swap3A, %swap3A_32], %slice3A_31 {strides = array<i32>} : memref<1x512xf32, #tpu.memory_space<vmem>>, vector<1x512xf32>,
      %mul3A_34 = arith.mulf %dot_general3A_18, %concatenate3A : vector<1024x512xf32>
      %reduce_sum3A = arith.constant dense<0.000000e+00> : vector<1024xf32>
      %reduce_sum3A_35 = vector.multi_reduction <add>, %mul3A_34, %reduce_sum3A [1] : vector<1024x512xf32> to vector<1024xf32>
      %mul3A_36 = arith.mulf %dot_general3A_18, %dot_general3A_18 : vector<1024x512xf32>
      %reduce_sum3A_37 = arith.constant dense<0.000000e+00> : vector<1024xf32>
      %reduce_sum3A_38 = vector.multi_reduction <add>, %mul3A_36, %reduce_sum3A_37 [1] : vector<1024x512xf32> to vector<1024xf32>
      %sqrt3A = math.sqrt %reduce_sum3A_38 : vector<1024xf32>
      %mul3A_39 = arith.mulf %concatenate3A, %concatenate3A : vector<1024x512xf32>
      %reduce_sum3A_40 = arith.constant dense<0.000000e+00> : vector<1024xf32>
      %reduce_sum3A_41 = vector.multi_reduction <add>, %mul3A_39, %reduce_sum3A_40 [1] : vector<1024x512xf32> to vector<1024xf32>
      %sqrt3A_42 = math.sqrt %reduce_sum3A_41 : vector<1024xf32>
      %mul3A_43 = arith.mulf %sqrt3A, %sqrt3A_42 : vector<1024xf32>
      %max3A = arith.constant 9.99999993E-9 : f32
      %max3A_44 = vector.broadcast %max3A : f32 to vector<1024xf32>
      %max3A_45 = arith.maximumf %mul3A_43, %max3A_44 : vector<1024xf32>
      %div3A = arith.divf %reduce_sum3A_35, %max3A_45 : vector<1024xf32>
      %sub3A = arith.constant 1.000000e+00 : f32
      %sub3A_46 = vector.broadcast %sub3A : f32 to vector<1024xf32>
      %sub3A_47 = arith.subf %sub3A_46, %div3A : vector<1024xf32>
      %mul3A_48 = arith.constant 5.000000e-01 : f32
      %mul3A_49 = vector.broadcast %mul3A_48 : f32 to vector<1024xf32>
      %mul3A_50 = arith.mulf %sub3A_47, %mul3A_49 : vector<1024xf32>
      %reshape3A = vector.shape_cast %mul3A_50 : vector<1024xf32> to vector<8x128xf32>
      %mul3A_51 = arith.constant 1024 : i32
      %mul3A_52 = arith.muli %arg1, %mul3A_51 : i32
      %iota3A = tpu.iota {dimensions = array<i32: 0>} : vector<8x128xi32>
      %mul3A_53 = arith.constant 128 : i32
      %mul3A_54 = vector.broadcast %mul3A_53 : i32 to vector<8x128xi32>
      %mul3A_55 = arith.muli %iota3A, %mul3A_54 : vector<8x128xi32>
      %add3A = vector.broadcast %mul3A_52 : i32 to vector<8x128xi32>
      %add3A_56 = arith.addi %add3A, %mul3A_55 : vector<8x128xi32>
      %iota3A_57 = tpu.iota {dimensions = array<i32: 1>} : vector<8x128xi32>
      %add3A_58 = arith.addi %add3A_56, %iota3A_57 : vector<8x128xi32>
      %lt3A_59 = vector.broadcast %get3A_0 : i32 to vector<8x128xi32>
      %lt3A_60 = arith.cmpi slt, %add3A_58, %lt3A_59 : vector<8x128xi32>
      %gt3A = arith.constant 5.000000e-01 : f32
      %gt3A_61 = vector.broadcast %gt3A : f32 to vector<8x128xf32>
      %gt3A_62 = arith.cmpf ogt, %reshape3A, %gt3A_61 : vector<8x128xf32>
      %eq3A_63 = arith.constant 0 : i32
      %eq3A_64 = vector.broadcast %eq3A_63 : i32 to vector<8x128xi32>
      %eq3A_65 = arith.cmpi eq, %add3A_58, %eq3A_64 : vector<8x128xi32>
      %or3A = arith.ori %gt3A_62, %eq3A_65 : vector<8x128xi1>
      %and3A = arith.andi %or3A, %lt3A_60 : vector<8x128xi1>
      %swap3A_66 = arith.constant 0 : index
      %swap3A_67 = arith.constant 0 : index
      %swap3A_68 = arith.constant 0 : index
      %swap3A_69 = vector.load %arg7[%swap3A_66, %swap3A_67, %swap3A_68] : memref<1x8x128xf32, #tpu.memory_space<vmem>>, vector<1x8x128xf32>
      %swap3A_70 = vector.shape_cast %swap3A_69 : vector<1x8x128xf32> to vector<8x128xf32>
      %swap3A_71 = vector.shape_cast %reshape3A : vector<8x128xf32> to vector<1x8x128xf32>
      tpu.vector_store %arg7[%swap3A_66, %swap3A_67, %swap3A_68], %swap3A_71 {strides = array<i32>} : memref<1x8x128xf32, #tpu.memory_space<vmem>>, vector<1x8x128xf32>,
      %convert_element_type3A_72 = arith.extui %and3A : vector<8x128xi1> to vector<8x128xi32>
      %swap3A_73 = arith.constant 0 : index
      %swap3A_74 = arith.constant 0 : index
      %swap3A_75 = arith.constant 0 : index
      %swap3A_76 = vector.load %arg8[%swap3A_73, %swap3A_74, %swap3A_75] : memref<1x8x128xi32, #tpu.memory_space<vmem>>, vector<1x8x128xi32>
      %swap3A_77 = vector.shape_cast %swap3A_76 : vector<1x8x128xi32> to vector<8x128xi32>
      %swap3A_78 = vector.shape_cast %convert_element_type3A_72 : vector<8x128xi32> to vector<1x8x128xi32>
      tpu.vector_store %arg8[%swap3A_73, %swap3A_74, %swap3A_75], %swap3A_78 {strides = array<i32>} : memref<1x8x128xi32, #tpu.memory_space<vmem>>, vector<1x8x128xi32>,
      %convert_element_type3A_79 = arith.extui %and3A : vector<8x128xi1> to vector<8x128xi32>
      %convert_element_type3A_80 = arith.sitofp %convert_element_type3A_79 : vector<8x128xi32> to vector<8x128xf32>
      %reduce_sum3A_81 = vector.shape_cast %convert_element_type3A_80 : vector<8x128xf32> to vector<1x8x128xf32>
      %reduce_sum3A_82 = arith.constant dense<0.000000e+00> : vector<1xf32>
      %reduce_sum3A_83 = vector.multi_reduction <add>, %reduce_sum3A_81, %reduce_sum3A_82 [1, 2] : vector<1x8x128xf32> to vector<1xf32>
      %reduce_sum3A_84 = vector.shape_cast %reduce_sum3A_83 : vector<1xf32> to vector<1x1x1xf32>
      %reduce_sum3A_85 = vector.extract %reduce_sum3A_84[0, 0, 0] : f32 from vector<1x1x1xf32>
      %jit3A = arith.constant 0.000000e+00 : f32
      %broadcast_in_dim3A = vector.broadcast %jit3A : f32 to vector<8x128xf32>
      %select_n3A_86 = arith.select %lt3A_60, %reshape3A, %broadcast_in_dim3A : vector<8x128xi1>, vector<8x128xf32>
      %reduce_sum3A_87 = vector.shape_cast %select_n3A_86 : vector<8x128xf32> to vector<1x8x128xf32>
      %reduce_sum3A_88 = arith.constant dense<0.000000e+00> : vector<1xf32>
      %reduce_sum3A_89 = vector.multi_reduction <add>, %reduce_sum3A_87, %reduce_sum3A_88 [1, 2] : vector<1x8x128xf32> to vector<1xf32>
      %reduce_sum3A_90 = vector.shape_cast %reduce_sum3A_89 : vector<1xf32> to vector<1x1x1xf32>
      %reduce_sum3A_91 = vector.extract %reduce_sum3A_90[0, 0, 0] : f32 from vector<1x1x1xf32>
      %eq3A_92 = arith.constant 0 : i32
      %eq3A_93 = arith.cmpi eq, %arg1, %eq3A_92 : i32
      %get3A_94 = arith.constant 0 : index
      %get3A_95 = memref.load %arg11[%get3A_94] : memref<2xf32, #tpu.memory_space<smem>>
      %add3A_96 = arith.addf %get3A_95, %reduce_sum3A_85 : f32
      %select_n3A_97 = arith.select %eq3A_93, %reduce_sum3A_85, %add3A_96 : f32
      %eq3A_98 = arith.constant 0 : i32
      %eq3A_99 = arith.cmpi eq, %arg1, %eq3A_98 : i32
      %get3A_100 = arith.constant 1 : index
      %get3A_101 = memref.load %arg11[%get3A_100] : memref<2xf32, #tpu.memory_space<smem>>
      %add3A_102 = arith.addf %get3A_101, %reduce_sum3A_91 : f32
      %select_n3A_103 = arith.select %eq3A_99, %reduce_sum3A_91, %add3A_102 : f32
      %swap3A_104 = arith.constant 0 : index
      %swap3A_105 = memref.load %arg11[%swap3A_104] : memref<2xf32, #tpu.memory_space<smem>>
      memref.store %select_n3A_97, %arg11[%swap3A_104] : memref<2xf32, #tpu.memory_space<smem>>
      %swap3A_106 = arith.constant 1 : index
      %swap3A_107 = memref.load %arg11[%swap3A_106] : memref<2xf32, #tpu.memory_space<smem>>
      memref.store %select_n3A_103, %arg11[%swap3A_106] : memref<2xf32, #tpu.memory_space<smem>>
      %convert_element_type3A_108 = arith.sitofp %get3A_0 : i32 to f32
      %div3A_109 = arith.divf %select_n3A_103, %convert_element_type3A_108 : f32
      %div3A_110 = arith.divf %select_n3A_97, %convert_element_type3A_108 : f32
      %mul3A_111 = arith.constant 5.000000e+00 : f32
      %mul3A_112 = arith.mulf %mul3A_111, %div3A_110 : f32
      %mul3A_113 = arith.mulf %mul3A_112, %div3A_109 : f32
      %sub3A_114 = arith.constant 1.000000e+00 : f32
      %sub3A_115 = arith.subf %sub3A_114, %div3A_110 : f32
      %sub3A_116 = arith.constant 1.000000e+00 : f32
      %sub3A_117 = arith.subf %sub3A_116, %div3A_109 : f32
      %mul3A_118 = arith.mulf %sub3A_115, %sub3A_117 : f32
      %add3A_119 = arith.addf %mul3A_113, %mul3A_118 : f32
      %mul3A_120 = arith.constant 1.200000e+00 : f32
      %mul3A_121 = arith.mulf %mul3A_120, %add3A_119 : f32
      %broadcast_in_dim3A_122 = vector.broadcast %mul3A_121 : f32 to vector<1x128xf32>
      %swap3A_123 = arith.constant 0 : index
      %swap3A_124 = arith.constant 0 : index
      %swap3A_125 = arith.constant 0 : index
      %swap3A_126 = vector.load %arg9[%swap3A_123, %swap3A_124, %swap3A_125] : memref<1x1x128xf32, #tpu.memory_space<vmem>>, vector<1x1x128xf32>
      %swap3A_127 = vector.shape_cast %swap3A_126 : vector<1x1x128xf32> to vector<1x128xf32>
      %swap3A_128 = vector.shape_cast %broadcast_in_dim3A_122 : vector<1x128xf32> to vector<1x1x128xf32>
      tpu.vector_store %arg9[%swap3A_123, %swap3A_124, %swap3A_125], %swap3A_128 {strides = array<i32>} : memref<1x1x128xf32, #tpu.memory_space<vmem>>, vector<1x1x128xf32>,
    } else {
    }
    %mul3A_3 = arith.constant 1024 : i32
    %mul3A_4 = arith.muli %arg1, %mul3A_3 : i32
    %lt3A_5 = arith.cmpi slt, %mul3A_4, %get3A_0 : i32
    %not3A = arith.constant true
    %not3A_6 = arith.xori %lt3A_5, %not3A : i1
    %convert_element_type3A_7 = arith.extui %not3A_6 : i1 to i32
    %cond3A_8 = arith.constant 0 : i32
    %cond3A_9 = arith.cmpi ne, %convert_element_type3A_7, %cond3A_8 : i32
    scf.if %cond3A_9 {
      %broadcast_in_dim3A = arith.constant 0.000000e+00 : f32
      %broadcast_in_dim3A_10 = vector.broadcast %broadcast_in_dim3A : f32 to vector<8x128xf32>
      %swap3A = arith.constant 0 : index
      %swap3A_11 = arith.constant 0 : index
      %swap3A_12 = arith.constant 0 : index
      %swap3A_13 = vector.load %arg7[%swap3A, %swap3A_11, %swap3A_12] : memref<1x8x128xf32, #tpu.memory_space<vmem>>, vector<1x8x128xf32>
      %swap3A_14 = vector.shape_cast %swap3A_13 : vector<1x8x128xf32> to vector<8x128xf32>
      %swap3A_15 = vector.shape_cast %broadcast_in_dim3A_10 : vector<8x128xf32> to vector<1x8x128xf32>
      tpu.vector_store %arg7[%swap3A, %swap3A_11, %swap3A_12], %swap3A_15 {strides = array<i32>} : memref<1x8x128xf32, #tpu.memory_space<vmem>>, vector<1x8x128xf32>,
      %broadcast_in_dim3A_16 = arith.constant 0 : i32
      %broadcast_in_dim3A_17 = vector.broadcast %broadcast_in_dim3A_16 : i32 to vector<8x128xi32>
      %swap3A_18 = arith.constant 0 : index
      %swap3A_19 = arith.constant 0 : index
      %swap3A_20 = arith.constant 0 : index
      %swap3A_21 = vector.load %arg8[%swap3A_18, %swap3A_19, %swap3A_20] : memref<1x8x128xi32, #tpu.memory_space<vmem>>, vector<1x8x128xi32>
      %swap3A_22 = vector.shape_cast %swap3A_21 : vector<1x8x128xi32> to vector<8x128xi32>
      %swap3A_23 = vector.shape_cast %broadcast_in_dim3A_17 : vector<8x128xi32> to vector<1x8x128xi32>
      tpu.vector_store %arg8[%swap3A_18, %swap3A_19, %swap3A_20], %swap3A_23 {strides = array<i32>} : memref<1x8x128xi32, #tpu.memory_space<vmem>>, vector<1x8x128xi32>,
    } else {
    }
    return
  }
  func.func @transform_0(%arg0: i32, %arg1: i32) -> i32 {
    %c0_i32 = arith.constant 0 : i32
    %c0_i32_0 = arith.constant 0 : i32
    return %c0_i32 : i32
  }
  func.func @transform_1(%arg0: i32, %arg1: i32) -> (i32, i32, i32) {
    %c0_i32 = arith.constant 0 : i32
    %c0_i32_0 = arith.constant 0 : i32
    return %arg0, %arg1, %c0_i32 : i32, i32, i32
  }
  func.func @transform_2(%arg0: i32, %arg1: i32) -> (i32, i32) {
    %c0_i32 = arith.constant 0 : i32
    %c0_i32_0 = arith.constant 0 : i32
    %c0_i32_1 = arith.constant 0 : i32
    return %c0_i32, %c0_i32_0 : i32, i32
  }
  func.func @transform_3(%arg0: i32, %arg1: i32) -> (i32, i32) {
    %c0_i32 = arith.constant 0 : i32
    %c0_i32_0 = arith.constant 0 : i32
    %c0_i32_1 = arith.constant 0 : i32
    return %c0_i32, %c0_i32_0 : i32, i32
  }
  func.func @transform_4(%arg0: i32, %arg1: i32) -> (i32, i32) {
    %c0_i32 = arith.constant 0 : i32
    %c0_i32_0 = arith.constant 0 : i32
    %c0_i32_1 = arith.constant 0 : i32
    return %c0_i32, %c0_i32_0 : i32, i32
  }
  func.func @transform_5(%arg0: i32, %arg1: i32) -> (i32, i32, i32) {
    %c0_i32 = arith.constant 0 : i32
    %c0_i32_0 = arith.constant 0 : i32
    return %arg0, %arg1, %c0_i32 : i32, i32, i32
  }
  func.func @transform_6(%arg0: i32, %arg1: i32) -> (i32, i32, i32) {
    %c0_i32 = arith.constant 0 : i32
    %c0_i32_0 = arith.constant 0 : i32
    return %arg0, %arg1, %c0_i32 : i32, i32, i32
  }
  func.func @transform_7(%arg0: i32, %arg1: i32) -> (i32, i32, i32) {
    %c0_i32 = arith.constant 0 : i32
    %c0_i32_0 = arith.constant 0 : i32
    %c0_i32_1 = arith.constant 0 : i32
    return %arg0, %c0_i32, %c0_i32_0 : i32, i32, i32
  }
}

</mosaic_0001>

<sc_bundles>
// kernel: kernel.4.cloned.1.call-start
scs
__scs_entry_jumppad:
0x0: {  	(pc) =	sbr.rel $0x88, $3  }
0x1: {  	(tag) =	ssettag $0x0;
	lr =	simm.s32 $0x1  }
0x2: {  	[smem:$0x3F9D] =	sst lr;
	_ =	strace $0xD0000000  }
0x3: {  	_ = 	snop  }
0x4: {  	_ = 	snop  }
0x5: {  	_ = 	snop  }
0x6: {  	_ = 	snop  }
0x7: {  	_ = 	snop  }
__scs_overlays_trampoline_lowered:
0x8: {  	[smem:$0x3FAC] =	sst s0  }
0x9: {  	[smem:$0x3FAD] =	sst s1  }
0xa: {  	[smem:$0x3FAE] =	sst s2  }
0xb: {  	[smem:$0x3FAF] =	sst s3  }
0xc: {  	[smem:$0x3FB0] =	sst s4  }
0xd: {  	[smem:$0x3FB1] =	sst s5  }
0xe: {  	[smem:$0x3FB2] =	sst s6  }
0xf: {  	[smem:$0x3FB3] =	sst s7  }
0x10: {  	[smem:$0x3FB4] =	sst s8  }
0x11: {  	[smem:$0x3FB5] =	sst s9;
	s0 =	simm.s32 @!p0 $0x0  }
0x12: {  	s1 =	sld [smem:$0x3F9B];
	s0 =	simm.s32 @p0 $0x1  }
0x13: {  	[smem:$0x3FB6] =	sst s0;
	s0 =	simm.s32 @!p1 $0x0  }
0x14: {  	s2 =	sld [smem:$0x3F9A];
	s0 =	simm.s32 @p1 $0x1  }
0x15: {  	[smem:$0x3FB7] =	sst s0;
	s0 =	simm.s32 @!p2 $0x0  }
0x16: {  	s3 =	sld [smem:$0x3FDB];
	s0 =	simm.s32 @p2 $0x1  }
0x17: {  	s4 =	simm.s32 $0x1BF5;
	[smem:$0x3FB9] =	sst s0  }
0x18: {  	s0 =	sld [smem:$0x3F9C];
	_ =	swait.ge [sflag:s4], $0x0  }
0x19: {  	s7 =	sld [smem:$0x3F9D]  }
0x1a: {  	s8 =	sadd.s32 $0xFFFFE003, lr  }
0x1b: {  	s9 =	sadd.s32 $0xFFFFFEF7, lr;
	s5 =	simm.s32 $0xFFFFFFFF;
	p2 =	slt.u32 s8, $0xFFFFF086  }
0x1c: {  	p1 =	slt.u32 s9, $0xF7A;
	s5 =	simm.s32 @!p2 $0x0  }
0x1d: {  	s5 =	simm.s32 @p1 $0x1;
	p0 =	seq.s32 s7, s2  }
0x1e: {  	s7 =	smul.u32 @!p0 $0xF7A, s2;
	p2 =	seq.s32 @!p0 s5, $0x0  }
0x1f: {  	s9 =	smul.u32 $0xF7A, s1;
	s8 =	simm.s32 @!p0 $0x1BF5;
	p2 =	por !p2, p0  }
0x20: {  	[sflag:s8] =	ssyncset.s32 @!p0 $0xFFFFF086;
	s6 =	sadd.s32 @!p0 s3, s7;
	s7 =	simm.s32 @!p0 $0x108  }
0x21: {  	s3 =	sadd.s32 s3, s9;
	s6 =	sadd.s32 @!p0 $0x88, s6;
	s7 =	simm.s32 @p2 $0x1082  }
0x22: {  	[simem:s7], [sflag:s8] =	dma.local @!p0 [hbm:s6], $0xF7A  }
0x23: {  	s9 =	sor.u32 $0xD0000000, s2;
	s6 =	simm.s32 $0x108;
	_ =	swait.ge @!p0 [sflag:s8], $0x0  }
0x24: {  	s3 =	sadd.s32 $0x88, s3;
	s6 =	simm.s32 @!p1 $0x1082;
	[sflag:s4] =	ssyncset.s32 $0xFFFFF086  }
0x25: {  	[simem:s6], [sflag:s4] =	dma.local [hbm:s3], $0xF7A  }
0x26: {  	[smem:$0x3F9D] =	sst s1;
	(tag) =	ssettag s2;
	_ =	strace s9  }
0x27: {  	s1 =	sld [smem:$0x3FAD]  }
0x28: {  	s2 =	sld [smem:$0x3FAE]  }
0x29: {  	s4 =	sld [smem:$0x3FB0]  }
0x2a: {  	p0 =	seq.s32 s5, $0x0;
	s5 =	sld [smem:$0x3FB1]  }
0x2b: {  	s6 =	sld [smem:$0x3FB2]  }
0x2c: {  	s7 =	sld [smem:$0x3FB3]  }
0x2d: {  	s3 =	simm.s32 $0x108;
	s8 =	sld [smem:$0x3FB4]  }
0x2e: {  	s3 =	simm.s32 @!p0 $0x1082;
	s9 =	sld [smem:$0x3FB5]  }
0x2f: {  	lr =	sadd.s32 s0, s3;
	s0 =	sld [smem:$0x3FAC]  }
0x30: {  	s3 =	sld [smem:$0x3FAF]  }
0x31: {  	[smem:$0x3FB8] =	sst s10  }
0x32: {  	s10 =	sld [smem:$0x3FB6];
	_ =	sdelay $0x3  }
0x33: {  	p0 =	seq.s32 s10, $0x1;
	s10 =	sld [smem:$0x3FB8];
	_ =	sdelay $0x3  }
0x34: {  	[smem:$0x3FB8] =	sst s10  }
0x35: {  	s10 =	sld [smem:$0x3FB7];
	_ =	sdelay $0x3  }
0x36: {  	p1 =	seq.s32 s10, $0x1;
	s10 =	sld [smem:$0x3FB8];
	_ =	sdelay $0x3  }
0x37: {  	[smem:$0x3FB8] =	sst s10  }
0x38: {  	s10 =	sld [smem:$0x3FB9]  }
0x39: {  	_ = 	snop;
	(pc) =	sbr.ind lr, $3  }
0x3a: {  	_ = 	snop  }
0x3b: {  	_ = 	snop  }
0x3c: {  	p2 =	seq.s32 s10, $0x1;
	s10 =	sld [smem:$0x3FB8]  }
0x3d: {  	_ =	shalt  }
0x3e: {  	_ =	shalt  }
0x3f: {  	_ =	shalt  }
0x40: {  	_ =	shalt  }
0x41: {  	_ =	shalt  }
0x42: {  	_ =	shalt  }
0x43: {  	_ =	shalt  }
0x44: {  	_ =	shalt  }
0x45: {  	_ =	shalt  }
0x46: {  	_ =	shalt  }
0x47: {  	_ =	shalt  }
0x48: {  	_ =	shalt  }
0x49: {  	_ =	shalt  }
0x4a: {  	_ =	shalt  }
0x4b: {  	_ =	shalt  }
0x4c: {  	_ =	shalt  }
0x4d: {  	_ =	shalt  }
0x4e: {  	_ =	shalt  }
0x4f: {  	_ =	shalt  }
0x50: {  	_ =	shalt  }
0x51: {  	_ =	shalt  }
0x52: {  	_ =	shalt  }
0x53: {  	_ =	shalt  }
0x54: {  	_ =	shalt  }
0x55: {  	_ =	shalt  }
0x56: {  	_ =	shalt  }
0x57: {  	_ =	shalt  }
0x58: {  	_ =	shalt  }
0x59: {  	_ =	shalt  }
0x5a: {  	_ =	shalt  }
0x5b: {  	_ =	shalt  }
0x5c: {  	_ =	shalt  }
0x5d: {  	_ =	shalt  }
0x5e: {  	_ =	shalt  }
0x5f: {  	_ =	shalt  }
0x60: {  	_ =	shalt  }
0x61: {  	_ =	shalt  }
0x62: {  	_ =	shalt  }
0x63: {  	_ =	shalt  }
0x64: {  	_ =	shalt  }
0x65: {  	_ =	shalt  }
0x66: {  	_ =	shalt  }
0x67: {  	_ =	shalt  }
0x68: {  	_ =	shalt  }
0x69: {  	_ =	shalt  }
0x6a: {  	_ =	shalt  }
0x6b: {  	_ =	shalt  }
0x6c: {  	_ =	shalt  }
0x6d: {  	_ =	shalt  }
0x6e: {  	_ =	shalt  }
0x6f: {  	_ =	shalt  }
0x70: {  	_ =	shalt  }
0x71: {  	_ =	shalt  }
0x72: {  	_ =	shalt  }
0x73: {  	_ =	shalt  }
0x74: {  	_ =	shalt  }
0x75: {  	_ =	shalt  }
0x76: {  	_ =	shalt  }
0x77: {  	_ =	shalt  }
0x78: {  	_ =	shalt  }
0x79: {  	_ =	shalt  }
0x7a: {  	_ =	shalt  }
0x7b: {  	_ =	shalt  }
0x7c: {  	_ =	shalt  }
0x7d: {  	_ =	shalt  }
0x7e: {  	_ =	shalt  }
0x7f: {  	_ =	shalt  }
0x80: {  	_ =	shalt  }
0x81: {  	_ =	shalt  }
0x82: {  	_ =	shalt  }
0x83: {  	_ =	shalt  }
0x84: {  	_ =	shalt  }
0x85: {  	_ =	shalt  }
0x86: {  	_ =	shalt  }
0x87: {  	_ =	shalt  }
.Lfunc_end0:
.L_simem_size_0:
called_computation_lowered:
.L_overlay_start_0:
0x88: {  	s2 =	sld [smem:$0x3FD9]  }
0x89: {  	s3 =	sld [smem:$0x3FFE];
	_ =	sdelay $0x1  }
0x8a: {  	s1 =	srdreg.scid  }
0x8b: {  	s0 =	sand.u32 $0x1, s1  }
0x8c: {  	s14 =	sshll.u32 s0, $0xA;
	s2 =	sadd.s32 s3, s2  }
0x8d: {  	s2 =	sadd.s32 s2, s14  }
0x8e: {  	[smem:$0x3FC4] =	sst s2  }
0x8f: {  	_ = 	snop  }
0x90: {  	s2 =	sld [smem:$0x3FD0];
	_ =	sdelay $0x2  }
0x91: {  	s4 =	simm.s32 $0xA;
	s5 =	simm.s32 $0x10;
	s15 =	sld [smem:$0x3FC9]  }
0x92: {  	[smem:s5], [sflag:s4] =	dma.local [hbm:s2], $0x1  }
0x93: {  	_ =	swait.eq [sflag:s4], $0x1  }
0x94: {  	s16 =	sld [smem:$0x10]  }
0x95: {  	s17 =	sld [smem:$0x11];
	[sflag:s4] =	ssyncset.done $0x0  }
0x96: {  	s6 =	sld [smem:$0x12];
	[sflag:s4] =	ssyncadd.s32 $0xFFFFFFFF  }
0x97: {  	s18 =	sld [smem:$0x14];
	(tm) =	ssettm $0x1  }
0x98: {  	s7 =	sld [smem:$0x3FFB];
	_ =	sdelay $0x3  }
0x99: {  	_ =	strace s7  }
0x9a: {  	s7 =	sld [smem:$0x3FFC];
	_ =	sdelay $0x3  }
0x9b: {  	_ =	strace s7  }
0x9c: {  	s7 =	sld [smem:$0x3FFD];
	_ =	sdelay $0x3  }
0x9d: {  	_ =	strace s7  }
0x9e: {  	_ =	strace $0x8FFFFFFF  }
0x9f: {  	s19 =	sld [smem:$0x3FDB];
	_ =	sdelay $0x1  }
0xa0: {  	s8 =	simm.s32 $_scs_section_size  }
0xa1: {  	s9 =	simm.s32 $_size__tile_overlayer_lowered;
	s10 =	simm.s32 $_tile_overlayer_lowered  }
0xa2: {  	s22 =	simm.s32 $0x1BFF;
	s21 =	sshll.u32 s10, $0x1;
	s7 =	sadd.s32 s8, s19  }
0xa3: {  	s11 =	simm.s32 $0x0;
	s20 =	sshll.u32 s9, $0x1;
	s9 =	sadd.s32 s21, s7  }
0xa4: {  	[timem:s11], [sflag:s22] =	dma.local [hbm:s9], s20  }
0xa5: {  	_ =	swait.ge [sflag:s22], s20  }
0xa6: {  	s8 =	ssub.s32 $0x0, s20;
	[sflag:s22] =	ssyncset.done $0x0  }
0xa7: {  	[sflag:s22] =	ssyncadd.s32 s8;
	_ =	sdelay $0x1  }
0xa8: {  	s23 =	simm.s32 $0x1B8B  }
0xa9: {  	_ =	swait.ge [sflag:s23], $0x1  }
0xaa: {  	[sflag:s23] =	ssyncset.done $0x0  }
0xab: {  	s25 =	simm.s32 $0x1B8E;
	s24 =	sld [smem:$0x3FFE];
	[sflag:s23] =	ssyncadd.s32 $0xFFFFFFFF  }
0xac: {  	s26 =	simm.s32 $execute0_lowered;
	[smem:$0x3FD2] =	sst s25  }
0xad: {  	s9 =	sshll.u32 s26, $0x1;
	_ =	strace $0x80000046;
	[dreg:$0x1] =	wrdreg $0xFFFFFFFF  }
0xae: {  	s28 =	simm.s32 $_size_execute0_lowered;
	s7 =	sadd.s32 s7, s9;
	[dreg:$0x0] =	wrdreg $0x0  }
0xaf: {  	s9 =	sshll.u32 s28, $0x1;
	[dreg:$0x2] =	wrdreg s7  }
0xb0: {  	[dreg:$0x3] =	wrdreg s9  }
0xb1: {  	[dreg:$0x4] =	wrdreg $0xC0  }
0xb2: {  	_ =	task [dreg:s11], $0x5FFFF  }
0xb3: {  	[dreg:$0x1] =	wrdreg $0xFFFFFFFF  }
0xb4: {  	[dreg:$0x0] =	wrdreg $0x60  }
0xb5: {  	[dreg:$0x2] =	wrdreg s15  }
0xb6: {  	[dreg:$0x3] =	wrdreg s18  }
0xb7: {  	[dreg:$0x4] =	wrdreg s24  }
0xb8: {  	[dreg:$0x5] =	wrdreg s16  }
0xb9: {  	[dreg:$0x6] =	wrdreg s17  }
0xba: {  	[dreg:$0x7] =	wrdreg s6  }
0xbb: {  	[dreg:$0x8] =	wrdreg $0x9  }
0xbc: {  	_ =	task.clear_ibuf [dreg:s11], $0x9FFFF;
	_ =	strace $0x90000046  }
0xbd: {  	s29 =	simm.s32 $0x9;
	_ =	strace $0x80000048  }
0xbe: {  	_ =	swait.ge [sflag:s29], $0x1  }
0xbf: {  	[sflag:s29] =	ssyncadd.s32 $0xFFFFFFFF  }
0xc0: {  	_ =	strace $0x90000048  }
0xc1: {  	_ =	sfence  }
0xc2: {  	s30 =	sld [smem:$0x0];
	_ =	sdelay $0x2  }
0xc3: {  	s31 =	sshll.u32 s1, $0xD;
	s1 =	sshrl.u32 s1, $0x2  }
0xc4: {  	s3 =	sand.u32 $0x4000, s31;
	s1 =	sadd.s32 s1, s30  }
0xc5: {  	s0 =	sor.u32 s3, s0;
	s1 =	sshll.u32 s1, $0x11  }
0xc6: {  	s0 =	sor.u32 s1, s0  }
0xc7: {  	s0 =	sadd.s32 $0x8F2B, s0  }
0xc8: {  	[sflag:s0] =	ssyncadd.remote.s32 $0x1  }
0xc9: {  	_ =	sfence.sel $0xFFFF  }
0xca: {  	[dreg:$0x0] =	wrdreg $0xFFFFFFFF;
	(pc) =	sbr.abs _section_cstart, $3  }
0xcb: {  	[dreg:$0x1] =	wrdreg $0xFFFFFFFF  }
0xcc: {  	_ =	task.clear_ibuf [dreg:s11], $0x2FFFF;
	_ =	strace $0x9FFFFFFF  }
0xcd: {  	(tm) =	ssettm $0x7FFFFFFF  }
tec
execute0_lowered:
.L_overlay_start_1:
0x0: {  	(tag) =	ssettag $0x1  }
0x1: {  	s1 =	rddreg [dreg:$0x0]  }
0x2: {  	s3 =	rddreg [dreg:$0x1]  }
0x3: {  	s0 =	srdreg.scid;
	s9 =	rddreg [dreg:$0x2]  }
0x4: {  	s5 =	stileid.u32;
	s10 =	rddreg [dreg:$0x4];
	s0 =	sand.u32 $0x1, s0  }
0x5: {  	s11 =	rddreg [dreg:$0x5];
	s21 =	simm.s32 $0x3;
	s2 =	sshll.u32 s0, $0x4  }
0x6: {  	s25 =	simm.s32 $0x2080;
	s8 =	sand.u32 $0x3, s5;
	s4 =	sor.u32 s5, s2  }
0x7: {  	s18 =	simm.s32 $0x15180;
	p0 =	sne.s32 s8, $0x0;
	p1 =	seq.s32 s4, $0x0  }
0x8: {  	s19 =	simm.s32 $0x15980;
	s20 =	simm.s32 $0x2;
	p1 =	por !p0, !p1  }
0x9: {  	s14 =	sadd.s32 $0x100, s1;
	s5 =	simm.s32 $0x1;
	p1 =	por !p1, !p1  }
0xa: {  	s0 =	ssub.s32 $0x2, s0;
	s4 =	sshrl.u32 s4, $0x2;
	s5 =	simm.s32 @!p1 $0x0  }
0xb: {  	s2 =	rddreg [dreg:$0x3];
	s12 =	sshrl.u32 s0, $0x1;
	s4 =	ssub.s32 s4, s5  }
0xc: {  	s6 =	sshll.u32 s4, $0xC;
	[dreg:$0x7] =	wrdreg s4;
	s4 =	sshll.u32 s4, $0x7  }
0xd: {  	s5 =	simm.s32 $0x0;
	s7 =	sand.u32 $0xFFFF8000, s6;
	s4 =	sand.u32 $0x380, s4  }
0xe: {  	s0 =	ssub.s32 s0, s12;
	[smem:$0x7FF] =	sst s5;
	s4 =	sor.u32 s4, s7  }
0xf: {  	s0 =	smax.u32 s0, $0x1;
	_ =	strace $0x80000047;
	s4 =	sshrl.u32 s4, $0x3  }
0x10: {  	[dreg:$0xd] =	wrdreg s0;
	s13 =	sadd.s32 s4, s9;
	s9 =	sadd.s32 $0x1C00, s9  }
0x11: {  	s7 =	simm.s32 $0x1;
	s3 =	sadd.s32 s3, s4;
	[dreg:$0x8] =	wrdreg s9  }
0x12: {  	s28 =	sadd.s32 s11, s4;
	s29 =	sadd.s32 s10, s4;
	[dreg:$0xa] =	wrdreg s3  }
0x13: {  	s10 =	simm.s32 $0x14980;
	s26 =	sadd.s32 $0xC00, s13;
	[dreg:$0xb] =	wrdreg s28  }
.Ltmp0:
0x14: {  	[dreg:$0xc] =	wrdreg s29;
	s13 =	sshll.u32 s8, $0x6;
	(pc) =	sbr.rel .LBB2_1-.Ltmp0, $4  }
0x15: {  	s8 =	simm.s32 $0x13980;
	s9 =	simm.s32 $0x14180;
	s3 =	simm.s32 $0x0  }
0x16: {  	v0 =	vimm.s32 $0x0;
	v1 =	vimm.f32 $0.0e+00;
	v2 =	vlaneseq.u32;
	[dreg:$0x9] =	wrdreg s26;
	s15 =	sor.u32 $0x100, s13;
	s30 =	sor.u32 $0x3100, s13  }
0x17: {  	vm0 =	vcmask $0x300;
	vm1 =	vmmov $0xffff;
	v4 =	vshrl.u32 v2, $0x3;
	s16 =	sor.u32 $0x200, s13;
	s31 =	sor.u32 $0x3200, s13;
	[dreg:$0xe] =	wrdreg s30  }
0x18: {  	v3 =	vand.u32 $0x7, v2;
	v5 =	vor.u32 $0x8, v2;
	v4 =	vmul.u32 $0x8, v4;
	s17 =	sor.u32 $0x300, s13;
	s26 =	simm.s32 $0x3100;
	[dreg:$0xf] =	wrdreg s31  }
.LBB2_29:
0x19: {  	s3 =	rddreg [dreg:$0x10]  }
0x1a: {  	s0 =	rddreg [dreg:$0xd];
	s3 =	sadd.s32 $0x1, s3  }
0x1b: {  	p1 =	sne.s32 s3, s0  }
.Ltmp1:
0x1c: {  	_ = 	snop;
	(pc) =	sbr.rel @!p1 .LBB2_30-.Ltmp1, $1  }
0x1d: {  	_ =	sdelay $0x3  }
.LBB2_1:
0x1e: {  	[dreg:$0x10] =	wrdreg s3  }
0x1f: {  	s0 =	rddreg [dreg:$0x8]  }
0x20: {  	[tilespmem:s5], [sflag:$0x3] =	stream.linear.gather [hbm4b:s0+s5], $0x80, $0x38;
	[tilespmem:$0x1E180] =	vst v63  }
0x21: {  	_ =	swait.ge [sflag:s21], $0x80  }
0x22: {  	s29 =	simm.s32 $0x400;
	[sflag:s21] =	ssyncset.done $0x0  }
0x23: {  	s4 =	simm.s32 $0x80;
	s28 =	rddreg [dreg:$0x9];
	[sflag:s21] =	ssyncadd.s32 $0xFFFFFF80  }
0x24: {  	[tilespmem:s4], [sflag:$0x3] =	stream.strided.gather [hbm4b:s28+s4], $0x1000, s29, s4, $0x38;
	[tilespmem:$0x1E180] =	vst v63  }
0x25: {  	_ =	swait.ge [sflag:s21], $0x1000  }
0x26: {  	[sflag:s21] =	ssyncset.done $0x0  }
0x27: {  	s11 =	simm.s32 $0x1080;
	s30 =	rddreg [dreg:$0xa];
	[sflag:s21] =	ssyncadd.s32 $0xFFFFF000  }
0x28: {  	[tilespmem:s11], [sflag:$0x3] =	stream.strided.gather [hbm4b:s30+s4], $0x1000, s29, s4, $0x38;
	[tilespmem:$0x1E180] =	vst v63  }
0x29: {  	_ =	swait.ge [sflag:s21], $0x1000  }
0x2a: {  	[sflag:s21] =	ssyncset.done $0x0  }
0x2b: {  	s31 =	rddreg [dreg:$0x7];
	[sflag:s21] =	ssyncadd.s32 $0xFFFFF000  }
0x2c: {  	s0 =	simm.s32 $0x0;
	v6 =	vld [tilespmem:s31+$0x0]  }
.LBB2_2:
0x2d: {  	p1 =	sne.s32 s0, $0x4000  }
.Ltmp2:
0x2e: {  	_ = 	snop;
	(pc) =	sbr.rel @p1 .LBB2_2-.Ltmp2, $4  }
0x2f: {  	_ = 	snop  }
0x30: {  	s3 =	sshra.s32 s0, $0x2  }
0x31: {  	[tilespmem:s3+$0x2080] =	vst v0  }
0x32: {  	s0 =	sadd.s32 $0x40, s0;
	[tilespmem:s3+$0x3100] =	vst v1  }
0x33: {  	s0 =	simm.s32 $0x80  }
0x34: {  	v7 =	vld [tilespmem:s0+$0x0];
	_ =	sdelay $0x4  }
0x35: {  	(xrf0) =	vadd.scan.msk.s32 $0xffff, v7;
	_ =	sdelay $0x4  }
0x36: {  	s3 =	simm.s32 $0x0  }
0x37: {  	v8 =	vsub.s32 s3, v7;
	v9, _, _ =	vpop (xrf0)  }
0x38: {  	vm2 =	vgt.s32 v7, $0x0;
	v7 =	vadd.s32 v9, v8;
	(v2sf) =	vpush v9, $0xF  }
0x39: {  	v7 =	vnsel vm2, $0x100F, v7;
	_ =	sdelay $0x2  }
0x3a: {  	s31 =	sor.u32 s6, s3  }
0x3b: {  	v8 =	vor.u32 s31, v2  }
0x3c: {  	s0 =	simm.s32 $0x1080;
	[tilespmem:v7+s25+$0x0] =	vst.idx.msk $0xffff, v8  }
0x3d: {  	v8 =	vld [tilespmem:s0+$0x0];
	_ =	sdelay $0x4  }
0x3e: {  	s11 =	simm.s32 $0x90;
	[tilespmem:v7+s26+$0x0] =	vst.idx.msk $0xffff, v8  }
0x3f: {  	s4 =	simm.s32 $0x10;
	s12 =	simm.s32 $0x20;
	v7 =	vld [tilespmem:s11+$0x0]  }
.LBB2_4:
0x40: {  	p1 =	sne.s32 s12, $0xFF0  }
0x41: {  	s22 =	spop (v2sf)  }
0x42: {  	s3 =	sadd.s32 s3, s22;
	_ =	sdelay $0x1  }
0x43: {  	vm2 =	vgt.s32 v7, $0x0;
	v8 =	vsub.s32 s3, v7;
	(xrf0) =	vadd.scan.msk.s32 $0xffff, v7;
	_ =	sdelay $0x5  }
0x44: {  	v7, _, _ =	vpop (xrf0)  }
0x45: {  	v8 =	vadd.s32 v7, v8;
	(v2sf) =	vpush v7, $0xF  }
0x46: {  	v7 =	vnsel vm2, $0x100F, v8;
	_ =	sdelay $0x2  }
0x47: {  	s22 =	sor.u32 s6, s4;
	s4 =	smov.u32 s12  }
0x48: {  	v8 =	vor.u32 s22, v2  }
0x49: {  	s0 =	sadd.s32 $0x10, s0;
	[tilespmem:v7+s25+$0x0] =	vst.idx.msk $0xffff, v8  }
0x4a: {  	v8 =	vld [tilespmem:s0+$0x0];
	_ =	sdelay $0x1  }
.Ltmp3:
0x4b: {  	(pc) =	sbr.rel @p1 .LBB2_4-.Ltmp3, $3  }
0x4c: {  	_ =	sdelay $0x1  }
0x4d: {  	s11 =	sadd.s32 $0x10, s11;
	[tilespmem:v7+s26+$0x0] =	vst.idx.msk $0xffff, v8  }
0x4e: {  	s12 =	sadd.s32 $0x10, s12;
	v7 =	vld [tilespmem:s11+$0x0]  }
0x4f: {  	_ =	sdelay $0x3  }
0x50: {  	(xrf0) =	vadd.scan.msk.s32 $0xffff, v7;
	_ =	sdelay $0x5  }
0x51: {  	v8, _, _ =	vpop (xrf0)  }
0x52: {  	(v2sf) =	vpush v8, $0xF;
	_ =	sdelay $0x4  }
0x53: {  	(v2sf) =	vpush v6, $0x0;
	_ =	sdelay $0x1  }
0x54: {  	s11 =	spop (v2sf)  }
0x55: {  	s3 =	sadd.s32 s3, s11  }
0x56: {  	v6 =	vsub.s32 s3, v7  }
0x57: {  	vm2 =	vgt.s32 v7, $0x0;
	v6 =	vadd.s32 v8, v6  }
0x58: {  	v7 =	vnsel vm2, $0x100F, v6;
	_ =	sdelay $0x2  }
0x59: {  	s4 =	sor.u32 s6, s4  }
0x5a: {  	v6 =	vor.u32 s4, v2;
	s30 =	spop (v2sf)  }
0x5b: {  	s0 =	sadd.s32 $0x10, s0;
	[tilespmem:v7+s25+$0x0] =	vst.idx.msk $0xffff, v6;
	s4 =	sadd.s32 s3, s30  }
0x5c: {  	v8 =	vld [tilespmem:s0+$0x0];
	v6 =	vmov s4  }
0x5d: {  	v9 =	vnsel vm0, $0x100F, v6  }
.Ltmp4:
0x5e: {  	_ = 	snop;
	(pc) =	sbr.rel @p0 .LBB2_9-.Ltmp4, $4  }
0x5f: {  	s31 =	spop (v2sf)  }
0x60: {  	s0 =	sadd.s32 s6, s31  }
0x61: {  	[tilespmem:v7+s26+$0x0] =	vst.idx.msk $0xffff, v8;
	v7 =	vmov s0  }
0x62: {  	[tilespmem:v9+s25+$0x0] =	vst.idx.msk $0xffff, v7  }
0x63: {  	s0 =	simm.s32 $0x2081  }
0x64: {  	v7 =	vld [tilespmem:s0+$0xFFFFFFFF]  }
0x65: {  	v8 =	vld [tilespmem:s0+$0x0];
	_ =	sdelay $0x2  }
0x66: {  	s3 =	simm.s32 $0x0  }
0x67: {  	v9 =	vor.u32 s3, v2  }
0x68: {  	vm2 =	vlt.s32 v9, v6;
	v7 =	vsub.s32 v8, v7  }
0x69: {  	s3 =	simm.s32 $0x4180;
	v7 =	vnsel vm2, $0x0, v7  }
0x6a: {  	s11 =	simm.s32 $0x3100;
	[tilespmem:s3+$0x0] =	vst v7  }
0x6b: {  	v7 =	vld [tilespmem:s11+$0x0];
	_ =	sdelay $0x4  }
0x6c: {  	v7 =	vsub.f32 $1.000000000e+00, v7  }
0x6d: {  	s23 =	simm.s32 $0x5180;
	s12 =	simm.s32 $0x10;
	s22 =	simm.s32 $0x5190  }
.LBB2_7:
0x6e: {  	[tilespmem:s23+$0x0] =	vst v7;
	s0 =	sadd.s32 $0x10, s0;
	s3 =	sadd.s32 $0x10, s3;
	s11 =	sadd.s32 $0x10, s11  }
0x6f: {  	p1 =	sne.s32 s12, $0xFF0;
	s28 =	smov.u32 s12;
	s12 =	sadd.s32 $0x10, s12;
	v7 =	vld [tilespmem:s0+$0xFFFFFFFF]  }
0x70: {  	s23 =	smov.u32 s22;
	v8 =	vld [tilespmem:s0+$0x0];
	_ =	sdelay $0x3  }
0x71: {  	v9 =	vor.u32 s28, v2  }
0x72: {  	vm2 =	vlt.s32 v9, v6;
	v7 =	vsub.s32 v8, v7  }
0x73: {  	v7 =	vnsel vm2, $0x0, v7  }
0x74: {  	[tilespmem:s3+$0x0] =	vst v7  }
0x75: {  	v7 =	vld [tilespmem:s11+$0x0];
	_ =	sdelay $0x1  }
.Ltmp5:
0x76: {  	(pc) =	sbr.rel @p1 .LBB2_7-.Ltmp5, $3  }
0x77: {  	_ =	sdelay $0x1  }
0x78: {  	v7 =	vsub.f32 $1.000000000e+00, v7  }
0x79: {  	s22 =	sadd.s32 $0x10, s22  }
0x7a: {  	s0 =	rddreg [dreg:$0xb]  }
0x7b: {  	[tilespmem:s23+$0x0] =	vst v7;
	s3 =	simm.s32 $0x400;
	s11 =	simm.s32 $0x80;
	s12 =	simm.s32 $0x4180  }
0x7c: {  	[hbm4b:s0+s11] =	stream.strided.scatter [tilespmem:s12], [sflag:$0x3], $0x1000, s3, s11, $0x38;
	[tilespmem:$0x1E180] =	vst v63  }
0x7d: {  	_ =	swait.ge [sflag:s21], $0x1000  }
0x7e: {  	[sflag:s21] =	ssyncset.done $0x0  }
0x7f: {  	s31 =	simm.s32 $0x5180;
	s30 =	rddreg [dreg:$0xc];
	[sflag:s21] =	ssyncadd.s32 $0xFFFFF000  }
0x80: {  	[hbm4b:s30+s11] =	stream.strided.scatter [tilespmem:s31], [sflag:$0x3], $0x1000, s3, s11, $0x38;
	[tilespmem:$0x1E180] =	vst v63  }
0x81: {  	_ =	swait.ge [sflag:s21], $0x1000  }
0x82: {  	[sflag:s21] =	ssyncset.done $0x0  }
0x83: {  	[sflag:s21] =	ssyncadd.s32 $0xFFFFF000  }
.LBB2_9:
0x84: {  	s0 =	simm.s32 $0x0  }
0x85: {  	s3 =	sand.u32 $0x7000, s0;
	s0 =	sand.u32 $0x380, s0  }
0x86: {  	s3 =	sor.u32 s0, s3  }
0x87: {  	s0 =	sadd.s32 $0x16180, s3;
	[tilespmem:s3+$0x16180] =	vst v1  }
0x88: {  	[tilespmem:s0+$0x10] =	vst v1  }
0x89: {  	[tilespmem:s0+$0x20] =	vst v1  }
0x8a: {  	[tilespmem:s0+$0x30] =	vst v1  }
0x8b: {  	[tilespmem:s0+$0x40] =	vst v1  }
0x8c: {  	[tilespmem:s0+$0x50] =	vst v1  }
0x8d: {  	[tilespmem:s0+$0x60] =	vst v1  }
0x8e: {  	[tilespmem:s0+$0x70] =	vst v1  }
0x8f: {  	[tilespmem:s0+$0x400] =	vst v1  }
0x90: {  	[tilespmem:s0+$0x410] =	vst v1  }
0x91: {  	[tilespmem:s0+$0x420] =	vst v1  }
0x92: {  	[tilespmem:s0+$0x430] =	vst v1  }
0x93: {  	[tilespmem:s0+$0x440] =	vst v1  }
0x94: {  	[tilespmem:s0+$0x450] =	vst v1  }
0x95: {  	[tilespmem:s0+$0x460] =	vst v1  }
0x96: {  	[tilespmem:s0+$0x470] =	vst v1  }
0x97: {  	[tilespmem:s0+$0x800] =	vst v1  }
0x98: {  	[tilespmem:s0+$0x810] =	vst v1  }
0x99: {  	[tilespmem:s0+$0x820] =	vst v1  }
0x9a: {  	[tilespmem:s0+$0x830] =	vst v1  }
0x9b: {  	[tilespmem:s0+$0x840] =	vst v1  }
0x9c: {  	[tilespmem:s0+$0x850] =	vst v1  }
0x9d: {  	[tilespmem:s0+$0x860] =	vst v1  }
0x9e: {  	[tilespmem:s0+$0x870] =	vst v1  }
0x9f: {  	[tilespmem:s0+$0xC00] =	vst v1  }
0xa0: {  	[tilespmem:s0+$0xC10] =	vst v1  }
0xa1: {  	[tilespmem:s0+$0xC20] =	vst v1  }
0xa2: {  	[tilespmem:s0+$0xC30] =	vst v1  }
0xa3: {  	[tilespmem:s0+$0xC40] =	vst v1  }
0xa4: {  	s11 =	simm.s32 $0x200;
	s3 =	simm.s32 $0x80;
	[tilespmem:s0+$0xC50] =	vst v1  }
0xa5: {  	s12 =	sand.u32 $0x7000, s11;
	s11 =	simm.s32 $0x400;
	s22 =	sand.u32 $0x380, s3;
	[tilespmem:s0+$0xC60] =	vst v1  }
.LBB2_10:
0xa6: {  	p1 =	sne.s32 s11, $0x7E00;
	s12 =	sor.u32 s22, s12;
	[tilespmem:s0+$0xC70] =	vst v1  }
0xa7: {  	s0 =	sadd.s32 $0x16180, s12;
	[tilespmem:s12+$0x16180] =	vst v1  }
0xa8: {  	[tilespmem:s0+$0x10] =	vst v1  }
0xa9: {  	[tilespmem:s0+$0x20] =	vst v1  }
0xaa: {  	[tilespmem:s0+$0x30] =	vst v1  }
0xab: {  	[tilespmem:s0+$0x40] =	vst v1  }
0xac: {  	[tilespmem:s0+$0x50] =	vst v1  }
0xad: {  	[tilespmem:s0+$0x60] =	vst v1  }
0xae: {  	[tilespmem:s0+$0x70] =	vst v1  }
0xaf: {  	[tilespmem:s0+$0x400] =	vst v1  }
0xb0: {  	[tilespmem:s0+$0x410] =	vst v1  }
0xb1: {  	[tilespmem:s0+$0x420] =	vst v1  }
0xb2: {  	[tilespmem:s0+$0x430] =	vst v1  }
0xb3: {  	[tilespmem:s0+$0x440] =	vst v1  }
0xb4: {  	[tilespmem:s0+$0x450] =	vst v1  }
0xb5: {  	[tilespmem:s0+$0x460] =	vst v1  }
0xb6: {  	[tilespmem:s0+$0x470] =	vst v1  }
0xb7: {  	[tilespmem:s0+$0x800] =	vst v1  }
0xb8: {  	[tilespmem:s0+$0x810] =	vst v1  }
0xb9: {  	[tilespmem:s0+$0x820] =	vst v1  }
0xba: {  	[tilespmem:s0+$0x830] =	vst v1  }
0xbb: {  	[tilespmem:s0+$0x840] =	vst v1  }
0xbc: {  	[tilespmem:s0+$0x850] =	vst v1  }
0xbd: {  	[tilespmem:s0+$0x860] =	vst v1  }
0xbe: {  	[tilespmem:s0+$0x870] =	vst v1  }
0xbf: {  	[tilespmem:s0+$0xC00] =	vst v1  }
0xc0: {  	[tilespmem:s0+$0xC10] =	vst v1  }
.Ltmp6:
0xc1: {  	[tilespmem:s0+$0xC20] =	vst v1;
	(pc) =	sbr.rel @p1 .LBB2_10-.Ltmp6, $4  }
0xc2: {  	[tilespmem:s0+$0xC30] =	vst v1  }
0xc3: {  	[tilespmem:s0+$0xC40] =	vst v1  }
0xc4: {  	s3 =	sadd.s32 $0x80, s3;
	[tilespmem:s0+$0xC50] =	vst v1  }
0xc5: {  	s12 =	sand.u32 $0x7000, s11;
	s22 =	sand.u32 $0x380, s3;
	s11 =	sadd.s32 $0x200, s11;
	[tilespmem:s0+$0xC60] =	vst v1  }
0xc6: {  	s3 =	sor.u32 s22, s12;
	[tilespmem:s0+$0xC70] =	vst v1  }
0xc7: {  	s31 =	sadd.s32 $0x16180, s3;
	[tilespmem:s3+$0x16180] =	vst v1  }
0xc8: {  	[tilespmem:s31+$0x10] =	vst v1  }
0xc9: {  	[tilespmem:s31+$0x20] =	vst v1  }
0xca: {  	[tilespmem:s31+$0x30] =	vst v1  }
0xcb: {  	[tilespmem:s31+$0x40] =	vst v1  }
0xcc: {  	[tilespmem:s31+$0x50] =	vst v1  }
0xcd: {  	[tilespmem:s31+$0x60] =	vst v1  }
0xce: {  	[tilespmem:s31+$0x70] =	vst v1  }
0xcf: {  	[tilespmem:s31+$0x400] =	vst v1  }
0xd0: {  	[tilespmem:s31+$0x410] =	vst v1  }
0xd1: {  	[tilespmem:s31+$0x420] =	vst v1  }
0xd2: {  	[tilespmem:s31+$0x430] =	vst v1  }
0xd3: {  	[tilespmem:s31+$0x440] =	vst v1  }
0xd4: {  	[tilespmem:s31+$0x450] =	vst v1  }
0xd5: {  	[tilespmem:s31+$0x460] =	vst v1  }
0xd6: {  	[tilespmem:s31+$0x470] =	vst v1  }
0xd7: {  	[tilespmem:s31+$0x800] =	vst v1  }
0xd8: {  	[tilespmem:s31+$0x810] =	vst v1  }
0xd9: {  	[tilespmem:s31+$0x820] =	vst v1  }
0xda: {  	[tilespmem:s31+$0x830] =	vst v1  }
0xdb: {  	[tilespmem:s31+$0x840] =	vst v1  }
0xdc: {  	[tilespmem:s31+$0x850] =	vst v1  }
0xdd: {  	[tilespmem:s31+$0x860] =	vst v1  }
0xde: {  	[tilespmem:s31+$0x870] =	vst v1  }
0xdf: {  	[tilespmem:s31+$0xC00] =	vst v1  }
0xe0: {  	[tilespmem:s31+$0xC10] =	vst v1  }
0xe1: {  	p1 =	sge.s32 s13, s4;
	[tilespmem:s31+$0xC20] =	vst v1  }
.Ltmp7:
0xe2: {  	[tilespmem:s31+$0xC30] =	vst v1;
	(pc) =	sbr.rel @p1 .LBB2_13-.Ltmp7, $4  }
0xe3: {  	[tilespmem:s31+$0xC40] =	vst v1  }
0xe4: {  	[tilespmem:s31+$0xC50] =	vst v1  }
0xe5: {  	[tilespmem:s31+$0xC60] =	vst v1  }
0xe6: {  	[tilespmem:s31+$0xC70] =	vst v1  }
0xe7: {  	v6 =	vld [tilespmem:s13+$0x2080];
	_ =	sdelay $0x4  }
0xe8: {  	v7 =	vshll.u32 v6, $0x2  }
0xe9: {  	v6 =	vand.u32 $0x7, v6;
	v7 =	vand.u32 $0xFFFFFFE0, v7  }
0xea: {  	v6 =	vor.u32 v6, v7  }
0xeb: {  	v7 =	vperm.xlane v6, v3;
	_ =	sdelay $0x1  }
0xec: {  	v7 =	vadd.s32 v4, v7;
	_ =	sdelay $0x1  }
0xed: {  	v6 =	vperm.xlane v6, v5;
	_ =	sdelay $0x1  }
0xee: {  	s0 =	simm.s32 $0x6180;
	v6 =	vadd.s32 v4, v6  }
0xef: {  	[tilespmem:s0], [sflag:$0x1] =	stream.indirect_vreg.gather [hbm4b:s1+s5], $0x80, v7, vm1, $0xb8;
	[tilespmem:$0x1E180] =	vst v63  }
0xf0: {  	s24 =	simm.s32 $0x6980  }
0xf1: {  	[tilespmem:s24], [sflag:$0x1] =	stream.indirect_vreg.gather [hbm4b:s14+s5], $0x80, v7, vm1, $0xb8;
	[tilespmem:$0x1E180] =	vst v63  }
0xf2: {  	s28 =	simm.s32 $0x7180  }
0xf3: {  	[tilespmem:s28], [sflag:$0x1] =	stream.indirect_vreg.gather [hbm4b:s1+s5], $0x80, v6, vm1, $0xb8;
	[tilespmem:$0x1E180] =	vst v63  }
0xf4: {  	s29 =	simm.s32 $0x7980  }
0xf5: {  	[tilespmem:s29], [sflag:$0x1] =	stream.indirect_vreg.gather [hbm4b:s14+s5], $0x80, v6, vm1, $0xb8;
	[tilespmem:$0x1E180] =	vst v63  }
0xf6: {  	v6 =	vld [tilespmem:s13+$0x2090];
	_ =	sdelay $0x4  }
0xf7: {  	v7 =	vshll.u32 v6, $0x2  }
0xf8: {  	v6 =	vand.u32 $0x7, v6;
	v7 =	vand.u32 $0xFFFFFFE0, v7  }
0xf9: {  	v6 =	vor.u32 v6, v7  }
0xfa: {  	v7 =	vperm.xlane v6, v3;
	_ =	sdelay $0x1  }
0xfb: {  	v7 =	vadd.s32 v4, v7;
	_ =	sdelay $0x1  }
0xfc: {  	v6 =	vperm.xlane v6, v5;
	_ =	sdelay $0x1  }
0xfd: {  	s30 =	simm.s32 $0x8180;
	v6 =	vadd.s32 v4, v6  }
0xfe: {  	[tilespmem:s30], [sflag:$0x1] =	stream.indirect_vreg.gather [hbm4b:s1+s5], $0x80, v7, vm1, $0xb8;
	[tilespmem:$0x1E180] =	vst v63  }
0xff: {  	s31 =	simm.s32 $0x8980  }
0x100: {  	[tilespmem:s31], [sflag:$0x1] =	stream.indirect_vreg.gather [hbm4b:s14+s5], $0x80, v7, vm1, $0xb8;
	[tilespmem:$0x1E180] =	vst v63  }
0x101: {  	s3 =	simm.s32 $0x9180  }
0x102: {  	[tilespmem:s3], [sflag:$0x1] =	stream.indirect_vreg.gather [hbm4b:s1+s5], $0x80, v6, vm1, $0xb8;
	[tilespmem:$0x1E180] =	vst v63  }
0x103: {  	s11 =	simm.s32 $0x9980  }
0x104: {  	[tilespmem:s11], [sflag:$0x1] =	stream.indirect_vreg.gather [hbm4b:s14+s5], $0x80, v6, vm1, $0xb8;
	[tilespmem:$0x1E180] =	vst v63  }
0x105: {  	v6 =	vld [tilespmem:s13+$0x20A0];
	_ =	sdelay $0x4  }
0x106: {  	v7 =	vshll.u32 v6, $0x2  }
0x107: {  	v6 =	vand.u32 $0x7, v6;
	v7 =	vand.u32 $0xFFFFFFE0, v7  }
0x108: {  	v6 =	vor.u32 v6, v7  }
0x109: {  	v7 =	vperm.xlane v6, v3;
	_ =	sdelay $0x1  }
0x10a: {  	v7 =	vadd.s32 v4, v7;
	_ =	sdelay $0x1  }
0x10b: {  	v6 =	vperm.xlane v6, v5;
	_ =	sdelay $0x1  }
0x10c: {  	s12 =	simm.s32 $0xA180;
	v6 =	vadd.s32 v4, v6  }
0x10d: {  	[tilespmem:s12], [sflag:$0x1] =	stream.indirect_vreg.gather [hbm4b:s1+s5], $0x80, v7, vm1, $0xb8;
	[tilespmem:$0x1E180] =	vst v63  }
0x10e: {  	s22 =	simm.s32 $0xA980  }
0x10f: {  	[tilespmem:s22], [sflag:$0x1] =	stream.indirect_vreg.gather [hbm4b:s14+s5], $0x80, v7, vm1, $0xb8;
	[tilespmem:$0x1E180] =	vst v63  }
0x110: {  	s23 =	simm.s32 $0xB180  }
0x111: {  	[tilespmem:s23], [sflag:$0x1] =	stream.indirect_vreg.gather [hbm4b:s1+s5], $0x80, v6, vm1, $0xb8;
	[tilespmem:$0x1E180] =	vst v63  }
0x112: {  	s24 =	simm.s32 $0xB980  }
0x113: {  	[tilespmem:s24], [sflag:$0x1] =	stream.indirect_vreg.gather [hbm4b:s14+s5], $0x80, v6, vm1, $0xb8;
	[tilespmem:$0x1E180] =	vst v63  }
0x114: {  	v6 =	vld [tilespmem:s13+$0x20B0];
	_ =	sdelay $0x4  }
0x115: {  	v7 =	vshll.u32 v6, $0x2  }
0x116: {  	v6 =	vand.u32 $0x7, v6;
	v7 =	vand.u32 $0xFFFFFFE0, v7  }
0x117: {  	v6 =	vor.u32 v6, v7  }
0x118: {  	v7 =	vperm.xlane v6, v3;
	_ =	sdelay $0x1  }
0x119: {  	v7 =	vadd.s32 v4, v7;
	_ =	sdelay $0x1  }
0x11a: {  	v6 =	vperm.xlane v6, v5;
	_ =	sdelay $0x1  }
0x11b: {  	s28 =	simm.s32 $0xC180;
	v6 =	vadd.s32 v4, v6  }
0x11c: {  	[tilespmem:s28], [sflag:$0x1] =	stream.indirect_vreg.gather [hbm4b:s1+s5], $0x80, v7, vm1, $0xb8;
	[tilespmem:$0x1E180] =	vst v63  }
0x11d: {  	s29 =	simm.s32 $0xC980  }
0x11e: {  	[tilespmem:s29], [sflag:$0x1] =	stream.indirect_vreg.gather [hbm4b:s14+s5], $0x80, v7, vm1, $0xb8;
	[tilespmem:$0x1E180] =	vst v63  }
0x11f: {  	s30 =	simm.s32 $0xD180  }
0x120: {  	[tilespmem:s30], [sflag:$0x1] =	stream.indirect_vreg.gather [hbm4b:s1+s5], $0x80, v6, vm1, $0xb8;
	[tilespmem:$0x1E180] =	vst v63  }
0x121: {  	s31 =	simm.s32 $0xD980  }
0x122: {  	[tilespmem:s31], [sflag:$0x1] =	stream.indirect_vreg.gather [hbm4b:s14+s5], $0x80, v6, vm1, $0xb8;
	[tilespmem:$0x1E180] =	vst v63  }
.LBB2_13:
0x123: {  	p1 =	sge.s32 s15, s4  }
.Ltmp8:
0x124: {  	_ = 	snop;
	(pc) =	sbr.rel @p1 .LBB2_15-.Ltmp8, $1  }
0x125: {  	_ =	sdelay $0x3  }
0x126: {  	v6 =	vld [tilespmem:s15+$0x2080];
	_ =	sdelay $0x4  }
0x127: {  	v7 =	vshll.u32 v6, $0x2  }
0x128: {  	v6 =	vand.u32 $0x7, v6;
	v7 =	vand.u32 $0xFFFFFFE0, v7  }
0x129: {  	v6 =	vor.u32 v6, v7  }
0x12a: {  	v7 =	vperm.xlane v6, v3;
	_ =	sdelay $0x1  }
0x12b: {  	v7 =	vadd.s32 v4, v7;
	_ =	sdelay $0x1  }
0x12c: {  	v6 =	vperm.xlane v6, v5;
	_ =	sdelay $0x1  }
0x12d: {  	s0 =	simm.s32 $0xE180;
	v6 =	vadd.s32 v4, v6  }
0x12e: {  	[tilespmem:s0], [sflag:$0x2] =	stream.indirect_vreg.gather [hbm4b:s1+s5], $0x80, v7, vm1, $0xb8;
	[tilespmem:$0x1E180] =	vst v63  }
0x12f: {  	s3 =	simm.s32 $0xE980  }
0x130: {  	[tilespmem:s3], [sflag:$0x2] =	stream.indirect_vreg.gather [hbm4b:s14+s5], $0x80, v7, vm1, $0xb8;
	[tilespmem:$0x1E180] =	vst v63  }
0x131: {  	s11 =	simm.s32 $0xF180  }
0x132: {  	[tilespmem:s11], [sflag:$0x2] =	stream.indirect_vreg.gather [hbm4b:s1+s5], $0x80, v6, vm1, $0xb8;
	[tilespmem:$0x1E180] =	vst v63  }
0x133: {  	s12 =	simm.s32 $0xF980  }
0x134: {  	[tilespmem:s12], [sflag:$0x2] =	stream.indirect_vreg.gather [hbm4b:s14+s5], $0x80, v6, vm1, $0xb8;
	[tilespmem:$0x1E180] =	vst v63  }
0x135: {  	v6 =	vld [tilespmem:s15+$0x2090];
	_ =	sdelay $0x4  }
0x136: {  	v7 =	vshll.u32 v6, $0x2  }
0x137: {  	v6 =	vand.u32 $0x7, v6;
	v7 =	vand.u32 $0xFFFFFFE0, v7  }
0x138: {  	v6 =	vor.u32 v6, v7  }
0x139: {  	v7 =	vperm.xlane v6, v3;
	_ =	sdelay $0x1  }
0x13a: {  	v7 =	vadd.s32 v4, v7;
	_ =	sdelay $0x1  }
0x13b: {  	v6 =	vperm.xlane v6, v5;
	_ =	sdelay $0x1  }
0x13c: {  	s22 =	simm.s32 $0x10180;
	v6 =	vadd.s32 v4, v6  }
0x13d: {  	[tilespmem:s22], [sflag:$0x2] =	stream.indirect_vreg.gather [hbm4b:s1+s5], $0x80, v7, vm1, $0xb8;
	[tilespmem:$0x1E180] =	vst v63  }
0x13e: {  	s23 =	simm.s32 $0x10980  }
0x13f: {  	[tilespmem:s23], [sflag:$0x2] =	stream.indirect_vreg.gather [hbm4b:s14+s5], $0x80, v7, vm1, $0xb8;
	[tilespmem:$0x1E180] =	vst v63  }
0x140: {  	s24 =	simm.s32 $0x11180  }
0x141: {  	[tilespmem:s24], [sflag:$0x2] =	stream.indirect_vreg.gather [hbm4b:s1+s5], $0x80, v6, vm1, $0xb8;
	[tilespmem:$0x1E180] =	vst v63  }
0x142: {  	s28 =	simm.s32 $0x11980  }
0x143: {  	[tilespmem:s28], [sflag:$0x2] =	stream.indirect_vreg.gather [hbm4b:s14+s5], $0x80, v6, vm1, $0xb8;
	[tilespmem:$0x1E180] =	vst v63  }
0x144: {  	v6 =	vld [tilespmem:s15+$0x20A0];
	_ =	sdelay $0x4  }
0x145: {  	v7 =	vshll.u32 v6, $0x2  }
0x146: {  	v6 =	vand.u32 $0x7, v6;
	v7 =	vand.u32 $0xFFFFFFE0, v7  }
0x147: {  	v6 =	vor.u32 v6, v7  }
0x148: {  	v7 =	vperm.xlane v6, v3;
	_ =	sdelay $0x1  }
0x149: {  	v7 =	vadd.s32 v4, v7;
	_ =	sdelay $0x1  }
0x14a: {  	v6 =	vperm.xlane v6, v5;
	_ =	sdelay $0x1  }
0x14b: {  	s29 =	simm.s32 $0x12180;
	v6 =	vadd.s32 v4, v6  }
0x14c: {  	[tilespmem:s29], [sflag:$0x2] =	stream.indirect_vreg.gather [hbm4b:s1+s5], $0x80, v7, vm1, $0xb8;
	[tilespmem:$0x1E180] =	vst v63  }
0x14d: {  	s30 =	simm.s32 $0x12980  }
0x14e: {  	[tilespmem:s30], [sflag:$0x2] =	stream.indirect_vreg.gather [hbm4b:s14+s5], $0x80, v7, vm1, $0xb8;
	[tilespmem:$0x1E180] =	vst v63  }
0x14f: {  	s31 =	simm.s32 $0x13180  }
0x150: {  	[tilespmem:s31], [sflag:$0x2] =	stream.indirect_vreg.gather [hbm4b:s1+s5], $0x80, v6, vm1, $0xb8;
	[tilespmem:$0x1E180] =	vst v63  }
0x151: {  	_ = 	snop  }
0x152: {  	[tilespmem:s8], [sflag:$0x2] =	stream.indirect_vreg.gather [hbm4b:s14+s5], $0x80, v6, vm1, $0xb8;
	[tilespmem:$0x1E180] =	vst v63  }
0x153: {  	v6 =	vld [tilespmem:s15+$0x20B0];
	_ =	sdelay $0x4  }
0x154: {  	v7 =	vshll.u32 v6, $0x2  }
0x155: {  	v6 =	vand.u32 $0x7, v6;
	v7 =	vand.u32 $0xFFFFFFE0, v7  }
0x156: {  	v6 =	vor.u32 v6, v7  }
0x157: {  	v7 =	vperm.xlane v6, v3;
	_ =	sdelay $0x1  }
0x158: {  	v7 =	vadd.s32 v4, v7;
	_ =	sdelay $0x1  }
0x159: {  	v6 =	vperm.xlane v6, v5;
	_ =	sdelay $0x1  }
0x15a: {  	v6 =	vadd.s32 v4, v6  }
0x15b: {  	[tilespmem:s9], [sflag:$0x2] =	stream.indirect_vreg.gather [hbm4b:s1+s5], $0x80, v7, vm1, $0xb8;
	[tilespmem:$0x1E180] =	vst v63  }
0x15c: {  	_ = 	snop  }
0x15d: {  	[tilespmem:s10], [sflag:$0x2] =	stream.indirect_vreg.gather [hbm4b:s14+s5], $0x80, v7, vm1, $0xb8;
	[tilespmem:$0x1E180] =	vst v63  }
0x15e: {  	_ = 	snop  }
0x15f: {  	[tilespmem:s18], [sflag:$0x2] =	stream.indirect_vreg.gather [hbm4b:s1+s5], $0x80, v6, vm1, $0xb8;
	[tilespmem:$0x1E180] =	vst v63  }
0x160: {  	_ = 	snop  }
0x161: {  	[tilespmem:s19], [sflag:$0x2] =	stream.indirect_vreg.gather [hbm4b:s14+s5], $0x80, v6, vm1, $0xb8;
	[tilespmem:$0x1E180] =	vst v63  }
.LBB2_15:
.Ltmp9:
0x162: {  	(pc) =	sbr.rel .LBB2_16-.Ltmp9, $3  }
0x163: {  	_ =	sdelay $0x1  }
0x164: {  	s23 =	rddreg [dreg:$0xf]  }
0x165: {  	s22 =	simm.s32 $0x0;
	s11 =	rddreg [dreg:$0xe]  }
.LBB2_28:
0x166: {  	s22 =	sadd.s32 $0x1, s22  }
0x167: {  	p1 =	sne.s32 s22, $0x8  }
.Ltmp10:
0x168: {  	_ = 	snop;
	(pc) =	sbr.rel @!p1 .LBB2_29-.Ltmp10, $2  }
0x169: {  	_ =	sdelay $0x2  }
0x16a: {  	s11 =	sadd.s32 $0x200, s11;
	s23 =	sadd.s32 $0x200, s23  }
.LBB2_16:
0x16b: {  	s31 =	sshll.u32 s22, $0x9  }
0x16c: {  	s3 =	sor.u32 s13, s31  }
0x16d: {  	p1 =	sge.s32 s3, s4  }
.Ltmp11:
0x16e: {  	_ = 	snop;
	(pc) =	sbr.rel @p1 .LBB2_20-.Ltmp11, $2  }
0x16f: {  	_ =	sdelay $0x2  }
0x170: {  	s0 =	simm.s32 $0x16180  }
0x171: {  	_ =	swait.ge [sflag:s7], $0x8000;
	s28 =	simm.s32 $0x0  }
0x172: {  	[sflag:s7] =	ssyncset.done $0x0;
	s0 =	sand.u32 $0x7000, s28;
	s12 =	sand.u32 $0x380, s28  }
0x173: {  	[sflag:s7] =	ssyncadd.s32 $0xFFFF8000;
	s0 =	sor.u32 s12, s0  }
0x174: {  	v7 =	vld [tilespmem:s0+$0x6DA0]  }
0x175: {  	v10 =	vld [tilespmem:s0+$0x6DB0]  }
0x176: {  	v9 =	vld [tilespmem:s0+$0x69D0]  }
0x177: {  	v6 =	vld.msk [tilespmem:s11+$0x0 ss:$0x0], $0xffff  }
0x178: {  	v8 =	vld [tilespmem:s0+$0x6DD0]  }
0x179: {  	v11 =	vld [tilespmem:s0+$0x6D90]  }
0x17a: {  	s29 =	simm.s32 $0x200;
	s30 =	smov.u32 s11;
	v12 =	vld [tilespmem:s0+$0x61A0]  }
.LBB2_18:
0x17b: {  	p1 =	sne.s32 s29, $0x7E00;
	v13 =	vld [tilespmem:s0+$0x6D80];
	s28 =	sadd.s32 $0x80, s28;
	s30 =	sadd.s32 $0x1, s30  }
0x17c: {  	s12 =	smov.u32 s29;
	s29 =	sadd.s32 $0x200, s29;
	v14 =	vld [tilespmem:s0+$0x69F0]  }
0x17d: {  	v9 =	vmul.f32 v9, v6;
	v10 =	vmul.f32 v10, v6;
	v15 =	vld [tilespmem:s0+$0x69E0]  }
0x17e: {  	v8 =	vmul.f32 v8, v6;
	v16 =	vld [tilespmem:s0+$0x69B0];
	v11 =	vmul.f32 v11, v6  }
0x17f: {  	v12 =	vmul.f32 v12, v6;
	v17 =	vld [tilespmem:s0+$0x69A0];
	[tilespmem:s0+$0x6DB0] =	vst v10  }
0x180: {  	v10 =	vld [tilespmem:s0+$0x6990];
	v13 =	vmul.f32 v13, v6;
	[tilespmem:s0+$0x6D90] =	vst v11  }
0x181: {  	[tilespmem:s0+$0x61A0] =	vst v12;
	v11 =	vld [tilespmem:s0+$0x6980];
	v12 =	vmul.f32 v14, v6  }
0x182: {  	v14 =	vld [tilespmem:s0+$0x65F0];
	v15 =	vmul.f32 v15, v6;
	[tilespmem:s0+$0x6D80] =	vst v13  }
0x183: {  	v13 =	vld [tilespmem:s0+$0x65D0];
	v16 =	vmul.f32 v16, v6;
	[tilespmem:s0+$0x69F0] =	vst v12  }
0x184: {  	v12 =	vld [tilespmem:s0+$0x65E0];
	v17 =	vmul.f32 v17, v6;
	[tilespmem:s0+$0x69E0] =	vst v15  }
0x185: {  	v15 =	vld [tilespmem:s0+$0x65C0];
	v10 =	vmul.f32 v10, v6;
	[tilespmem:s0+$0x69B0] =	vst v16  }
0x186: {  	v16 =	vld [tilespmem:s0+$0x6580];
	v11 =	vmul.f32 v11, v6;
	[tilespmem:s0+$0x69A0] =	vst v17  }
0x187: {  	v17 =	vld [tilespmem:s0+$0x65B0];
	v14 =	vmul.f32 v14, v6;
	[tilespmem:s0+$0x6990] =	vst v10  }
0x188: {  	v10 =	vld [tilespmem:s0+$0x65A0];
	v13 =	vmul.f32 v13, v6;
	[tilespmem:s0+$0x6980] =	vst v11  }
0x189: {  	v11 =	vld [tilespmem:s0+$0x6590];
	v12 =	vmul.f32 v12, v6;
	[tilespmem:s0+$0x65F0] =	vst v14  }
0x18a: {  	v14 =	vld [tilespmem:s0+$0x61F0];
	v15 =	vmul.f32 v15, v6;
	[tilespmem:s0+$0x65D0] =	vst v13  }
0x18b: {  	v13 =	vmul.f32 v16, v6;
	[tilespmem:s0+$0x65E0] =	vst v12;
	v12 =	vld [tilespmem:s0+$0x6DE0]  }
0x18c: {  	v16 =	vmul.f32 v17, v6;
	[tilespmem:s0+$0x65C0] =	vst v15;
	v15 =	vld [tilespmem:s0+$0x6DC0]  }
0x18d: {  	v17 =	vld [tilespmem:s0+$0x61E0];
	[tilespmem:s0+$0x6580] =	vst v13;
	v10 =	vmul.f32 v10, v6  }
0x18e: {  	v13 =	vld [tilespmem:s0+$0x6180];
	v11 =	vmul.f32 v11, v6;
	[tilespmem:s0+$0x65B0] =	vst v16  }
0x18f: {  	v16 =	vld [tilespmem:s0+$0x6190];
	v14 =	vmul.f32 v14, v6;
	[tilespmem:s0+$0x65A0] =	vst v10  }
0x190: {  	v10 =	vld [tilespmem:s0+$0x61C0];
	[tilespmem:s0+$0x6590] =	vst v11;
	v11 =	vmul.f32 v12, v6  }
0x191: {  	v7 =	vmul.f32 v7, v6;
	v12 =	vld [tilespmem:s0+$0x61B0];
	[tilespmem:s0+$0x61F0] =	vst v14  }
0x192: {  	v14 =	vld [tilespmem:s0+$0x69C0];
	[tilespmem:s0+$0x6DE0] =	vst v11  }
0x193: {  	v17 =	vmul.f32 v17, v6;
	v11 =	vld [tilespmem:s0+$0x61D0];
	[tilespmem:s0+$0x69D0] =	vst v9  }
0x194: {  	v9 =	vmul.f32 v6, v13;
	[tilespmem:s0+$0x6DA0] =	vst v7;
	v7 =	vmul.f32 v15, v6;
	v13 =	vld [tilespmem:s0+$0x6DF0]  }
0x195: {  	[tilespmem:s0+$0x61E0] =	vst v17  }
0x196: {  	v15 =	vmul.f32 v16, v6;
	v12 =	vmul.f32 v12, v6;
	[tilespmem:s0+$0x6DC0] =	vst v7  }
0x197: {  	v7 =	vmul.f32 v10, v6;
	v10 =	vmul.f32 v14, v6;
	[tilespmem:s0+$0x6DD0] =	vst v8  }
0x198: {  	[tilespmem:s0+$0x6180] =	vst v9;
	v8 =	vmul.f32 v11, v6  }
0x199: {  	[tilespmem:s0+$0x69C0] =	vst v10;
	v6 =	vmul.f32 v13, v6  }
0x19a: {  	s12 =	sand.u32 $0x7000, s12;
	s24 =	sand.u32 $0x380, s28;
	[tilespmem:s0+$0x61B0] =	vst v12  }
0x19b: {  	s12 =	sor.u32 s24, s12;
	[tilespmem:s0+$0x61C0] =	vst v7  }
0x19c: {  	v7 =	vld [tilespmem:s12+$0x6DA0];
	[tilespmem:s0+$0x6DF0] =	vst v6  }
0x19d: {  	v10 =	vld [tilespmem:s12+$0x6DB0];
	[tilespmem:s0+$0x61D0] =	vst v8  }
.Ltmp12:
0x19e: {  	v9 =	vld [tilespmem:s12+$0x69D0];
	[tilespmem:s0+$0x6190] =	vst v15;
	s0 =	smov.u32 s12;
	(pc) =	sbr.rel @p1 .LBB2_18-.Ltmp12, $4  }
0x19f: {  	v6 =	vld.msk [tilespmem:s30+$0x0 ss:$0x0], $0xffff  }
0x1a0: {  	v8 =	vld [tilespmem:s0+$0x6DD0]  }
0x1a1: {  	v11 =	vld [tilespmem:s0+$0x6D90]  }
0x1a2: {  	v12 =	vld [tilespmem:s0+$0x61A0]  }
0x1a3: {  	_ = 	snop  }
0x1a4: {  	v10 =	vmul.f32 v10, v6  }
0x1a5: {  	v13 =	vld [tilespmem:s0+$0x6D80];
	v9 =	vmul.f32 v9, v6  }
0x1a6: {  	v14 =	vld [tilespmem:s0+$0x69F0];
	v7 =	vmul.f32 v7, v6;
	[tilespmem:s0+$0x6DB0] =	vst v10  }
0x1a7: {  	v15 =	vld [tilespmem:s0+$0x69E0];
	v8 =	vmul.f32 v8, v6;
	[tilespmem:s0+$0x69D0] =	vst v9  }
0x1a8: {  	v16 =	vld [tilespmem:s0+$0x69B0];
	v11 =	vmul.f32 v11, v6;
	[tilespmem:s0+$0x6DA0] =	vst v7  }
0x1a9: {  	v17 =	vld [tilespmem:s0+$0x69A0];
	v12 =	vmul.f32 v12, v6;
	[tilespmem:s0+$0x6DD0] =	vst v8  }
0x1aa: {  	v36 =	vld [tilespmem:s0+$0x6990];
	v13 =	vmul.f32 v13, v6;
	[tilespmem:s0+$0x6D90] =	vst v11  }
0x1ab: {  	v37 =	vld [tilespmem:s0+$0x6980];
	v38 =	vmul.f32 v14, v6;
	[tilespmem:s0+$0x61A0] =	vst v12  }
0x1ac: {  	v39 =	vld [tilespmem:s0+$0x65F0];
	v15 =	vmul.f32 v15, v6;
	[tilespmem:s0+$0x6D80] =	vst v13  }
0x1ad: {  	v43 =	vld [tilespmem:s0+$0x6580];
	v16 =	vmul.f32 v16, v6;
	[tilespmem:s0+$0x69F0] =	vst v38  }
0x1ae: {  	v44 =	vld [tilespmem:s0+$0x65B0];
	v17 =	vmul.f32 v17, v6;
	[tilespmem:s0+$0x69E0] =	vst v15  }
0x1af: {  	v49 =	vld [tilespmem:s0+$0x6DE0];
	v10 =	vmul.f32 v36, v6;
	[tilespmem:s0+$0x69B0] =	vst v16  }
0x1b0: {  	v52 =	vld [tilespmem:s0+$0x6DC0];
	v11 =	vmul.f32 v37, v6;
	[tilespmem:s0+$0x69A0] =	vst v17  }
0x1b1: {  	v56 =	vld [tilespmem:s0+$0x69C0];
	v14 =	vmul.f32 v39, v6;
	[tilespmem:s0+$0x6990] =	vst v10  }
0x1b2: {  	v57 =	vld [tilespmem:s0+$0x61B0];
	v48 =	vmul.f32 v43, v6;
	[tilespmem:s0+$0x6980] =	vst v11  }
0x1b3: {  	v59 =	vld [tilespmem:s0+$0x6DF0];
	v50 =	vmul.f32 v44, v6;
	[tilespmem:s0+$0x65F0] =	vst v14  }
0x1b4: {  	v58 =	vld [tilespmem:s0+$0x61D0];
	v54 =	vmul.f32 v49, v6;
	[tilespmem:s0+$0x6580] =	vst v48  }
0x1b5: {  	v41 =	vld [tilespmem:s0+$0x65E0];
	v7 =	vmul.f32 v52, v6;
	[tilespmem:s0+$0x65B0] =	vst v50  }
0x1b6: {  	v40 =	vld [tilespmem:s0+$0x65D0];
	v60 =	vmul.f32 v56, v6;
	[tilespmem:s0+$0x6DE0] =	vst v54  }
0x1b7: {  	v42 =	vld [tilespmem:s0+$0x65C0];
	v61 =	vmul.f32 v57, v6;
	[tilespmem:s0+$0x6DC0] =	vst v7  }
0x1b8: {  	v45 =	vld [tilespmem:s0+$0x65A0];
	v62 =	vmul.f32 v59, v6;
	[tilespmem:s0+$0x69C0] =	vst v60  }
0x1b9: {  	v46 =	vld [tilespmem:s0+$0x6590];
	v63 =	vmul.f32 v58, v6;
	[tilespmem:s0+$0x61B0] =	vst v61  }
0x1ba: {  	v47 =	vld [tilespmem:s0+$0x61F0];
	v12 =	vmul.f32 v41, v6;
	[tilespmem:s0+$0x6DF0] =	vst v62  }
0x1bb: {  	v55 =	vld [tilespmem:s0+$0x6180];
	v13 =	vmul.f32 v40, v6;
	[tilespmem:s0+$0x61D0] =	vst v63  }
0x1bc: {  	v51 =	vld [tilespmem:s0+$0x61E0];
	v15 =	vmul.f32 v42, v6;
	[tilespmem:s0+$0x65E0] =	vst v12  }
0x1bd: {  	v53 =	vld [tilespmem:s0+$0x61C0];
	v10 =	vmul.f32 v45, v6;
	[tilespmem:s0+$0x65D0] =	vst v13  }
0x1be: {  	v11 =	vmul.f32 v46, v6;
	v7 =	vld [tilespmem:s0+$0x6190];
	[tilespmem:s0+$0x65C0] =	vst v15  }
0x1bf: {  	v14 =	vmul.f32 v47, v6;
	[tilespmem:s0+$0x65A0] =	vst v10  }
0x1c0: {  	v12 =	vmul.f32 v6, v55;
	[tilespmem:s0+$0x6590] =	vst v11  }
0x1c1: {  	[tilespmem:s0+$0x61F0] =	vst v14;
	v13 =	vmul.f32 v51, v6  }
0x1c2: {  	v10 =	vmul.f32 v53, v6;
	[tilespmem:s0+$0x6180] =	vst v12  }
0x1c3: {  	[tilespmem:s0+$0x61E0] =	vst v13;
	v6 =	vmul.f32 v7, v6  }
0x1c4: {  	[tilespmem:s0+$0x61C0] =	vst v10  }
0x1c5: {  	[tilespmem:s0+$0x6190] =	vst v6;
	s0 =	simm.s32 $0x6180  }
.LBB2_20:
0x1c6: {  	s3 =	sor.u32 s6, s3  }
0x1c7: {  	s3 =	sshll.u32 s3, $0x6  }
0x1c8: {  	s3 =	sadd.s32 s2, s3  }
0x1c9: {  	[hbm4b:s3+s5] =	stream.linear.scatter [tilespmem:s0], [sflag:$0x3], $0x8000, $0x38;
	[tilespmem:$0x1E180] =	vst v63  }
0x1ca: {  	p1 =	seq.s32 s22, $0x7;
	s0 =	sadd.s32 s16, s31  }
0x1cb: {  	p2 =	sge.s32 @!p1 s0, s4  }
0x1cc: {  	p2 =	por p1, p2  }
.Ltmp13:
0x1cd: {  	_ = 	snop;
	(pc) =	sbr.rel @p2 .LBB2_22-.Ltmp13, $4  }
0x1ce: {  	_ = 	snop  }
0x1cf: {  	_ =	swait.ge [sflag:s21], $0x8000  }
0x1d0: {  	[sflag:s21] =	ssyncset.done $0x0  }
0x1d1: {  	[sflag:s21] =	ssyncadd.s32 $0xFFFF8000  }
0x1d2: {  	v6 =	vld [tilespmem:s0+$0x2080];
	_ =	sdelay $0x4  }
0x1d3: {  	v7 =	vshll.u32 v6, $0x2  }
0x1d4: {  	v6 =	vand.u32 $0x7, v6;
	v7 =	vand.u32 $0xFFFFFFE0, v7  }
0x1d5: {  	v6 =	vor.u32 v6, v7  }
0x1d6: {  	v7 =	vperm.xlane v6, v3;
	_ =	sdelay $0x1  }
0x1d7: {  	v7 =	vadd.s32 v4, v7;
	_ =	sdelay $0x1  }
0x1d8: {  	v6 =	vperm.xlane v6, v5;
	_ =	sdelay $0x1  }
0x1d9: {  	s3 =	simm.s32 $0x6180;
	v6 =	vadd.s32 v4, v6  }
0x1da: {  	[tilespmem:s3], [sflag:$0x1] =	stream.indirect_vreg.gather [hbm4b:s1+s5], $0x80, v7, vm1, $0xb8;
	[tilespmem:$0x1E180] =	vst v63  }
0x1db: {  	s12 =	simm.s32 $0x6980  }
0x1dc: {  	[tilespmem:s12], [sflag:$0x1] =	stream.indirect_vreg.gather [hbm4b:s14+s5], $0x80, v7, vm1, $0xb8;
	[tilespmem:$0x1E180] =	vst v63  }
0x1dd: {  	s24 =	simm.s32 $0x7180  }
0x1de: {  	[tilespmem:s24], [sflag:$0x1] =	stream.indirect_vreg.gather [hbm4b:s1+s5], $0x80, v6, vm1, $0xb8;
	[tilespmem:$0x1E180] =	vst v63  }
0x1df: {  	s28 =	simm.s32 $0x7980  }
0x1e0: {  	[tilespmem:s28], [sflag:$0x1] =	stream.indirect_vreg.gather [hbm4b:s14+s5], $0x80, v6, vm1, $0xb8;
	[tilespmem:$0x1E180] =	vst v63  }
0x1e1: {  	v6 =	vld [tilespmem:s0+$0x2090];
	_ =	sdelay $0x4  }
0x1e2: {  	v7 =	vshll.u32 v6, $0x2  }
0x1e3: {  	v6 =	vand.u32 $0x7, v6;
	v7 =	vand.u32 $0xFFFFFFE0, v7  }
0x1e4: {  	v6 =	vor.u32 v6, v7  }
0x1e5: {  	v7 =	vperm.xlane v6, v3;
	_ =	sdelay $0x1  }
0x1e6: {  	v7 =	vadd.s32 v4, v7;
	_ =	sdelay $0x1  }
0x1e7: {  	v6 =	vperm.xlane v6, v5;
	_ =	sdelay $0x1  }
0x1e8: {  	s29 =	simm.s32 $0x8180;
	v6 =	vadd.s32 v4, v6  }
0x1e9: {  	[tilespmem:s29], [sflag:$0x1] =	stream.indirect_vreg.gather [hbm4b:s1+s5], $0x80, v7, vm1, $0xb8;
	[tilespmem:$0x1E180] =	vst v63  }
0x1ea: {  	s30 =	simm.s32 $0x8980  }
0x1eb: {  	[tilespmem:s30], [sflag:$0x1] =	stream.indirect_vreg.gather [hbm4b:s14+s5], $0x80, v7, vm1, $0xb8;
	[tilespmem:$0x1E180] =	vst v63  }
0x1ec: {  	s12 =	simm.s32 $0x9180  }
0x1ed: {  	[tilespmem:s12], [sflag:$0x1] =	stream.indirect_vreg.gather [hbm4b:s1+s5], $0x80, v6, vm1, $0xb8;
	[tilespmem:$0x1E180] =	vst v63  }
0x1ee: {  	s24 =	simm.s32 $0x9980  }
0x1ef: {  	[tilespmem:s24], [sflag:$0x1] =	stream.indirect_vreg.gather [hbm4b:s14+s5], $0x80, v6, vm1, $0xb8;
	[tilespmem:$0x1E180] =	vst v63  }
0x1f0: {  	v6 =	vld [tilespmem:s0+$0x20A0];
	_ =	sdelay $0x4  }
0x1f1: {  	v7 =	vshll.u32 v6, $0x2  }
0x1f2: {  	v6 =	vand.u32 $0x7, v6;
	v7 =	vand.u32 $0xFFFFFFE0, v7  }
0x1f3: {  	v6 =	vor.u32 v6, v7  }
0x1f4: {  	v7 =	vperm.xlane v6, v3;
	_ =	sdelay $0x1  }
0x1f5: {  	v7 =	vadd.s32 v4, v7;
	_ =	sdelay $0x1  }
0x1f6: {  	v6 =	vperm.xlane v6, v5;
	_ =	sdelay $0x1  }
0x1f7: {  	s28 =	simm.s32 $0xA180;
	v6 =	vadd.s32 v4, v6  }
0x1f8: {  	[tilespmem:s28], [sflag:$0x1] =	stream.indirect_vreg.gather [hbm4b:s1+s5], $0x80, v7, vm1, $0xb8;
	[tilespmem:$0x1E180] =	vst v63  }
0x1f9: {  	s29 =	simm.s32 $0xA980  }
0x1fa: {  	[tilespmem:s29], [sflag:$0x1] =	stream.indirect_vreg.gather [hbm4b:s14+s5], $0x80, v7, vm1, $0xb8;
	[tilespmem:$0x1E180] =	vst v63  }
0x1fb: {  	s30 =	simm.s32 $0xB180  }
0x1fc: {  	[tilespmem:s30], [sflag:$0x1] =	stream.indirect_vreg.gather [hbm4b:s1+s5], $0x80, v6, vm1, $0xb8;
	[tilespmem:$0x1E180] =	vst v63  }
0x1fd: {  	s12 =	simm.s32 $0xB980  }
0x1fe: {  	[tilespmem:s12], [sflag:$0x1] =	stream.indirect_vreg.gather [hbm4b:s14+s5], $0x80, v6, vm1, $0xb8;
	[tilespmem:$0x1E180] =	vst v63  }
0x1ff: {  	v6 =	vld [tilespmem:s0+$0x20B0];
	_ =	sdelay $0x4  }
0x200: {  	v7 =	vshll.u32 v6, $0x2  }
0x201: {  	v6 =	vand.u32 $0x7, v6;
	v7 =	vand.u32 $0xFFFFFFE0, v7  }
0x202: {  	v6 =	vor.u32 v6, v7  }
0x203: {  	v7 =	vperm.xlane v6, v3;
	_ =	sdelay $0x1  }
0x204: {  	v7 =	vadd.s32 v4, v7;
	_ =	sdelay $0x1  }
0x205: {  	v6 =	vperm.xlane v6, v5;
	_ =	sdelay $0x1  }
0x206: {  	s24 =	simm.s32 $0xC180;
	v6 =	vadd.s32 v4, v6  }
0x207: {  	[tilespmem:s24], [sflag:$0x1] =	stream.indirect_vreg.gather [hbm4b:s1+s5], $0x80, v7, vm1, $0xb8;
	[tilespmem:$0x1E180] =	vst v63  }
0x208: {  	s28 =	simm.s32 $0xC980  }
0x209: {  	[tilespmem:s28], [sflag:$0x1] =	stream.indirect_vreg.gather [hbm4b:s14+s5], $0x80, v7, vm1, $0xb8;
	[tilespmem:$0x1E180] =	vst v63  }
0x20a: {  	s29 =	simm.s32 $0xD180  }
0x20b: {  	[tilespmem:s29], [sflag:$0x1] =	stream.indirect_vreg.gather [hbm4b:s1+s5], $0x80, v6, vm1, $0xb8;
	[tilespmem:$0x1E180] =	vst v63  }
0x20c: {  	s30 =	simm.s32 $0xD980  }
0x20d: {  	[tilespmem:s30], [sflag:$0x1] =	stream.indirect_vreg.gather [hbm4b:s14+s5], $0x80, v6, vm1, $0xb8;
	[tilespmem:$0x1E180] =	vst v63  }
.LBB2_22:
0x20e: {  	s3 =	sor.u32 s15, s31  }
0x20f: {  	p2 =	sge.s32 s3, s4  }
.Ltmp14:
0x210: {  	_ = 	snop;
	(pc) =	sbr.rel @p2 .LBB2_26-.Ltmp14, $2  }
0x211: {  	_ =	sdelay $0x2  }
0x212: {  	s0 =	simm.s32 $0x16180  }
0x213: {  	_ =	swait.ge [sflag:s20], $0x8000;
	s28 =	simm.s32 $0x0  }
0x214: {  	[sflag:s20] =	ssyncset.done $0x0;
	s0 =	sand.u32 $0x7000, s28;
	s12 =	sand.u32 $0x380, s28  }
0x215: {  	[sflag:s20] =	ssyncadd.s32 $0xFFFF8000;
	s0 =	sor.u32 s12, s0  }
0x216: {  	v7 =	vld [tilespmem:s0+$0xEDA0]  }
0x217: {  	v10 =	vld [tilespmem:s0+$0xEDB0]  }
0x218: {  	v9 =	vld [tilespmem:s0+$0xE9D0]  }
0x219: {  	v6 =	vld.msk [tilespmem:s23+$0x0 ss:$0x0], $0xffff  }
0x21a: {  	v8 =	vld [tilespmem:s0+$0xEDD0]  }
0x21b: {  	v11 =	vld [tilespmem:s0+$0xED90]  }
0x21c: {  	s29 =	simm.s32 $0x200;
	s30 =	smov.u32 s23;
	v12 =	vld [tilespmem:s0+$0xE1A0]  }
.LBB2_24:
0x21d: {  	p2 =	sne.s32 s29, $0x7E00;
	v13 =	vld [tilespmem:s0+$0xED80];
	s28 =	sadd.s32 $0x80, s28;
	s30 =	sadd.s32 $0x1, s30  }
0x21e: {  	s12 =	smov.u32 s29;
	s29 =	sadd.s32 $0x200, s29;
	v14 =	vld [tilespmem:s0+$0xE9F0]  }
0x21f: {  	v9 =	vmul.f32 v9, v6;
	v10 =	vmul.f32 v10, v6;
	v15 =	vld [tilespmem:s0+$0xE9E0]  }
0x220: {  	v8 =	vmul.f32 v8, v6;
	v16 =	vld [tilespmem:s0+$0xE9B0];
	v11 =	vmul.f32 v11, v6  }
0x221: {  	v12 =	vmul.f32 v12, v6;
	v17 =	vld [tilespmem:s0+$0xE9A0];
	[tilespmem:s0+$0xEDB0] =	vst v10  }
0x222: {  	v10 =	vld [tilespmem:s0+$0xE990];
	v13 =	vmul.f32 v13, v6;
	[tilespmem:s0+$0xED90] =	vst v11  }
0x223: {  	[tilespmem:s0+$0xE1A0] =	vst v12;
	v11 =	vld [tilespmem:s0+$0xE980];
	v12 =	vmul.f32 v14, v6  }
0x224: {  	v14 =	vld [tilespmem:s0+$0xE5F0];
	v15 =	vmul.f32 v15, v6;
	[tilespmem:s0+$0xED80] =	vst v13  }
0x225: {  	v13 =	vld [tilespmem:s0+$0xE5D0];
	v16 =	vmul.f32 v16, v6;
	[tilespmem:s0+$0xE9F0] =	vst v12  }
0x226: {  	v12 =	vld [tilespmem:s0+$0xE5E0];
	v17 =	vmul.f32 v17, v6;
	[tilespmem:s0+$0xE9E0] =	vst v15  }
0x227: {  	v15 =	vld [tilespmem:s0+$0xE5C0];
	v10 =	vmul.f32 v10, v6;
	[tilespmem:s0+$0xE9B0] =	vst v16  }
0x228: {  	v16 =	vld [tilespmem:s0+$0xE580];
	v11 =	vmul.f32 v11, v6;
	[tilespmem:s0+$0xE9A0] =	vst v17  }
0x229: {  	v17 =	vld [tilespmem:s0+$0xE5B0];
	v14 =	vmul.f32 v14, v6;
	[tilespmem:s0+$0xE990] =	vst v10  }
0x22a: {  	v10 =	vld [tilespmem:s0+$0xE5A0];
	v13 =	vmul.f32 v13, v6;
	[tilespmem:s0+$0xE980] =	vst v11  }
0x22b: {  	v11 =	vld [tilespmem:s0+$0xE590];
	v12 =	vmul.f32 v12, v6;
	[tilespmem:s0+$0xE5F0] =	vst v14  }
0x22c: {  	v14 =	vld [tilespmem:s0+$0xE1F0];
	v15 =	vmul.f32 v15, v6;
	[tilespmem:s0+$0xE5D0] =	vst v13  }
0x22d: {  	v13 =	vmul.f32 v16, v6;
	[tilespmem:s0+$0xE5E0] =	vst v12;
	v12 =	vld [tilespmem:s0+$0xEDE0]  }
0x22e: {  	v16 =	vmul.f32 v17, v6;
	[tilespmem:s0+$0xE5C0] =	vst v15;
	v15 =	vld [tilespmem:s0+$0xEDC0]  }
0x22f: {  	v17 =	vld [tilespmem:s0+$0xE1E0];
	[tilespmem:s0+$0xE580] =	vst v13;
	v10 =	vmul.f32 v10, v6  }
0x230: {  	v13 =	vld [tilespmem:s0+$0xE180];
	v11 =	vmul.f32 v11, v6;
	[tilespmem:s0+$0xE5B0] =	vst v16  }
0x231: {  	v16 =	vld [tilespmem:s0+$0xE190];
	v14 =	vmul.f32 v14, v6;
	[tilespmem:s0+$0xE5A0] =	vst v10  }
0x232: {  	v10 =	vld [tilespmem:s0+$0xE1C0];
	[tilespmem:s0+$0xE590] =	vst v11;
	v11 =	vmul.f32 v12, v6  }
0x233: {  	v7 =	vmul.f32 v7, v6;
	v12 =	vld [tilespmem:s0+$0xE1B0];
	[tilespmem:s0+$0xE1F0] =	vst v14  }
0x234: {  	v14 =	vld [tilespmem:s0+$0xE9C0];
	[tilespmem:s0+$0xEDE0] =	vst v11  }
0x235: {  	v17 =	vmul.f32 v17, v6;
	v11 =	vld [tilespmem:s0+$0xE1D0];
	[tilespmem:s0+$0xE9D0] =	vst v9  }
0x236: {  	v9 =	vmul.f32 v6, v13;
	[tilespmem:s0+$0xEDA0] =	vst v7;
	v7 =	vmul.f32 v15, v6;
	v13 =	vld [tilespmem:s0+$0xEDF0]  }
0x237: {  	[tilespmem:s0+$0xE1E0] =	vst v17  }
0x238: {  	v15 =	vmul.f32 v16, v6;
	v12 =	vmul.f32 v12, v6;
	[tilespmem:s0+$0xEDC0] =	vst v7  }
0x239: {  	v7 =	vmul.f32 v10, v6;
	v10 =	vmul.f32 v14, v6;
	[tilespmem:s0+$0xEDD0] =	vst v8  }
0x23a: {  	[tilespmem:s0+$0xE180] =	vst v9;
	v8 =	vmul.f32 v11, v6  }
0x23b: {  	[tilespmem:s0+$0xE9C0] =	vst v10;
	v6 =	vmul.f32 v13, v6  }
0x23c: {  	s12 =	sand.u32 $0x7000, s12;
	s24 =	sand.u32 $0x380, s28;
	[tilespmem:s0+$0xE1B0] =	vst v12  }
0x23d: {  	s12 =	sor.u32 s24, s12;
	[tilespmem:s0+$0xE1C0] =	vst v7  }
0x23e: {  	v7 =	vld [tilespmem:s12+$0xEDA0];
	[tilespmem:s0+$0xEDF0] =	vst v6  }
0x23f: {  	v10 =	vld [tilespmem:s12+$0xEDB0];
	[tilespmem:s0+$0xE1D0] =	vst v8  }
.Ltmp15:
0x240: {  	v9 =	vld [tilespmem:s12+$0xE9D0];
	[tilespmem:s0+$0xE190] =	vst v15;
	s0 =	smov.u32 s12;
	(pc) =	sbr.rel @p2 .LBB2_24-.Ltmp15, $4  }
0x241: {  	v6 =	vld.msk [tilespmem:s30+$0x0 ss:$0x0], $0xffff  }
0x242: {  	v8 =	vld [tilespmem:s0+$0xEDD0]  }
0x243: {  	v11 =	vld [tilespmem:s0+$0xED90]  }
0x244: {  	v12 =	vld [tilespmem:s0+$0xE1A0]  }
0x245: {  	_ = 	snop  }
0x246: {  	v10 =	vmul.f32 v10, v6  }
0x247: {  	v13 =	vld [tilespmem:s0+$0xED80];
	v9 =	vmul.f32 v9, v6  }
0x248: {  	v14 =	vld [tilespmem:s0+$0xE9F0];
	v7 =	vmul.f32 v7, v6;
	[tilespmem:s0+$0xEDB0] =	vst v10  }
0x249: {  	v15 =	vld [tilespmem:s0+$0xE9E0];
	v8 =	vmul.f32 v8, v6;
	[tilespmem:s0+$0xE9D0] =	vst v9  }
0x24a: {  	v16 =	vld [tilespmem:s0+$0xE9B0];
	v11 =	vmul.f32 v11, v6;
	[tilespmem:s0+$0xEDA0] =	vst v7  }
0x24b: {  	v17 =	vld [tilespmem:s0+$0xE9A0];
	v12 =	vmul.f32 v12, v6;
	[tilespmem:s0+$0xEDD0] =	vst v8  }
0x24c: {  	v36 =	vld [tilespmem:s0+$0xE990];
	v13 =	vmul.f32 v13, v6;
	[tilespmem:s0+$0xED90] =	vst v11  }
0x24d: {  	v37 =	vld [tilespmem:s0+$0xE980];
	v38 =	vmul.f32 v14, v6;
	[tilespmem:s0+$0xE1A0] =	vst v12  }
0x24e: {  	v39 =	vld [tilespmem:s0+$0xE5F0];
	v15 =	vmul.f32 v15, v6;
	[tilespmem:s0+$0xED80] =	vst v13  }
0x24f: {  	v43 =	vld [tilespmem:s0+$0xE580];
	v16 =	vmul.f32 v16, v6;
	[tilespmem:s0+$0xE9F0] =	vst v38  }
0x250: {  	v44 =	vld [tilespmem:s0+$0xE5B0];
	v17 =	vmul.f32 v17, v6;
	[tilespmem:s0+$0xE9E0] =	vst v15  }
0x251: {  	v49 =	vld [tilespmem:s0+$0xEDE0];
	v10 =	vmul.f32 v36, v6;
	[tilespmem:s0+$0xE9B0] =	vst v16  }
0x252: {  	v52 =	vld [tilespmem:s0+$0xEDC0];
	v11 =	vmul.f32 v37, v6;
	[tilespmem:s0+$0xE9A0] =	vst v17  }
0x253: {  	v56 =	vld [tilespmem:s0+$0xE9C0];
	v14 =	vmul.f32 v39, v6;
	[tilespmem:s0+$0xE990] =	vst v10  }
0x254: {  	v57 =	vld [tilespmem:s0+$0xE1B0];
	v48 =	vmul.f32 v43, v6;
	[tilespmem:s0+$0xE980] =	vst v11  }
0x255: {  	v59 =	vld [tilespmem:s0+$0xEDF0];
	v50 =	vmul.f32 v44, v6;
	[tilespmem:s0+$0xE5F0] =	vst v14  }
0x256: {  	v58 =	vld [tilespmem:s0+$0xE1D0];
	v54 =	vmul.f32 v49, v6;
	[tilespmem:s0+$0xE580] =	vst v48  }
0x257: {  	v41 =	vld [tilespmem:s0+$0xE5E0];
	v7 =	vmul.f32 v52, v6;
	[tilespmem:s0+$0xE5B0] =	vst v50  }
0x258: {  	v40 =	vld [tilespmem:s0+$0xE5D0];
	v60 =	vmul.f32 v56, v6;
	[tilespmem:s0+$0xEDE0] =	vst v54  }
0x259: {  	v42 =	vld [tilespmem:s0+$0xE5C0];
	v61 =	vmul.f32 v57, v6;
	[tilespmem:s0+$0xEDC0] =	vst v7  }
0x25a: {  	v45 =	vld [tilespmem:s0+$0xE5A0];
	v62 =	vmul.f32 v59, v6;
	[tilespmem:s0+$0xE9C0] =	vst v60  }
0x25b: {  	v46 =	vld [tilespmem:s0+$0xE590];
	v63 =	vmul.f32 v58, v6;
	[tilespmem:s0+$0xE1B0] =	vst v61  }
0x25c: {  	v47 =	vld [tilespmem:s0+$0xE1F0];
	v12 =	vmul.f32 v41, v6;
	[tilespmem:s0+$0xEDF0] =	vst v62  }
0x25d: {  	v55 =	vld [tilespmem:s0+$0xE180];
	v13 =	vmul.f32 v40, v6;
	[tilespmem:s0+$0xE1D0] =	vst v63  }
0x25e: {  	v51 =	vld [tilespmem:s0+$0xE1E0];
	v15 =	vmul.f32 v42, v6;
	[tilespmem:s0+$0xE5E0] =	vst v12  }
0x25f: {  	v53 =	vld [tilespmem:s0+$0xE1C0];
	v10 =	vmul.f32 v45, v6;
	[tilespmem:s0+$0xE5D0] =	vst v13  }
0x260: {  	v11 =	vmul.f32 v46, v6;
	v7 =	vld [tilespmem:s0+$0xE190];
	[tilespmem:s0+$0xE5C0] =	vst v15  }
0x261: {  	v14 =	vmul.f32 v47, v6;
	[tilespmem:s0+$0xE5A0] =	vst v10  }
0x262: {  	v12 =	vmul.f32 v6, v55;
	[tilespmem:s0+$0xE590] =	vst v11  }
0x263: {  	[tilespmem:s0+$0xE1F0] =	vst v14;
	v13 =	vmul.f32 v51, v6  }
0x264: {  	v10 =	vmul.f32 v53, v6;
	[tilespmem:s0+$0xE180] =	vst v12  }
0x265: {  	[tilespmem:s0+$0xE1E0] =	vst v13;
	v6 =	vmul.f32 v7, v6  }
0x266: {  	[tilespmem:s0+$0xE1C0] =	vst v10  }
0x267: {  	[tilespmem:s0+$0xE190] =	vst v6;
	s0 =	simm.s32 $0xE180  }
.LBB2_26:
0x268: {  	s3 =	sor.u32 s6, s3  }
0x269: {  	s3 =	sshll.u32 s3, $0x6  }
0x26a: {  	s3 =	sadd.s32 s2, s3  }
0x26b: {  	[hbm4b:s3+s5] =	stream.linear.scatter [tilespmem:s0], [sflag:$0x3], $0x8000, $0x38;
	[tilespmem:$0x1E180] =	vst v63  }
0x26c: {  	s0 =	sadd.s32 s17, s31  }
0x26d: {  	p2 =	sge.s32 @!p1 s0, s4  }
0x26e: {  	p1 =	por p1, p2  }
.Ltmp16:
0x26f: {  	_ = 	snop;
	(pc) =	sbr.rel @p1 .LBB2_28-.Ltmp16, $4  }
0x270: {  	_ = 	snop  }
0x271: {  	_ =	swait.ge [sflag:s21], $0x8000  }
0x272: {  	[sflag:s21] =	ssyncset.done $0x0  }
0x273: {  	[sflag:s21] =	ssyncadd.s32 $0xFFFF8000  }
0x274: {  	v6 =	vld [tilespmem:s0+$0x2080];
	_ =	sdelay $0x4  }
0x275: {  	v7 =	vshll.u32 v6, $0x2  }
0x276: {  	v6 =	vand.u32 $0x7, v6;
	v7 =	vand.u32 $0xFFFFFFE0, v7  }
0x277: {  	v6 =	vor.u32 v6, v7  }
0x278: {  	v7 =	vperm.xlane v6, v3;
	_ =	sdelay $0x1  }
0x279: {  	v7 =	vadd.s32 v4, v7;
	_ =	sdelay $0x1  }
0x27a: {  	v6 =	vperm.xlane v6, v5;
	_ =	sdelay $0x1  }
0x27b: {  	s3 =	simm.s32 $0xE180;
	v6 =	vadd.s32 v4, v6  }
0x27c: {  	[tilespmem:s3], [sflag:$0x2] =	stream.indirect_vreg.gather [hbm4b:s1+s5], $0x80, v7, vm1, $0xb8;
	[tilespmem:$0x1E180] =	vst v63  }
0x27d: {  	s28 =	simm.s32 $0xE980  }
0x27e: {  	[tilespmem:s28], [sflag:$0x2] =	stream.indirect_vreg.gather [hbm4b:s14+s5], $0x80, v7, vm1, $0xb8;
	[tilespmem:$0x1E180] =	vst v63  }
0x27f: {  	s29 =	simm.s32 $0xF180  }
0x280: {  	[tilespmem:s29], [sflag:$0x2] =	stream.indirect_vreg.gather [hbm4b:s1+s5], $0x80, v6, vm1, $0xb8;
	[tilespmem:$0x1E180] =	vst v63  }
0x281: {  	s30 =	simm.s32 $0xF980  }
0x282: {  	[tilespmem:s30], [sflag:$0x2] =	stream.indirect_vreg.gather [hbm4b:s14+s5], $0x80, v6, vm1, $0xb8;
	[tilespmem:$0x1E180] =	vst v63  }
0x283: {  	v6 =	vld [tilespmem:s0+$0x2090];
	_ =	sdelay $0x4  }
0x284: {  	v7 =	vshll.u32 v6, $0x2  }
0x285: {  	v6 =	vand.u32 $0x7, v6;
	v7 =	vand.u32 $0xFFFFFFE0, v7  }
0x286: {  	v6 =	vor.u32 v6, v7  }
0x287: {  	v7 =	vperm.xlane v6, v3;
	_ =	sdelay $0x1  }
0x288: {  	v7 =	vadd.s32 v4, v7;
	_ =	sdelay $0x1  }
0x289: {  	v6 =	vperm.xlane v6, v5;
	_ =	sdelay $0x1  }
0x28a: {  	s31 =	simm.s32 $0x10180;
	v6 =	vadd.s32 v4, v6  }
0x28b: {  	[tilespmem:s31], [sflag:$0x2] =	stream.indirect_vreg.gather [hbm4b:s1+s5], $0x80, v7, vm1, $0xb8;
	[tilespmem:$0x1E180] =	vst v63  }
0x28c: {  	s12 =	simm.s32 $0x10980  }
0x28d: {  	[tilespmem:s12], [sflag:$0x2] =	stream.indirect_vreg.gather [hbm4b:s14+s5], $0x80, v7, vm1, $0xb8;
	[tilespmem:$0x1E180] =	vst v63  }
0x28e: {  	s24 =	simm.s32 $0x11180  }
0x28f: {  	[tilespmem:s24], [sflag:$0x2] =	stream.indirect_vreg.gather [hbm4b:s1+s5], $0x80, v6, vm1, $0xb8;
	[tilespmem:$0x1E180] =	vst v63  }
0x290: {  	s28 =	simm.s32 $0x11980  }
0x291: {  	[tilespmem:s28], [sflag:$0x2] =	stream.indirect_vreg.gather [hbm4b:s14+s5], $0x80, v6, vm1, $0xb8;
	[tilespmem:$0x1E180] =	vst v63  }
0x292: {  	v6 =	vld [tilespmem:s0+$0x20A0];
	_ =	sdelay $0x4  }
0x293: {  	v7 =	vshll.u32 v6, $0x2  }
0x294: {  	v6 =	vand.u32 $0x7, v6;
	v7 =	vand.u32 $0xFFFFFFE0, v7  }
0x295: {  	v6 =	vor.u32 v6, v7  }
0x296: {  	v7 =	vperm.xlane v6, v3;
	_ =	sdelay $0x1  }
0x297: {  	v7 =	vadd.s32 v4, v7;
	_ =	sdelay $0x1  }
0x298: {  	v6 =	vperm.xlane v6, v5;
	_ =	sdelay $0x1  }
0x299: {  	s29 =	simm.s32 $0x12180;
	v6 =	vadd.s32 v4, v6  }
0x29a: {  	[tilespmem:s29], [sflag:$0x2] =	stream.indirect_vreg.gather [hbm4b:s1+s5], $0x80, v7, vm1, $0xb8;
	[tilespmem:$0x1E180] =	vst v63  }
0x29b: {  	s30 =	simm.s32 $0x12980  }
0x29c: {  	[tilespmem:s30], [sflag:$0x2] =	stream.indirect_vreg.gather [hbm4b:s14+s5], $0x80, v7, vm1, $0xb8;
	[tilespmem:$0x1E180] =	vst v63  }
0x29d: {  	s31 =	simm.s32 $0x13180  }
0x29e: {  	[tilespmem:s31], [sflag:$0x2] =	stream.indirect_vreg.gather [hbm4b:s1+s5], $0x80, v6, vm1, $0xb8;
	[tilespmem:$0x1E180] =	vst v63  }
0x29f: {  	_ = 	snop  }
0x2a0: {  	[tilespmem:s8], [sflag:$0x2] =	stream.indirect_vreg.gather [hbm4b:s14+s5], $0x80, v6, vm1, $0xb8;
	[tilespmem:$0x1E180] =	vst v63  }
0x2a1: {  	v6 =	vld [tilespmem:s0+$0x20B0];
	_ =	sdelay $0x4  }
0x2a2: {  	v7 =	vshll.u32 v6, $0x2  }
0x2a3: {  	v6 =	vand.u32 $0x7, v6;
	v7 =	vand.u32 $0xFFFFFFE0, v7  }
0x2a4: {  	v6 =	vor.u32 v6, v7  }
0x2a5: {  	v7 =	vperm.xlane v6, v3;
	_ =	sdelay $0x1  }
0x2a6: {  	v7 =	vadd.s32 v4, v7;
	_ =	sdelay $0x2  }
0x2a7: {  	v6 =	vperm.xlane v6, v5;
	_ =	sdelay $0x1  }
0x2a8: {  	v6 =	vadd.s32 v4, v6;
	[tilespmem:s9], [sflag:$0x2] =	stream.indirect_vreg.gather [hbm4b:s1+s5], $0x80, v7, vm1, $0xb8;
	[tilespmem:$0x1E180] =	vst v63  }
0x2a9: {  	_ = 	snop  }
0x2aa: {  	[tilespmem:s10], [sflag:$0x2] =	stream.indirect_vreg.gather [hbm4b:s14+s5], $0x80, v7, vm1, $0xb8;
	[tilespmem:$0x1E180] =	vst v63  }
.Ltmp17:
0x2ab: {  	_ = 	snop;
	(pc) =	sbr.rel .LBB2_28-.Ltmp17, $4  }
0x2ac: {  	_ = 	snop  }
0x2ad: {  	[tilespmem:s18], [sflag:$0x2] =	stream.indirect_vreg.gather [hbm4b:s1+s5], $0x80, v6, vm1, $0xb8;
	[tilespmem:$0x1E180] =	vst v63  }
0x2ae: {  	_ = 	snop  }
0x2af: {  	[tilespmem:s19], [sflag:$0x2] =	stream.indirect_vreg.gather [hbm4b:s14+s5], $0x80, v6, vm1, $0xb8;
	[tilespmem:$0x1E180] =	vst v63  }
.LBB2_30:
0x2b0: {  	_ =	sfence.sel $0x180000  }
0x2b1: {  	[bflag:$0x0] =	sbarrier.arrive $0xFFFF  }
0x2b2: {  	_ =	strace $0x90000047  }
0x2b3: {  	s0 =	stileid.u32;
	[bflag:$0x2] =	sbarrier.arrive $0xFFFF  }
0x2b4: {  	p0 =	sne.s32 s0, $0x0;
	s0 =	rddreg [dreg:$0x6]  }
0x2b5: {  	s0 =	sadd.s32 @!p0 $0x100000, s0  }
0x2b6: {  	[sflag:s0] =	ssyncadd.tile.s32 @!p0 $0x1;
	_ =	shalt  }
.Lfunc_end2:
_tile_overlayer_lowered:
.L_overlay_start_2:
0x2b7: {  	(tag) =	ssettag $0x2  }
0x2b8: {  	s0 =	rddreg [dreg:$0x0];
	s2 =	stileid.u32  }
0x2b9: {  	s1 =	rddreg [dreg:$0x1];
	p0 =	sne.s32 s2, $0x0  }
0x2ba: {  	s3 =	rddreg [dreg:$0x2];
	[bflag:$0x3] =	sbarrier.arrive $0xFFFF;
	s2 =	simm.s32 @!p0 $0x1C03  }
0x2bb: {  	[timem:s3], [sflag:s2] =	dma.local @!p0 [hbm:s0], s1  }
0x2bc: {  	s0 =	simm.s32 @!p0 $0x3  }
0x2bd: {  	_ =	swait.ge @!p0 [sflag:s0], s1  }
0x2be: {  	s1 =	ssub.s32 @!p0 $0x0, s1;
	[sflag:s0] =	ssyncset.done @!p0 $0x0  }
0x2bf: {  	[sflag:s0] =	ssyncadd.s32 @!p0 s1  }
0x2c0: {  	[bflag:$0x3] =	sbarrier.arrive $0xFFFF  }
0x2c1: {  	_ =	shalt  }

</sc_bundles>
